<compile_context>
chip_gen: v7x
topology: tpu7x:2x2x1
jax: 0.10.2.dev20260603
libtpu: 0.0.44.dev20260713+nightly
codegen_flags: <defaults>
</compile_context>

<pallas_src>
import jax
import jax.numpy as jnp
from jax import lax
from jax.experimental import pallas as pl
from jax.experimental.pallas import tpu as pltpu
from jax.experimental.pallas import tpu_sc as plsc

_BUFF = 10
_B, _N, _H, _W = 16, 512, 512, 512
_NC, _NS, _L = 2, 16, 16
_NW = _NC * _NS
_PT = (_B * _N) // _NW
_STEPS = _PT // _L
_ROWS = _PT * 4
_IMG = _H * _W


def _integral_body(gt_ref, ps_ref, pts_ref, e_ref, pxy_ref):
    m = (gt_ref[0, 0] == ps_ref[0]).astype(jnp.float32)
    row = lax.broadcasted_iota(jnp.int32, (_H, _H), 0)
    col = lax.broadcasted_iota(jnp.int32, (_H, _H), 1)
    ls = (row > col).astype(jnp.float32)
    us = (row < col).astype(jnp.float32)
    a = jnp.dot(ls, m, preferred_element_type=jnp.float32)
    e = jnp.dot(a, us, preferred_element_type=jnp.float32)
    e_ref[...] = e.reshape(_IMG)
    eye = (row == col).astype(jnp.float32)
    pts_t = lax.dot_general(pts_ref[0], eye, (((0,), (0,)), ((), ())),
                            precision=lax.Precision.HIGHEST,
                            preferred_element_type=jnp.float32)
    pxy_ref[...] = pts_t.reshape(2 * _N)


def _integral_images(gt_segment, ps_segments, points):
    return pl.pallas_call(
        _integral_body,
        grid=(_B,),
        in_specs=[
            pl.BlockSpec((1, 1, _H, _W), lambda b: (b, 0, 0, 0)),
            pl.BlockSpec((1, _H, _W), lambda b: (b, 0, 0)),
            pl.BlockSpec((1, _N, 2), lambda b: (b, 0, 0)),
        ],
        out_specs=[
            pl.BlockSpec((_IMG,), lambda b: (b,)),
            pl.BlockSpec((2 * _N,), lambda b: (b,)),
        ],
        out_shape=[
            jax.ShapeDtypeStruct((_B * _IMG,), jnp.float32),
            jax.ShapeDtypeStruct((_B * 2 * _N,), jnp.float32),
        ],
    )(gt_segment, ps_segments, points)


def _sc_body(pxy_h, tab_h, sgt_h,
             xy_v, idx_v, den_v, vals_v, sgt_v, sem):
    wid = lax.axis_index("s") * _NC + lax.axis_index("c")
    base = wid * _PT

    b = lax.shift_right_logical(wid, 1)
    xoff = b * (2 * _N) + jnp.bitwise_and(wid, 1) * _PT
    pltpu.sync_copy(pxy_h.at[pl.ds(xoff, _PT)], xy_v.at[pl.ds(0, _PT)])
    pltpu.sync_copy(pxy_h.at[pl.ds(xoff + _N, _PT)], xy_v.at[pl.ds(_PT, _PT)])

    copies = []
    for i in range(_STEPS):
        x = xy_v[pl.ds(i * _L, _L)]
        y = xy_v[pl.ds(_PT + i * _L, _L)]
        px = ((x + 1.0) * (0.5 * _W)).astype(jnp.int32)
        py = ((y + 1.0) * (0.5 * _H)).astype(jnp.int32)
        tx = jnp.clip(px - _BUFF, 0, _W - 1)
        bx = jnp.clip(px + _BUFF, 0, _W - 1)
        ty = jnp.clip(py - _BUFF, 0, _H - 1)
        by = jnp.clip(py + _BUFF, 0, _H - 1)
        den_v[pl.ds(i * _L, _L)] = ((bx - tx) * (by - ty)).astype(jnp.float32)
        fb = b * _IMG
        yb = by * _W
        yt = ty * _W
        for c, f in enumerate((fb + yb + bx, fb + yt + bx,
                               fb + yb + tx, fb + yt + tx)):
            idx_v[pl.ds(c * _PT + i * _L, _L)] = f
        if i == _STEPS // 2 - 1:
            copies += [
                pltpu.async_copy(tab_h.at[idx_v.at[pl.ds(c * _PT, 128)]],
                                 vals_v.at[pl.ds(c * _PT, 128)], sem)
                for c in range(4)
            ]
    copies += [
        pltpu.async_copy(tab_h.at[idx_v.at[pl.ds(c * _PT + 128, 128)]],
                         vals_v.at[pl.ds(c * _PT + 128, 128)], sem)
        for c in range(4)
    ]
    for c in copies:
        c.wait()

    for i in range(_STEPS):
        v = [vals_v[pl.ds(c * _PT + i * _L, _L)] for c in range(4)]
        cnt = v[0] - v[1] - v[2] + v[3]
        s = jnp.clip(cnt / den_v[pl.ds(i * _L, _L)], 0.0, 1.0)
        sgt_v[pl.ds(i * _L, _L)] = s

    pltpu.sync_copy(sgt_v, sgt_h.at[wid])


def _sc_scores_gt(pxy, table):
    mesh = plsc.VectorSubcoreMesh(core_axis_name="c", subcore_axis_name="s")
    run = pl.kernel(
        _sc_body,
        out_type=jax.ShapeDtypeStruct((_NW, _PT), jnp.float32),
        mesh=mesh,
        scratch_types=[
            pltpu.VMEM((_PT * 2,), jnp.float32),
            pltpu.VMEM((_ROWS,), jnp.int32),
            pltpu.VMEM((_PT,), jnp.float32),
            pltpu.VMEM((_ROWS,), jnp.float32),
            pltpu.VMEM((_PT,), jnp.float32),
            pltpu.SemaphoreType.DMA,
        ],
    )
    return run(pxy, table)


def _loss_body(s_ref, g_ref, out_ref):
    s = s_ref[...]
    g = g_ref[...].reshape(_B, 2, _N // 2)
    d0 = g[:, 0, :] - s[:, : _N // 2]
    d1 = g[:, 1, :] - s[:, _N // 2:]
    out_ref[0, 0] = (jnp.sum(d0 * d0) + jnp.sum(d1 * d1)) * (1.0 / (_B * _N))


def _loss(scores, scores_gt32):
    out = pl.pallas_call(
        _loss_body,
        out_specs=pl.BlockSpec(memory_space=pltpu.SMEM),
        out_shape=jax.ShapeDtypeStruct((1, 1), jnp.float32),
    )(scores, scores_gt32)
    return out[0, 0]


def kernel(scores, points, gt_segment, ps_segments):
    table, pxy = _integral_images(gt_segment, ps_segments, points)
    sgt32 = _sc_scores_gt(pxy, table)
    return (_loss(scores, sgt32), sgt32.reshape(_B, _N))

# --- scband reference (transcript-rebuilt; emitter-appended) ---
"""Pipeline reference for scband-score-loss-53017076302569 (READ-ONLY COPY).

The authoritative reference and input builder live on the scoring server;
editing this copy changes nothing except your own understanding.
"""

import jax, jax.numpy as jnp
import numpy as np

BUFF_SIZE = 10

def setup_inputs(seed: int = 0) -> dict:
    key = jax.random.key(seed)
    k1, k2, k3, k4 = jax.random.split(key, 4)
    B, N, H, W = 16, 512, 512, 512
    scores = jax.random.uniform(k1, (B, N), dtype=jnp.float32)
    # points in [-1, 1] as in the original module (normalized coords)
    points = jax.random.uniform(k2, (B, N, 2), minval=-1.0, maxval=1.0, dtype=jnp.float32)
    gt_segment = jax.random.randint(k3, (B, 1, H, W), 0, 21).astype(jnp.int32)
    ps_segments = jax.random.randint(k4, (B, H, W), 0, 21).astype(jnp.int32)
    return {"scores": scores, "points": points, "gt_segment": gt_segment, "ps_segments": ps_segments}

def _compute_scores_gt(points, gt_segment, ps_segments, buff_size):
    gt = gt_segment[:, 0]
    B, H, W = gt.shape
    N = points.shape[1]
    p = (points + 1.0) / 2.0
    px = (p[:, :, 0] * W).astype(jnp.int32)
    py = (p[:, :, 1] * H).astype(jnp.int32)
    tx = jnp.clip(px - buff_size, 0, W - 1)
    ty = jnp.clip(py - buff_size, 0, H - 1)
    bx = jnp.clip(px + buff_size, 0, W - 1)
    by = jnp.clip(py + buff_size, 0, H - 1)
    win = 2 * buff_size
    offs = jnp.arange(win, dtype=jnp.int32)
    yy = ty[:, :, None] + offs
    xx = tx[:, :, None] + offs
    ymask = yy < by[:, :, None]
    xmask = xx < bx[:, :, None]
    yc = jnp.clip(yy, 0, H - 1)
    xc = jnp.clip(xx, 0, W - 1)
    bidx = jnp.arange(B, dtype=jnp.int32)[:, None, None, None]
    buff_gt = gt[bidx, yc[:, :, :, None], xc[:, :, None, :]]
    buff_ps = ps_segments[bidx, yc[:, :, :, None], xc[:, :, None, :]]
    mask = ymask[:, :, :, None] & xmask[:, :, None, :]
    match = jnp.sum((buff_gt == buff_ps) & mask, axis=(-2, -1))
    denom = (tx - bx) * (ty - by)
    s = match.astype(jnp.float32) / denom.astype(jnp.float32)
    out = jnp.abs(s)
    return jnp.clip(out, 0.0, 1.0)

def reference(scores, points, gt_segment, ps_segments):
    scores_gt = _compute_scores_gt(points, gt_segment, ps_segments, BUFF_SIZE)
    loss = jnp.mean((scores - scores_gt) ** 2)
    return (loss, scores_gt)

if __name__ == "__main__":
    import jax
    _d = setup_inputs()
    print(jax.jit(kernel)(*tuple(_d.values())))

</pallas_src>

<mosaic_0001>
#map = affine_map<(d0, d1) -> (0)>
#map1 = affine_map<(d0, d1) -> (0, 0)>
module attributes {stable_mosaic.version = 14 : i64} {
  func.func @_sc_body(%arg0: i32, %arg1: i32, %arg2: memref<16384xf32, #tpu.memory_space<hbm>>, %arg3: memref<4194304xf32, #tpu.memory_space<hbm>>, %arg4: memref<32x256xf32, #tpu.memory_space<hbm>>, %arg5: memref<512xf32, #tpu.memory_space<vmem>>, %arg6: memref<1024xi32, #tpu.memory_space<vmem>>, %arg7: memref<256xf32, #tpu.memory_space<vmem>>, %arg8: memref<1024xf32, #tpu.memory_space<vmem>>, %arg9: memref<256xf32, #tpu.memory_space<vmem>>, %arg10: memref<!tpu.dma_semaphore, #tpu.memory_space<semaphore_mem>>) attributes {dimension_semantics = [#tpu.dimension_semantics<core_parallel>, #tpu.dimension_semantics<subcore_parallel>], iteration_bounds = array<i64: 2, 16>, scalar_prefetch = 0 : i64, scratch_operands = 6 : i64, tpu.core_type = #tpu.core_type<sc_vector_subcore>, window_params = [{transform_indices = #map}, {transform_indices = #map}, {transform_indices = #map1}]} {
    %mul3A = arith.constant 2 : i32
    %mul3A_0 = arith.muli %arg1, %mul3A : i32
    %add3A = arith.addi %mul3A_0, %arg0 : i32
    %mul3A_1 = arith.constant 256 : i32
    %mul3A_2 = arith.muli %add3A, %mul3A_1 : i32
    %shift_right_logical3A = arith.constant 1 : i32
    %shift_right_logical3A_3 = arith.shrui %add3A, %shift_right_logical3A : i32
    %mul3A_4 = arith.constant 1024 : i32
    %mul3A_5 = arith.muli %shift_right_logical3A_3, %mul3A_4 : i32
    %and3A = arith.constant 1 : i32
    %and3A_6 = arith.andi %add3A, %and3A : i32
    %mul3A_7 = arith.constant 256 : i32
    %mul3A_8 = arith.muli %and3A_6, %mul3A_7 : i32
    %add3A_9 = arith.addi %mul3A_5, %mul3A_8 : i32
    "tpu.region"() ({
      %run_scoped3A = tpu.sem_alloc : memref<!tpu.dma_semaphore, #tpu.memory_space<semaphore_mem>>
      %dma_start3A_2162 = arith.constant 0 : i32
      %dma_start3A_2163 = tpu.memref_slice %arg5[%dma_start3A_2162] : memref<512xf32, #tpu.memory_space<vmem>> -> memref<256xf32, #tpu.memory_space<vmem>>
      %dma_start3A_2164 = tpu.memref_slice %arg2[%add3A_9] : memref<16384xf32, #tpu.memory_space<hbm>> -> memref<256xf32, #tpu.memory_space<hbm>>
      %dma_start3A_2165 = arith.constant 0 : i32
      %dma_start3A_2166 = tpu.memref_slice %arg5[%dma_start3A_2165] : memref<512xf32, #tpu.memory_space<vmem>> -> memref<256xf32, #tpu.memory_space<vmem>>
      %dma_start3A_2167 = tpu.memref_slice %arg2[%add3A_9] : memref<16384xf32, #tpu.memory_space<hbm>> -> memref<256xf32, #tpu.memory_space<hbm>>
      tpu.enqueue_dma source(%dma_start3A_2167 : memref<256xf32, #tpu.memory_space<hbm>>) target(%dma_start3A_2166 : memref<256xf32, #tpu.memory_space<vmem>>) target_semaphore(%run_scoped3A : memref<!tpu.dma_semaphore, #tpu.memory_space<semaphore_mem>>)
      %dma_wait3A_2168 = arith.constant 0 : i32
      %dma_wait3A_2169 = tpu.memref_slice %arg5[%dma_wait3A_2168] : memref<512xf32, #tpu.memory_space<vmem>> -> memref<256xf32, #tpu.memory_space<vmem>>
      %dma_wait3A_2170 = tpu.memref_slice %arg2[%add3A_9] : memref<16384xf32, #tpu.memory_space<hbm>> -> memref<256xf32, #tpu.memory_space<hbm>>
      %dma_wait3A_2171 = arith.constant 0 : i32
      %dma_wait3A_2172 = tpu.memref_slice %arg5[%dma_wait3A_2171] : memref<512xf32, #tpu.memory_space<vmem>> -> memref<256xf32, #tpu.memory_space<vmem>>
      %dma_wait3A_2173 = tpu.memref_slice %arg2[%add3A_9] : memref<16384xf32, #tpu.memory_space<hbm>> -> memref<256xf32, #tpu.memory_space<hbm>>
      tpu.wait_dma2 semaphore(%run_scoped3A : memref<!tpu.dma_semaphore, #tpu.memory_space<semaphore_mem>>) src(%dma_wait3A_2173 : memref<256xf32, #tpu.memory_space<hbm>>) dst(%dma_wait3A_2172 : memref<256xf32, #tpu.memory_space<vmem>>)
      tpu.yield
    }) : () -> ()
    %add3A_10 = arith.constant 512 : i32
    %add3A_11 = arith.addi %add3A_9, %add3A_10 : i32
    "tpu.region"() ({
      %run_scoped3A = tpu.sem_alloc : memref<!tpu.dma_semaphore, #tpu.memory_space<semaphore_mem>>
      %dma_start3A_2162 = arith.constant 256 : i32
      %dma_start3A_2163 = tpu.memref_slice %arg5[%dma_start3A_2162] : memref<512xf32, #tpu.memory_space<vmem>> -> memref<256xf32, #tpu.memory_space<vmem>>
      %dma_start3A_2164 = tpu.memref_slice %arg2[%add3A_11] : memref<16384xf32, #tpu.memory_space<hbm>> -> memref<256xf32, #tpu.memory_space<hbm>>
      %dma_start3A_2165 = arith.constant 256 : i32
      %dma_start3A_2166 = tpu.memref_slice %arg5[%dma_start3A_2165] : memref<512xf32, #tpu.memory_space<vmem>> -> memref<256xf32, #tpu.memory_space<vmem>>
      %dma_start3A_2167 = tpu.memref_slice %arg2[%add3A_11] : memref<16384xf32, #tpu.memory_space<hbm>> -> memref<256xf32, #tpu.memory_space<hbm>>
      tpu.enqueue_dma source(%dma_start3A_2167 : memref<256xf32, #tpu.memory_space<hbm>>) target(%dma_start3A_2166 : memref<256xf32, #tpu.memory_space<vmem>>) target_semaphore(%run_scoped3A : memref<!tpu.dma_semaphore, #tpu.memory_space<semaphore_mem>>)
      %dma_wait3A_2168 = arith.constant 256 : i32
      %dma_wait3A_2169 = tpu.memref_slice %arg5[%dma_wait3A_2168] : memref<512xf32, #tpu.memory_space<vmem>> -> memref<256xf32, #tpu.memory_space<vmem>>
      %dma_wait3A_2170 = tpu.memref_slice %arg2[%add3A_11] : memref<16384xf32, #tpu.memory_space<hbm>> -> memref<256xf32, #tpu.memory_space<hbm>>
      %dma_wait3A_2171 = arith.constant 256 : i32
      %dma_wait3A_2172 = tpu.memref_slice %arg5[%dma_wait3A_2171] : memref<512xf32, #tpu.memory_space<vmem>> -> memref<256xf32, #tpu.memory_space<vmem>>
      %dma_wait3A_2173 = tpu.memref_slice %arg2[%add3A_11] : memref<16384xf32, #tpu.memory_space<hbm>> -> memref<256xf32, #tpu.memory_space<hbm>>
      tpu.wait_dma2 semaphore(%run_scoped3A : memref<!tpu.dma_semaphore, #tpu.memory_space<semaphore_mem>>) src(%dma_wait3A_2173 : memref<256xf32, #tpu.memory_space<hbm>>) dst(%dma_wait3A_2172 : memref<256xf32, #tpu.memory_space<vmem>>)
      tpu.yield
    }) : () -> ()
    %get3A = arith.constant 0 : index
    %get3A_12 = tpu.vector_load %arg5[%get3A] {strides = array<i32>} : memref<512xf32, #tpu.memory_space<vmem>>, vector<16xf32>,
    %get3A_13 = vector.shape_cast %get3A_12 : vector<16xf32> to vector<16xf32>
    %get3A_14 = arith.constant 256 : index
    %get3A_15 = tpu.vector_load %arg5[%get3A_14] {strides = array<i32>} : memref<512xf32, #tpu.memory_space<vmem>>, vector<16xf32>,
    %get3A_16 = vector.shape_cast %get3A_15 : vector<16xf32> to vector<16xf32>
    %add3A_17 = arith.constant 1.000000e+00 : f32
    %add3A_18 = vector.broadcast %add3A_17 : f32 to vector<16xf32>
    %add3A_19 = arith.addf %get3A_13, %add3A_18 : vector<16xf32>
    %mul3A_20 = arith.constant 2.560000e+02 : f32
    %mul3A_21 = vector.broadcast %mul3A_20 : f32 to vector<16xf32>
    %mul3A_22 = arith.mulf %add3A_19, %mul3A_21 : vector<16xf32>
    %convert_element_type3A = arith.fptosi %mul3A_22 : vector<16xf32> to vector<16xi32>
    %add3A_23 = arith.constant 1.000000e+00 : f32
    %add3A_24 = vector.broadcast %add3A_23 : f32 to vector<16xf32>
    %add3A_25 = arith.addf %get3A_16, %add3A_24 : vector<16xf32>
    %mul3A_26 = arith.constant 2.560000e+02 : f32
    %mul3A_27 = vector.broadcast %mul3A_26 : f32 to vector<16xf32>
    %mul3A_28 = arith.mulf %add3A_25, %mul3A_27 : vector<16xf32>
    %convert_element_type3A_29 = arith.fptosi %mul3A_28 : vector<16xf32> to vector<16xi32>
    %sub3A = arith.constant 10 : i32
    %sub3A_30 = vector.broadcast %sub3A : i32 to vector<16xi32>
    %sub3A_31 = arith.subi %convert_element_type3A, %sub3A_30 : vector<16xi32>
    %jit3A = arith.constant 0 : i32
    %jit3A_32 = arith.constant 511 : i32
    %max3A = vector.broadcast %jit3A : i32 to vector<16xi32>
    %max3A_33 = arith.maxsi %max3A, %sub3A_31 : vector<16xi32>
    %min3A = vector.broadcast %jit3A_32 : i32 to vector<16xi32>
    %min3A_34 = arith.minsi %min3A, %max3A_33 : vector<16xi32>
    %add3A_35 = arith.constant 10 : i32
    %add3A_36 = vector.broadcast %add3A_35 : i32 to vector<16xi32>
    %add3A_37 = arith.addi %convert_element_type3A, %add3A_36 : vector<16xi32>
    %jit3A_38 = arith.constant 0 : i32
    %jit3A_39 = arith.constant 511 : i32
    %max3A_40 = vector.broadcast %jit3A_38 : i32 to vector<16xi32>
    %max3A_41 = arith.maxsi %max3A_40, %add3A_37 : vector<16xi32>
    %min3A_42 = vector.broadcast %jit3A_39 : i32 to vector<16xi32>
    %min3A_43 = arith.minsi %min3A_42, %max3A_41 : vector<16xi32>
    %sub3A_44 = arith.constant 10 : i32
    %sub3A_45 = vector.broadcast %sub3A_44 : i32 to vector<16xi32>
    %sub3A_46 = arith.subi %convert_element_type3A_29, %sub3A_45 : vector<16xi32>
    %jit3A_47 = arith.constant 0 : i32
    %jit3A_48 = arith.constant 511 : i32
    %max3A_49 = vector.broadcast %jit3A_47 : i32 to vector<16xi32>
    %max3A_50 = arith.maxsi %max3A_49, %sub3A_46 : vector<16xi32>
    %min3A_51 = vector.broadcast %jit3A_48 : i32 to vector<16xi32>
    %min3A_52 = arith.minsi %min3A_51, %max3A_50 : vector<16xi32>
    %add3A_53 = arith.constant 10 : i32
    %add3A_54 = vector.broadcast %add3A_53 : i32 to vector<16xi32>
    %add3A_55 = arith.addi %convert_element_type3A_29, %add3A_54 : vector<16xi32>
    %jit3A_56 = arith.constant 0 : i32
    %jit3A_57 = arith.constant 511 : i32
    %max3A_58 = vector.broadcast %jit3A_56 : i32 to vector<16xi32>
    %max3A_59 = arith.maxsi %max3A_58, %add3A_55 : vector<16xi32>
    %min3A_60 = vector.broadcast %jit3A_57 : i32 to vector<16xi32>
    %min3A_61 = arith.minsi %min3A_60, %max3A_59 : vector<16xi32>
    %sub3A_62 = arith.subi %min3A_43, %min3A_34 : vector<16xi32>
    %sub3A_63 = arith.subi %min3A_61, %min3A_52 : vector<16xi32>
    %mul3A_64 = arith.muli %sub3A_62, %sub3A_63 : vector<16xi32>
    %convert_element_type3A_65 = arith.sitofp %mul3A_64 : vector<16xi32> to vector<16xf32>
    %swap3A = arith.constant 0 : index
    %swap3A_66 = tpu.vector_load %arg7[%swap3A] {strides = array<i32>} : memref<256xf32, #tpu.memory_space<vmem>>, vector<16xf32>,
    %swap3A_67 = vector.shape_cast %swap3A_66 : vector<16xf32> to vector<16xf32>
    %swap3A_68 = vector.shape_cast %convert_element_type3A_65 : vector<16xf32> to vector<16xf32>
    tpu.vector_store %arg7[%swap3A], %swap3A_68 {strides = array<i32>} : memref<256xf32, #tpu.memory_space<vmem>>, vector<16xf32>,
    %mul3A_69 = arith.constant 262144 : i32
    %mul3A_70 = arith.muli %shift_right_logical3A_3, %mul3A_69 : i32
    %mul3A_71 = arith.constant 512 : i32
    %mul3A_72 = vector.broadcast %mul3A_71 : i32 to vector<16xi32>
    %mul3A_73 = arith.muli %min3A_61, %mul3A_72 : vector<16xi32>
    %mul3A_74 = arith.constant 512 : i32
    %mul3A_75 = vector.broadcast %mul3A_74 : i32 to vector<16xi32>
    %mul3A_76 = arith.muli %min3A_52, %mul3A_75 : vector<16xi32>
    %add3A_77 = vector.broadcast %mul3A_70 : i32 to vector<16xi32>
    %add3A_78 = arith.addi %add3A_77, %mul3A_73 : vector<16xi32>
    %add3A_79 = arith.addi %add3A_78, %min3A_43 : vector<16xi32>
    %add3A_80 = vector.broadcast %mul3A_70 : i32 to vector<16xi32>
    %add3A_81 = arith.addi %add3A_80, %mul3A_76 : vector<16xi32>
    %add3A_82 = arith.addi %add3A_81, %min3A_43 : vector<16xi32>
    %add3A_83 = vector.broadcast %mul3A_70 : i32 to vector<16xi32>
    %add3A_84 = arith.addi %add3A_83, %mul3A_73 : vector<16xi32>
    %add3A_85 = arith.addi %add3A_84, %min3A_34 : vector<16xi32>
    %add3A_86 = vector.broadcast %mul3A_70 : i32 to vector<16xi32>
    %add3A_87 = arith.addi %add3A_86, %mul3A_76 : vector<16xi32>
    %add3A_88 = arith.addi %add3A_87, %min3A_34 : vector<16xi32>
    %swap3A_89 = arith.constant 0 : index
    %swap3A_90 = tpu.vector_load %arg6[%swap3A_89] {strides = array<i32>} : memref<1024xi32, #tpu.memory_space<vmem>>, vector<16xi32>,
    %swap3A_91 = vector.shape_cast %swap3A_90 : vector<16xi32> to vector<16xi32>
    %swap3A_92 = vector.shape_cast %add3A_79 : vector<16xi32> to vector<16xi32>
    tpu.vector_store %arg6[%swap3A_89], %swap3A_92 {strides = array<i32>} : memref<1024xi32, #tpu.memory_space<vmem>>, vector<16xi32>,
    %swap3A_93 = arith.constant 256 : index
    %swap3A_94 = tpu.vector_load %arg6[%swap3A_93] {strides = array<i32>} : memref<1024xi32, #tpu.memory_space<vmem>>, vector<16xi32>,
    %swap3A_95 = vector.shape_cast %swap3A_94 : vector<16xi32> to vector<16xi32>
    %swap3A_96 = vector.shape_cast %add3A_82 : vector<16xi32> to vector<16xi32>
    tpu.vector_store %arg6[%swap3A_93], %swap3A_96 {strides = array<i32>} : memref<1024xi32, #tpu.memory_space<vmem>>, vector<16xi32>,
    %swap3A_97 = arith.constant 512 : index
    %swap3A_98 = tpu.vector_load %arg6[%swap3A_97] {strides = array<i32>} : memref<1024xi32, #tpu.memory_space<vmem>>, vector<16xi32>,
    %swap3A_99 = vector.shape_cast %swap3A_98 : vector<16xi32> to vector<16xi32>
    %swap3A_100 = vector.shape_cast %add3A_85 : vector<16xi32> to vector<16xi32>
    tpu.vector_store %arg6[%swap3A_97], %swap3A_100 {strides = array<i32>} : memref<1024xi32, #tpu.memory_space<vmem>>, vector<16xi32>,
    %swap3A_101 = arith.constant 768 : index
    %swap3A_102 = tpu.vector_load %arg6[%swap3A_101] {strides = array<i32>} : memref<1024xi32, #tpu.memory_space<vmem>>, vector<16xi32>,
    %swap3A_103 = vector.shape_cast %swap3A_102 : vector<16xi32> to vector<16xi32>
    %swap3A_104 = vector.shape_cast %add3A_88 : vector<16xi32> to vector<16xi32>
    tpu.vector_store %arg6[%swap3A_101], %swap3A_104 {strides = array<i32>} : memref<1024xi32, #tpu.memory_space<vmem>>, vector<16xi32>,
    %get3A_105 = arith.constant 16 : index
    %get3A_106 = tpu.vector_load %arg5[%get3A_105] {strides = array<i32>} : memref<512xf32, #tpu.memory_space<vmem>>, vector<16xf32>,
    %get3A_107 = vector.shape_cast %get3A_106 : vector<16xf32> to vector<16xf32>
    %get3A_108 = arith.constant 272 : index
    %get3A_109 = tpu.vector_load %arg5[%get3A_108] {strides = array<i32>} : memref<512xf32, #tpu.memory_space<vmem>>, vector<16xf32>,
    %get3A_110 = vector.shape_cast %get3A_109 : vector<16xf32> to vector<16xf32>
    %add3A_111 = arith.constant 1.000000e+00 : f32
    %add3A_112 = vector.broadcast %add3A_111 : f32 to vector<16xf32>
    %add3A_113 = arith.addf %get3A_107, %add3A_112 : vector<16xf32>
    %mul3A_114 = arith.constant 2.560000e+02 : f32
    %mul3A_115 = vector.broadcast %mul3A_114 : f32 to vector<16xf32>
    %mul3A_116 = arith.mulf %add3A_113, %mul3A_115 : vector<16xf32>
    %convert_element_type3A_117 = arith.fptosi %mul3A_116 : vector<16xf32> to vector<16xi32>
    %add3A_118 = arith.constant 1.000000e+00 : f32
    %add3A_119 = vector.broadcast %add3A_118 : f32 to vector<16xf32>
    %add3A_120 = arith.addf %get3A_110, %add3A_119 : vector<16xf32>
    %mul3A_121 = arith.constant 2.560000e+02 : f32
    %mul3A_122 = vector.broadcast %mul3A_121 : f32 to vector<16xf32>
    %mul3A_123 = arith.mulf %add3A_120, %mul3A_122 : vector<16xf32>
    %convert_element_type3A_124 = arith.fptosi %mul3A_123 : vector<16xf32> to vector<16xi32>
    %sub3A_125 = arith.constant 10 : i32
    %sub3A_126 = vector.broadcast %sub3A_125 : i32 to vector<16xi32>
    %sub3A_127 = arith.subi %convert_element_type3A_117, %sub3A_126 : vector<16xi32>
    %jit3A_128 = arith.constant 0 : i32
    %jit3A_129 = arith.constant 511 : i32
    %max3A_130 = vector.broadcast %jit3A_128 : i32 to vector<16xi32>
    %max3A_131 = arith.maxsi %max3A_130, %sub3A_127 : vector<16xi32>
    %min3A_132 = vector.broadcast %jit3A_129 : i32 to vector<16xi32>
    %min3A_133 = arith.minsi %min3A_132, %max3A_131 : vector<16xi32>
    %add3A_134 = arith.constant 10 : i32
    %add3A_135 = vector.broadcast %add3A_134 : i32 to vector<16xi32>
    %add3A_136 = arith.addi %convert_element_type3A_117, %add3A_135 : vector<16xi32>
    %jit3A_137 = arith.constant 0 : i32
    %jit3A_138 = arith.constant 511 : i32
    %max3A_139 = vector.broadcast %jit3A_137 : i32 to vector<16xi32>
    %max3A_140 = arith.maxsi %max3A_139, %add3A_136 : vector<16xi32>
    %min3A_141 = vector.broadcast %jit3A_138 : i32 to vector<16xi32>
    %min3A_142 = arith.minsi %min3A_141, %max3A_140 : vector<16xi32>
    %sub3A_143 = arith.constant 10 : i32
    %sub3A_144 = vector.broadcast %sub3A_143 : i32 to vector<16xi32>
    %sub3A_145 = arith.subi %convert_element_type3A_124, %sub3A_144 : vector<16xi32>
    %jit3A_146 = arith.constant 0 : i32
    %jit3A_147 = arith.constant 511 : i32
    %max3A_148 = vector.broadcast %jit3A_146 : i32 to vector<16xi32>
    %max3A_149 = arith.maxsi %max3A_148, %sub3A_145 : vector<16xi32>
    %min3A_150 = vector.broadcast %jit3A_147 : i32 to vector<16xi32>
    %min3A_151 = arith.minsi %min3A_150, %max3A_149 : vector<16xi32>
    %add3A_152 = arith.constant 10 : i32
    %add3A_153 = vector.broadcast %add3A_152 : i32 to vector<16xi32>
    %add3A_154 = arith.addi %convert_element_type3A_124, %add3A_153 : vector<16xi32>
    %jit3A_155 = arith.constant 0 : i32
    %jit3A_156 = arith.constant 511 : i32
    %max3A_157 = vector.broadcast %jit3A_155 : i32 to vector<16xi32>
    %max3A_158 = arith.maxsi %max3A_157, %add3A_154 : vector<16xi32>
    %min3A_159 = vector.broadcast %jit3A_156 : i32 to vector<16xi32>
    %min3A_160 = arith.minsi %min3A_159, %max3A_158 : vector<16xi32>
    %sub3A_161 = arith.subi %min3A_142, %min3A_133 : vector<16xi32>
    %sub3A_162 = arith.subi %min3A_160, %min3A_151 : vector<16xi32>
    %mul3A_163 = arith.muli %sub3A_161, %sub3A_162 : vector<16xi32>
    %convert_element_type3A_164 = arith.sitofp %mul3A_163 : vector<16xi32> to vector<16xf32>
    %swap3A_165 = arith.constant 16 : index
    %swap3A_166 = tpu.vector_load %arg7[%swap3A_165] {strides = array<i32>} : memref<256xf32, #tpu.memory_space<vmem>>, vector<16xf32>,
    %swap3A_167 = vector.shape_cast %swap3A_166 : vector<16xf32> to vector<16xf32>
    %swap3A_168 = vector.shape_cast %convert_element_type3A_164 : vector<16xf32> to vector<16xf32>
    tpu.vector_store %arg7[%swap3A_165], %swap3A_168 {strides = array<i32>} : memref<256xf32, #tpu.memory_space<vmem>>, vector<16xf32>,
    %mul3A_169 = arith.constant 262144 : i32
    %mul3A_170 = arith.muli %shift_right_logical3A_3, %mul3A_169 : i32
    %mul3A_171 = arith.constant 512 : i32
    %mul3A_172 = vector.broadcast %mul3A_171 : i32 to vector<16xi32>
    %mul3A_173 = arith.muli %min3A_160, %mul3A_172 : vector<16xi32>
    %mul3A_174 = arith.constant 512 : i32
    %mul3A_175 = vector.broadcast %mul3A_174 : i32 to vector<16xi32>
    %mul3A_176 = arith.muli %min3A_151, %mul3A_175 : vector<16xi32>
    %add3A_177 = vector.broadcast %mul3A_170 : i32 to vector<16xi32>
    %add3A_178 = arith.addi %add3A_177, %mul3A_173 : vector<16xi32>
    %add3A_179 = arith.addi %add3A_178, %min3A_142 : vector<16xi32>
    %add3A_180 = vector.broadcast %mul3A_170 : i32 to vector<16xi32>
    %add3A_181 = arith.addi %add3A_180, %mul3A_176 : vector<16xi32>
    %add3A_182 = arith.addi %add3A_181, %min3A_142 : vector<16xi32>
    %add3A_183 = vector.broadcast %mul3A_170 : i32 to vector<16xi32>
    %add3A_184 = arith.addi %add3A_183, %mul3A_173 : vector<16xi32>
    %add3A_185 = arith.addi %add3A_184, %min3A_133 : vector<16xi32>
    %add3A_186 = vector.broadcast %mul3A_170 : i32 to vector<16xi32>
    %add3A_187 = arith.addi %add3A_186, %mul3A_176 : vector<16xi32>
    %add3A_188 = arith.addi %add3A_187, %min3A_133 : vector<16xi32>
    %swap3A_189 = arith.constant 16 : index
    %swap3A_190 = tpu.vector_load %arg6[%swap3A_189] {strides = array<i32>} : memref<1024xi32, #tpu.memory_space<vmem>>, vector<16xi32>,
    %swap3A_191 = vector.shape_cast %swap3A_190 : vector<16xi32> to vector<16xi32>
    %swap3A_192 = vector.shape_cast %add3A_179 : vector<16xi32> to vector<16xi32>
    tpu.vector_store %arg6[%swap3A_189], %swap3A_192 {strides = array<i32>} : memref<1024xi32, #tpu.memory_space<vmem>>, vector<16xi32>,
    %swap3A_193 = arith.constant 272 : index
    %swap3A_194 = tpu.vector_load %arg6[%swap3A_193] {strides = array<i32>} : memref<1024xi32, #tpu.memory_space<vmem>>, vector<16xi32>,
    %swap3A_195 = vector.shape_cast %swap3A_194 : vector<16xi32> to vector<16xi32>
    %swap3A_196 = vector.shape_cast %add3A_182 : vector<16xi32> to vector<16xi32>
    tpu.vector_store %arg6[%swap3A_193], %swap3A_196 {strides = array<i32>} : memref<1024xi32, #tpu.memory_space<vmem>>, vector<16xi32>,
    %swap3A_197 = arith.constant 528 : index
    %swap3A_198 = tpu.vector_load %arg6[%swap3A_197] {strides = array<i32>} : memref<1024xi32, #tpu.memory_space<vmem>>, vector<16xi32>,
    %swap3A_199 = vector.shape_cast %swap3A_198 : vector<16xi32> to vector<16xi32>
    %swap3A_200 = vector.shape_cast %add3A_185 : vector<16xi32> to vector<16xi32>
    tpu.vector_store %arg6[%swap3A_197], %swap3A_200 {strides = array<i32>} : memref<1024xi32, #tpu.memory_space<vmem>>, vector<16xi32>,
    %swap3A_201 = arith.constant 784 : index
    %swap3A_202 = tpu.vector_load %arg6[%swap3A_201] {strides = array<i32>} : memref<1024xi32, #tpu.memory_space<vmem>>, vector<16xi32>,
    %swap3A_203 = vector.shape_cast %swap3A_202 : vector<16xi32> to vector<16xi32>
    %swap3A_204 = vector.shape_cast %add3A_188 : vector<16xi32> to vector<16xi32>
    tpu.vector_store %arg6[%swap3A_201], %swap3A_204 {strides = array<i32>} : memref<1024xi32, #tpu.memory_space<vmem>>, vector<16xi32>,
    %get3A_205 = arith.constant 32 : index
    %get3A_206 = tpu.vector_load %arg5[%get3A_205] {strides = array<i32>} : memref<512xf32, #tpu.memory_space<vmem>>, vector<16xf32>,
    %get3A_207 = vector.shape_cast %get3A_206 : vector<16xf32> to vector<16xf32>
    %get3A_208 = arith.constant 288 : index
    %get3A_209 = tpu.vector_load %arg5[%get3A_208] {strides = array<i32>} : memref<512xf32, #tpu.memory_space<vmem>>, vector<16xf32>,
    %get3A_210 = vector.shape_cast %get3A_209 : vector<16xf32> to vector<16xf32>
    %add3A_211 = arith.constant 1.000000e+00 : f32
    %add3A_212 = vector.broadcast %add3A_211 : f32 to vector<16xf32>
    %add3A_213 = arith.addf %get3A_207, %add3A_212 : vector<16xf32>
    %mul3A_214 = arith.constant 2.560000e+02 : f32
    %mul3A_215 = vector.broadcast %mul3A_214 : f32 to vector<16xf32>
    %mul3A_216 = arith.mulf %add3A_213, %mul3A_215 : vector<16xf32>
    %convert_element_type3A_217 = arith.fptosi %mul3A_216 : vector<16xf32> to vector<16xi32>
    %add3A_218 = arith.constant 1.000000e+00 : f32
    %add3A_219 = vector.broadcast %add3A_218 : f32 to vector<16xf32>
    %add3A_220 = arith.addf %get3A_210, %add3A_219 : vector<16xf32>
    %mul3A_221 = arith.constant 2.560000e+02 : f32
    %mul3A_222 = vector.broadcast %mul3A_221 : f32 to vector<16xf32>
    %mul3A_223 = arith.mulf %add3A_220, %mul3A_222 : vector<16xf32>
    %convert_element_type3A_224 = arith.fptosi %mul3A_223 : vector<16xf32> to vector<16xi32>
    %sub3A_225 = arith.constant 10 : i32
    %sub3A_226 = vector.broadcast %sub3A_225 : i32 to vector<16xi32>
    %sub3A_227 = arith.subi %convert_element_type3A_217, %sub3A_226 : vector<16xi32>
    %jit3A_228 = arith.constant 0 : i32
    %jit3A_229 = arith.constant 511 : i32
    %max3A_230 = vector.broadcast %jit3A_228 : i32 to vector<16xi32>
    %max3A_231 = arith.maxsi %max3A_230, %sub3A_227 : vector<16xi32>
    %min3A_232 = vector.broadcast %jit3A_229 : i32 to vector<16xi32>
    %min3A_233 = arith.minsi %min3A_232, %max3A_231 : vector<16xi32>
    %add3A_234 = arith.constant 10 : i32
    %add3A_235 = vector.broadcast %add3A_234 : i32 to vector<16xi32>
    %add3A_236 = arith.addi %convert_element_type3A_217, %add3A_235 : vector<16xi32>
    %jit3A_237 = arith.constant 0 : i32
    %jit3A_238 = arith.constant 511 : i32
    %max3A_239 = vector.broadcast %jit3A_237 : i32 to vector<16xi32>
    %max3A_240 = arith.maxsi %max3A_239, %add3A_236 : vector<16xi32>
    %min3A_241 = vector.broadcast %jit3A_238 : i32 to vector<16xi32>
    %min3A_242 = arith.minsi %min3A_241, %max3A_240 : vector<16xi32>
    %sub3A_243 = arith.constant 10 : i32
    %sub3A_244 = vector.broadcast %sub3A_243 : i32 to vector<16xi32>
    %sub3A_245 = arith.subi %convert_element_type3A_224, %sub3A_244 : vector<16xi32>
    %jit3A_246 = arith.constant 0 : i32
    %jit3A_247 = arith.constant 511 : i32
    %max3A_248 = vector.broadcast %jit3A_246 : i32 to vector<16xi32>
    %max3A_249 = arith.maxsi %max3A_248, %sub3A_245 : vector<16xi32>
    %min3A_250 = vector.broadcast %jit3A_247 : i32 to vector<16xi32>
    %min3A_251 = arith.minsi %min3A_250, %max3A_249 : vector<16xi32>
    %add3A_252 = arith.constant 10 : i32
    %add3A_253 = vector.broadcast %add3A_252 : i32 to vector<16xi32>
    %add3A_254 = arith.addi %convert_element_type3A_224, %add3A_253 : vector<16xi32>
    %jit3A_255 = arith.constant 0 : i32
    %jit3A_256 = arith.constant 511 : i32
    %max3A_257 = vector.broadcast %jit3A_255 : i32 to vector<16xi32>
    %max3A_258 = arith.maxsi %max3A_257, %add3A_254 : vector<16xi32>
    %min3A_259 = vector.broadcast %jit3A_256 : i32 to vector<16xi32>
    %min3A_260 = arith.minsi %min3A_259, %max3A_258 : vector<16xi32>
    %sub3A_261 = arith.subi %min3A_242, %min3A_233 : vector<16xi32>
    %sub3A_262 = arith.subi %min3A_260, %min3A_251 : vector<16xi32>
    %mul3A_263 = arith.muli %sub3A_261, %sub3A_262 : vector<16xi32>
    %convert_element_type3A_264 = arith.sitofp %mul3A_263 : vector<16xi32> to vector<16xf32>
    %swap3A_265 = arith.constant 32 : index
    %swap3A_266 = tpu.vector_load %arg7[%swap3A_265] {strides = array<i32>} : memref<256xf32, #tpu.memory_space<vmem>>, vector<16xf32>,
    %swap3A_267 = vector.shape_cast %swap3A_266 : vector<16xf32> to vector<16xf32>
    %swap3A_268 = vector.shape_cast %convert_element_type3A_264 : vector<16xf32> to vector<16xf32>
    tpu.vector_store %arg7[%swap3A_265], %swap3A_268 {strides = array<i32>} : memref<256xf32, #tpu.memory_space<vmem>>, vector<16xf32>,
    %mul3A_269 = arith.constant 262144 : i32
    %mul3A_270 = arith.muli %shift_right_logical3A_3, %mul3A_269 : i32
    %mul3A_271 = arith.constant 512 : i32
    %mul3A_272 = vector.broadcast %mul3A_271 : i32 to vector<16xi32>
    %mul3A_273 = arith.muli %min3A_260, %mul3A_272 : vector<16xi32>
    %mul3A_274 = arith.constant 512 : i32
    %mul3A_275 = vector.broadcast %mul3A_274 : i32 to vector<16xi32>
    %mul3A_276 = arith.muli %min3A_251, %mul3A_275 : vector<16xi32>
    %add3A_277 = vector.broadcast %mul3A_270 : i32 to vector<16xi32>
    %add3A_278 = arith.addi %add3A_277, %mul3A_273 : vector<16xi32>
    %add3A_279 = arith.addi %add3A_278, %min3A_242 : vector<16xi32>
    %add3A_280 = vector.broadcast %mul3A_270 : i32 to vector<16xi32>
    %add3A_281 = arith.addi %add3A_280, %mul3A_276 : vector<16xi32>
    %add3A_282 = arith.addi %add3A_281, %min3A_242 : vector<16xi32>
    %add3A_283 = vector.broadcast %mul3A_270 : i32 to vector<16xi32>
    %add3A_284 = arith.addi %add3A_283, %mul3A_273 : vector<16xi32>
    %add3A_285 = arith.addi %add3A_284, %min3A_233 : vector<16xi32>
    %add3A_286 = vector.broadcast %mul3A_270 : i32 to vector<16xi32>
    %add3A_287 = arith.addi %add3A_286, %mul3A_276 : vector<16xi32>
    %add3A_288 = arith.addi %add3A_287, %min3A_233 : vector<16xi32>
    %swap3A_289 = arith.constant 32 : index
    %swap3A_290 = tpu.vector_load %arg6[%swap3A_289] {strides = array<i32>} : memref<1024xi32, #tpu.memory_space<vmem>>, vector<16xi32>,
    %swap3A_291 = vector.shape_cast %swap3A_290 : vector<16xi32> to vector<16xi32>
    %swap3A_292 = vector.shape_cast %add3A_279 : vector<16xi32> to vector<16xi32>
    tpu.vector_store %arg6[%swap3A_289], %swap3A_292 {strides = array<i32>} : memref<1024xi32, #tpu.memory_space<vmem>>, vector<16xi32>,
    %swap3A_293 = arith.constant 288 : index
    %swap3A_294 = tpu.vector_load %arg6[%swap3A_293] {strides = array<i32>} : memref<1024xi32, #tpu.memory_space<vmem>>, vector<16xi32>,
    %swap3A_295 = vector.shape_cast %swap3A_294 : vector<16xi32> to vector<16xi32>
    %swap3A_296 = vector.shape_cast %add3A_282 : vector<16xi32> to vector<16xi32>
    tpu.vector_store %arg6[%swap3A_293], %swap3A_296 {strides = array<i32>} : memref<1024xi32, #tpu.memory_space<vmem>>, vector<16xi32>,
    %swap3A_297 = arith.constant 544 : index
    %swap3A_298 = tpu.vector_load %arg6[%swap3A_297] {strides = array<i32>} : memref<1024xi32, #tpu.memory_space<vmem>>, vector<16xi32>,
    %swap3A_299 = vector.shape_cast %swap3A_298 : vector<16xi32> to vector<16xi32>
    %swap3A_300 = vector.shape_cast %add3A_285 : vector<16xi32> to vector<16xi32>
    tpu.vector_store %arg6[%swap3A_297], %swap3A_300 {strides = array<i32>} : memref<1024xi32, #tpu.memory_space<vmem>>, vector<16xi32>,
    %swap3A_301 = arith.constant 800 : index
    %swap3A_302 = tpu.vector_load %arg6[%swap3A_301] {strides = array<i32>} : memref<1024xi32, #tpu.memory_space<vmem>>, vector<16xi32>,
    %swap3A_303 = vector.shape_cast %swap3A_302 : vector<16xi32> to vector<16xi32>
    %swap3A_304 = vector.shape_cast %add3A_288 : vector<16xi32> to vector<16xi32>
    tpu.vector_store %arg6[%swap3A_301], %swap3A_304 {strides = array<i32>} : memref<1024xi32, #tpu.memory_space<vmem>>, vector<16xi32>,
    %get3A_305 = arith.constant 48 : index
    %get3A_306 = tpu.vector_load %arg5[%get3A_305] {strides = array<i32>} : memref<512xf32, #tpu.memory_space<vmem>>, vector<16xf32>,
    %get3A_307 = vector.shape_cast %get3A_306 : vector<16xf32> to vector<16xf32>
    %get3A_308 = arith.constant 304 : index
    %get3A_309 = tpu.vector_load %arg5[%get3A_308] {strides = array<i32>} : memref<512xf32, #tpu.memory_space<vmem>>, vector<16xf32>,
    %get3A_310 = vector.shape_cast %get3A_309 : vector<16xf32> to vector<16xf32>
    %add3A_311 = arith.constant 1.000000e+00 : f32
    %add3A_312 = vector.broadcast %add3A_311 : f32 to vector<16xf32>
    %add3A_313 = arith.addf %get3A_307, %add3A_312 : vector<16xf32>
    %mul3A_314 = arith.constant 2.560000e+02 : f32
    %mul3A_315 = vector.broadcast %mul3A_314 : f32 to vector<16xf32>
    %mul3A_316 = arith.mulf %add3A_313, %mul3A_315 : vector<16xf32>
    %convert_element_type3A_317 = arith.fptosi %mul3A_316 : vector<16xf32> to vector<16xi32>
    %add3A_318 = arith.constant 1.000000e+00 : f32
    %add3A_319 = vector.broadcast %add3A_318 : f32 to vector<16xf32>
    %add3A_320 = arith.addf %get3A_310, %add3A_319 : vector<16xf32>
    %mul3A_321 = arith.constant 2.560000e+02 : f32
    %mul3A_322 = vector.broadcast %mul3A_321 : f32 to vector<16xf32>
    %mul3A_323 = arith.mulf %add3A_320, %mul3A_322 : vector<16xf32>
    %convert_element_type3A_324 = arith.fptosi %mul3A_323 : vector<16xf32> to vector<16xi32>
    %sub3A_325 = arith.constant 10 : i32
    %sub3A_326 = vector.broadcast %sub3A_325 : i32 to vector<16xi32>
    %sub3A_327 = arith.subi %convert_element_type3A_317, %sub3A_326 : vector<16xi32>
    %jit3A_328 = arith.constant 0 : i32
    %jit3A_329 = arith.constant 511 : i32
    %max3A_330 = vector.broadcast %jit3A_328 : i32 to vector<16xi32>
    %max3A_331 = arith.maxsi %max3A_330, %sub3A_327 : vector<16xi32>
    %min3A_332 = vector.broadcast %jit3A_329 : i32 to vector<16xi32>
    %min3A_333 = arith.minsi %min3A_332, %max3A_331 : vector<16xi32>
    %add3A_334 = arith.constant 10 : i32
    %add3A_335 = vector.broadcast %add3A_334 : i32 to vector<16xi32>
    %add3A_336 = arith.addi %convert_element_type3A_317, %add3A_335 : vector<16xi32>
    %jit3A_337 = arith.constant 0 : i32
    %jit3A_338 = arith.constant 511 : i32
    %max3A_339 = vector.broadcast %jit3A_337 : i32 to vector<16xi32>
    %max3A_340 = arith.maxsi %max3A_339, %add3A_336 : vector<16xi32>
    %min3A_341 = vector.broadcast %jit3A_338 : i32 to vector<16xi32>
    %min3A_342 = arith.minsi %min3A_341, %max3A_340 : vector<16xi32>
    %sub3A_343 = arith.constant 10 : i32
    %sub3A_344 = vector.broadcast %sub3A_343 : i32 to vector<16xi32>
    %sub3A_345 = arith.subi %convert_element_type3A_324, %sub3A_344 : vector<16xi32>
    %jit3A_346 = arith.constant 0 : i32
    %jit3A_347 = arith.constant 511 : i32
    %max3A_348 = vector.broadcast %jit3A_346 : i32 to vector<16xi32>
    %max3A_349 = arith.maxsi %max3A_348, %sub3A_345 : vector<16xi32>
    %min3A_350 = vector.broadcast %jit3A_347 : i32 to vector<16xi32>
    %min3A_351 = arith.minsi %min3A_350, %max3A_349 : vector<16xi32>
    %add3A_352 = arith.constant 10 : i32
    %add3A_353 = vector.broadcast %add3A_352 : i32 to vector<16xi32>
    %add3A_354 = arith.addi %convert_element_type3A_324, %add3A_353 : vector<16xi32>
    %jit3A_355 = arith.constant 0 : i32
    %jit3A_356 = arith.constant 511 : i32
    %max3A_357 = vector.broadcast %jit3A_355 : i32 to vector<16xi32>
    %max3A_358 = arith.maxsi %max3A_357, %add3A_354 : vector<16xi32>
    %min3A_359 = vector.broadcast %jit3A_356 : i32 to vector<16xi32>
    %min3A_360 = arith.minsi %min3A_359, %max3A_358 : vector<16xi32>
    %sub3A_361 = arith.subi %min3A_342, %min3A_333 : vector<16xi32>
    %sub3A_362 = arith.subi %min3A_360, %min3A_351 : vector<16xi32>
    %mul3A_363 = arith.muli %sub3A_361, %sub3A_362 : vector<16xi32>
    %convert_element_type3A_364 = arith.sitofp %mul3A_363 : vector<16xi32> to vector<16xf32>
    %swap3A_365 = arith.constant 48 : index
    %swap3A_366 = tpu.vector_load %arg7[%swap3A_365] {strides = array<i32>} : memref<256xf32, #tpu.memory_space<vmem>>, vector<16xf32>,
    %swap3A_367 = vector.shape_cast %swap3A_366 : vector<16xf32> to vector<16xf32>
    %swap3A_368 = vector.shape_cast %convert_element_type3A_364 : vector<16xf32> to vector<16xf32>
    tpu.vector_store %arg7[%swap3A_365], %swap3A_368 {strides = array<i32>} : memref<256xf32, #tpu.memory_space<vmem>>, vector<16xf32>,
    %mul3A_369 = arith.constant 262144 : i32
    %mul3A_370 = arith.muli %shift_right_logical3A_3, %mul3A_369 : i32
    %mul3A_371 = arith.constant 512 : i32
    %mul3A_372 = vector.broadcast %mul3A_371 : i32 to vector<16xi32>
    %mul3A_373 = arith.muli %min3A_360, %mul3A_372 : vector<16xi32>
    %mul3A_374 = arith.constant 512 : i32
    %mul3A_375 = vector.broadcast %mul3A_374 : i32 to vector<16xi32>
    %mul3A_376 = arith.muli %min3A_351, %mul3A_375 : vector<16xi32>
    %add3A_377 = vector.broadcast %mul3A_370 : i32 to vector<16xi32>
    %add3A_378 = arith.addi %add3A_377, %mul3A_373 : vector<16xi32>
    %add3A_379 = arith.addi %add3A_378, %min3A_342 : vector<16xi32>
    %add3A_380 = vector.broadcast %mul3A_370 : i32 to vector<16xi32>
    %add3A_381 = arith.addi %add3A_380, %mul3A_376 : vector<16xi32>
    %add3A_382 = arith.addi %add3A_381, %min3A_342 : vector<16xi32>
    %add3A_383 = vector.broadcast %mul3A_370 : i32 to vector<16xi32>
    %add3A_384 = arith.addi %add3A_383, %mul3A_373 : vector<16xi32>
    %add3A_385 = arith.addi %add3A_384, %min3A_333 : vector<16xi32>
    %add3A_386 = vector.broadcast %mul3A_370 : i32 to vector<16xi32>
    %add3A_387 = arith.addi %add3A_386, %mul3A_376 : vector<16xi32>
    %add3A_388 = arith.addi %add3A_387, %min3A_333 : vector<16xi32>
    %swap3A_389 = arith.constant 48 : index
    %swap3A_390 = tpu.vector_load %arg6[%swap3A_389] {strides = array<i32>} : memref<1024xi32, #tpu.memory_space<vmem>>, vector<16xi32>,
    %swap3A_391 = vector.shape_cast %swap3A_390 : vector<16xi32> to vector<16xi32>
    %swap3A_392 = vector.shape_cast %add3A_379 : vector<16xi32> to vector<16xi32>
    tpu.vector_store %arg6[%swap3A_389], %swap3A_392 {strides = array<i32>} : memref<1024xi32, #tpu.memory_space<vmem>>, vector<16xi32>,
    %swap3A_393 = arith.constant 304 : index
    %swap3A_394 = tpu.vector_load %arg6[%swap3A_393] {strides = array<i32>} : memref<1024xi32, #tpu.memory_space<vmem>>, vector<16xi32>,
    %swap3A_395 = vector.shape_cast %swap3A_394 : vector<16xi32> to vector<16xi32>
    %swap3A_396 = vector.shape_cast %add3A_382 : vector<16xi32> to vector<16xi32>
    tpu.vector_store %arg6[%swap3A_393], %swap3A_396 {strides = array<i32>} : memref<1024xi32, #tpu.memory_space<vmem>>, vector<16xi32>,
    %swap3A_397 = arith.constant 560 : index
    %swap3A_398 = tpu.vector_load %arg6[%swap3A_397] {strides = array<i32>} : memref<1024xi32, #tpu.memory_space<vmem>>, vector<16xi32>,
    %swap3A_399 = vector.shape_cast %swap3A_398 : vector<16xi32> to vector<16xi32>
    %swap3A_400 = vector.shape_cast %add3A_385 : vector<16xi32> to vector<16xi32>
    tpu.vector_store %arg6[%swap3A_397], %swap3A_400 {strides = array<i32>} : memref<1024xi32, #tpu.memory_space<vmem>>, vector<16xi32>,
    %swap3A_401 = arith.constant 816 : index
    %swap3A_402 = tpu.vector_load %arg6[%swap3A_401] {strides = array<i32>} : memref<1024xi32, #tpu.memory_space<vmem>>, vector<16xi32>,
    %swap3A_403 = vector.shape_cast %swap3A_402 : vector<16xi32> to vector<16xi32>
    %swap3A_404 = vector.shape_cast %add3A_388 : vector<16xi32> to vector<16xi32>
    tpu.vector_store %arg6[%swap3A_401], %swap3A_404 {strides = array<i32>} : memref<1024xi32, #tpu.memory_space<vmem>>, vector<16xi32>,
    %get3A_405 = arith.constant 64 : index
    %get3A_406 = tpu.vector_load %arg5[%get3A_405] {strides = array<i32>} : memref<512xf32, #tpu.memory_space<vmem>>, vector<16xf32>,
    %get3A_407 = vector.shape_cast %get3A_406 : vector<16xf32> to vector<16xf32>
    %get3A_408 = arith.constant 320 : index
    %get3A_409 = tpu.vector_load %arg5[%get3A_408] {strides = array<i32>} : memref<512xf32, #tpu.memory_space<vmem>>, vector<16xf32>,
    %get3A_410 = vector.shape_cast %get3A_409 : vector<16xf32> to vector<16xf32>
    %add3A_411 = arith.constant 1.000000e+00 : f32
    %add3A_412 = vector.broadcast %add3A_411 : f32 to vector<16xf32>
    %add3A_413 = arith.addf %get3A_407, %add3A_412 : vector<16xf32>
    %mul3A_414 = arith.constant 2.560000e+02 : f32
    %mul3A_415 = vector.broadcast %mul3A_414 : f32 to vector<16xf32>
    %mul3A_416 = arith.mulf %add3A_413, %mul3A_415 : vector<16xf32>
    %convert_element_type3A_417 = arith.fptosi %mul3A_416 : vector<16xf32> to vector<16xi32>
    %add3A_418 = arith.constant 1.000000e+00 : f32
    %add3A_419 = vector.broadcast %add3A_418 : f32 to vector<16xf32>
    %add3A_420 = arith.addf %get3A_410, %add3A_419 : vector<16xf32>
    %mul3A_421 = arith.constant 2.560000e+02 : f32
    %mul3A_422 = vector.broadcast %mul3A_421 : f32 to vector<16xf32>
    %mul3A_423 = arith.mulf %add3A_420, %mul3A_422 : vector<16xf32>
    %convert_element_type3A_424 = arith.fptosi %mul3A_423 : vector<16xf32> to vector<16xi32>
    %sub3A_425 = arith.constant 10 : i32
    %sub3A_426 = vector.broadcast %sub3A_425 : i32 to vector<16xi32>
    %sub3A_427 = arith.subi %convert_element_type3A_417, %sub3A_426 : vector<16xi32>
    %jit3A_428 = arith.constant 0 : i32
    %jit3A_429 = arith.constant 511 : i32
    %max3A_430 = vector.broadcast %jit3A_428 : i32 to vector<16xi32>
    %max3A_431 = arith.maxsi %max3A_430, %sub3A_427 : vector<16xi32>
    %min3A_432 = vector.broadcast %jit3A_429 : i32 to vector<16xi32>
    %min3A_433 = arith.minsi %min3A_432, %max3A_431 : vector<16xi32>
    %add3A_434 = arith.constant 10 : i32
    %add3A_435 = vector.broadcast %add3A_434 : i32 to vector<16xi32>
    %add3A_436 = arith.addi %convert_element_type3A_417, %add3A_435 : vector<16xi32>
    %jit3A_437 = arith.constant 0 : i32
    %jit3A_438 = arith.constant 511 : i32
    %max3A_439 = vector.broadcast %jit3A_437 : i32 to vector<16xi32>
    %max3A_440 = arith.maxsi %max3A_439, %add3A_436 : vector<16xi32>
    %min3A_441 = vector.broadcast %jit3A_438 : i32 to vector<16xi32>
    %min3A_442 = arith.minsi %min3A_441, %max3A_440 : vector<16xi32>
    %sub3A_443 = arith.constant 10 : i32
    %sub3A_444 = vector.broadcast %sub3A_443 : i32 to vector<16xi32>
    %sub3A_445 = arith.subi %convert_element_type3A_424, %sub3A_444 : vector<16xi32>
    %jit3A_446 = arith.constant 0 : i32
    %jit3A_447 = arith.constant 511 : i32
    %max3A_448 = vector.broadcast %jit3A_446 : i32 to vector<16xi32>
    %max3A_449 = arith.maxsi %max3A_448, %sub3A_445 : vector<16xi32>
    %min3A_450 = vector.broadcast %jit3A_447 : i32 to vector<16xi32>
    %min3A_451 = arith.minsi %min3A_450, %max3A_449 : vector<16xi32>
    %add3A_452 = arith.constant 10 : i32
    %add3A_453 = vector.broadcast %add3A_452 : i32 to vector<16xi32>
    %add3A_454 = arith.addi %convert_element_type3A_424, %add3A_453 : vector<16xi32>
    %jit3A_455 = arith.constant 0 : i32
    %jit3A_456 = arith.constant 511 : i32
    %max3A_457 = vector.broadcast %jit3A_455 : i32 to vector<16xi32>
    %max3A_458 = arith.maxsi %max3A_457, %add3A_454 : vector<16xi32>
    %min3A_459 = vector.broadcast %jit3A_456 : i32 to vector<16xi32>
    %min3A_460 = arith.minsi %min3A_459, %max3A_458 : vector<16xi32>
    %sub3A_461 = arith.subi %min3A_442, %min3A_433 : vector<16xi32>
    %sub3A_462 = arith.subi %min3A_460, %min3A_451 : vector<16xi32>
    %mul3A_463 = arith.muli %sub3A_461, %sub3A_462 : vector<16xi32>
    %convert_element_type3A_464 = arith.sitofp %mul3A_463 : vector<16xi32> to vector<16xf32>
    %swap3A_465 = arith.constant 64 : index
    %swap3A_466 = tpu.vector_load %arg7[%swap3A_465] {strides = array<i32>} : memref<256xf32, #tpu.memory_space<vmem>>, vector<16xf32>,
    %swap3A_467 = vector.shape_cast %swap3A_466 : vector<16xf32> to vector<16xf32>
    %swap3A_468 = vector.shape_cast %convert_element_type3A_464 : vector<16xf32> to vector<16xf32>
    tpu.vector_store %arg7[%swap3A_465], %swap3A_468 {strides = array<i32>} : memref<256xf32, #tpu.memory_space<vmem>>, vector<16xf32>,
    %mul3A_469 = arith.constant 262144 : i32
    %mul3A_470 = arith.muli %shift_right_logical3A_3, %mul3A_469 : i32
    %mul3A_471 = arith.constant 512 : i32
    %mul3A_472 = vector.broadcast %mul3A_471 : i32 to vector<16xi32>
    %mul3A_473 = arith.muli %min3A_460, %mul3A_472 : vector<16xi32>
    %mul3A_474 = arith.constant 512 : i32
    %mul3A_475 = vector.broadcast %mul3A_474 : i32 to vector<16xi32>
    %mul3A_476 = arith.muli %min3A_451, %mul3A_475 : vector<16xi32>
    %add3A_477 = vector.broadcast %mul3A_470 : i32 to vector<16xi32>
    %add3A_478 = arith.addi %add3A_477, %mul3A_473 : vector<16xi32>
    %add3A_479 = arith.addi %add3A_478, %min3A_442 : vector<16xi32>
    %add3A_480 = vector.broadcast %mul3A_470 : i32 to vector<16xi32>
    %add3A_481 = arith.addi %add3A_480, %mul3A_476 : vector<16xi32>
    %add3A_482 = arith.addi %add3A_481, %min3A_442 : vector<16xi32>
    %add3A_483 = vector.broadcast %mul3A_470 : i32 to vector<16xi32>
    %add3A_484 = arith.addi %add3A_483, %mul3A_473 : vector<16xi32>
    %add3A_485 = arith.addi %add3A_484, %min3A_433 : vector<16xi32>
    %add3A_486 = vector.broadcast %mul3A_470 : i32 to vector<16xi32>
    %add3A_487 = arith.addi %add3A_486, %mul3A_476 : vector<16xi32>
    %add3A_488 = arith.addi %add3A_487, %min3A_433 : vector<16xi32>
    %swap3A_489 = arith.constant 64 : index
    %swap3A_490 = tpu.vector_load %arg6[%swap3A_489] {strides = array<i32>} : memref<1024xi32, #tpu.memory_space<vmem>>, vector<16xi32>,
    %swap3A_491 = vector.shape_cast %swap3A_490 : vector<16xi32> to vector<16xi32>
    %swap3A_492 = vector.shape_cast %add3A_479 : vector<16xi32> to vector<16xi32>
    tpu.vector_store %arg6[%swap3A_489], %swap3A_492 {strides = array<i32>} : memref<1024xi32, #tpu.memory_space<vmem>>, vector<16xi32>,
    %swap3A_493 = arith.constant 320 : index
    %swap3A_494 = tpu.vector_load %arg6[%swap3A_493] {strides = array<i32>} : memref<1024xi32, #tpu.memory_space<vmem>>, vector<16xi32>,
    %swap3A_495 = vector.shape_cast %swap3A_494 : vector<16xi32> to vector<16xi32>
    %swap3A_496 = vector.shape_cast %add3A_482 : vector<16xi32> to vector<16xi32>
    tpu.vector_store %arg6[%swap3A_493], %swap3A_496 {strides = array<i32>} : memref<1024xi32, #tpu.memory_space<vmem>>, vector<16xi32>,
    %swap3A_497 = arith.constant 576 : index
    %swap3A_498 = tpu.vector_load %arg6[%swap3A_497] {strides = array<i32>} : memref<1024xi32, #tpu.memory_space<vmem>>, vector<16xi32>,
    %swap3A_499 = vector.shape_cast %swap3A_498 : vector<16xi32> to vector<16xi32>
    %swap3A_500 = vector.shape_cast %add3A_485 : vector<16xi32> to vector<16xi32>
    tpu.vector_store %arg6[%swap3A_497], %swap3A_500 {strides = array<i32>} : memref<1024xi32, #tpu.memory_space<vmem>>, vector<16xi32>,
    %swap3A_501 = arith.constant 832 : index
    %swap3A_502 = tpu.vector_load %arg6[%swap3A_501] {strides = array<i32>} : memref<1024xi32, #tpu.memory_space<vmem>>, vector<16xi32>,
    %swap3A_503 = vector.shape_cast %swap3A_502 : vector<16xi32> to vector<16xi32>
    %swap3A_504 = vector.shape_cast %add3A_488 : vector<16xi32> to vector<16xi32>
    tpu.vector_store %arg6[%swap3A_501], %swap3A_504 {strides = array<i32>} : memref<1024xi32, #tpu.memory_space<vmem>>, vector<16xi32>,
    %get3A_505 = arith.constant 80 : index
    %get3A_506 = tpu.vector_load %arg5[%get3A_505] {strides = array<i32>} : memref<512xf32, #tpu.memory_space<vmem>>, vector<16xf32>,
    %get3A_507 = vector.shape_cast %get3A_506 : vector<16xf32> to vector<16xf32>
    %get3A_508 = arith.constant 336 : index
    %get3A_509 = tpu.vector_load %arg5[%get3A_508] {strides = array<i32>} : memref<512xf32, #tpu.memory_space<vmem>>, vector<16xf32>,
    %get3A_510 = vector.shape_cast %get3A_509 : vector<16xf32> to vector<16xf32>
    %add3A_511 = arith.constant 1.000000e+00 : f32
    %add3A_512 = vector.broadcast %add3A_511 : f32 to vector<16xf32>
    %add3A_513 = arith.addf %get3A_507, %add3A_512 : vector<16xf32>
    %mul3A_514 = arith.constant 2.560000e+02 : f32
    %mul3A_515 = vector.broadcast %mul3A_514 : f32 to vector<16xf32>
    %mul3A_516 = arith.mulf %add3A_513, %mul3A_515 : vector<16xf32>
    %convert_element_type3A_517 = arith.fptosi %mul3A_516 : vector<16xf32> to vector<16xi32>
    %add3A_518 = arith.constant 1.000000e+00 : f32
    %add3A_519 = vector.broadcast %add3A_518 : f32 to vector<16xf32>
    %add3A_520 = arith.addf %get3A_510, %add3A_519 : vector<16xf32>
    %mul3A_521 = arith.constant 2.560000e+02 : f32
    %mul3A_522 = vector.broadcast %mul3A_521 : f32 to vector<16xf32>
    %mul3A_523 = arith.mulf %add3A_520, %mul3A_522 : vector<16xf32>
    %convert_element_type3A_524 = arith.fptosi %mul3A_523 : vector<16xf32> to vector<16xi32>
    %sub3A_525 = arith.constant 10 : i32
    %sub3A_526 = vector.broadcast %sub3A_525 : i32 to vector<16xi32>
    %sub3A_527 = arith.subi %convert_element_type3A_517, %sub3A_526 : vector<16xi32>
    %jit3A_528 = arith.constant 0 : i32
    %jit3A_529 = arith.constant 511 : i32
    %max3A_530 = vector.broadcast %jit3A_528 : i32 to vector<16xi32>
    %max3A_531 = arith.maxsi %max3A_530, %sub3A_527 : vector<16xi32>
    %min3A_532 = vector.broadcast %jit3A_529 : i32 to vector<16xi32>
    %min3A_533 = arith.minsi %min3A_532, %max3A_531 : vector<16xi32>
    %add3A_534 = arith.constant 10 : i32
    %add3A_535 = vector.broadcast %add3A_534 : i32 to vector<16xi32>
    %add3A_536 = arith.addi %convert_element_type3A_517, %add3A_535 : vector<16xi32>
    %jit3A_537 = arith.constant 0 : i32
    %jit3A_538 = arith.constant 511 : i32
    %max3A_539 = vector.broadcast %jit3A_537 : i32 to vector<16xi32>
    %max3A_540 = arith.maxsi %max3A_539, %add3A_536 : vector<16xi32>
    %min3A_541 = vector.broadcast %jit3A_538 : i32 to vector<16xi32>
    %min3A_542 = arith.minsi %min3A_541, %max3A_540 : vector<16xi32>
    %sub3A_543 = arith.constant 10 : i32
    %sub3A_544 = vector.broadcast %sub3A_543 : i32 to vector<16xi32>
    %sub3A_545 = arith.subi %convert_element_type3A_524, %sub3A_544 : vector<16xi32>
    %jit3A_546 = arith.constant 0 : i32
    %jit3A_547 = arith.constant 511 : i32
    %max3A_548 = vector.broadcast %jit3A_546 : i32 to vector<16xi32>
    %max3A_549 = arith.maxsi %max3A_548, %sub3A_545 : vector<16xi32>
    %min3A_550 = vector.broadcast %jit3A_547 : i32 to vector<16xi32>
    %min3A_551 = arith.minsi %min3A_550, %max3A_549 : vector<16xi32>
    %add3A_552 = arith.constant 10 : i32
    %add3A_553 = vector.broadcast %add3A_552 : i32 to vector<16xi32>
    %add3A_554 = arith.addi %convert_element_type3A_524, %add3A_553 : vector<16xi32>
    %jit3A_555 = arith.constant 0 : i32
    %jit3A_556 = arith.constant 511 : i32
    %max3A_557 = vector.broadcast %jit3A_555 : i32 to vector<16xi32>
    %max3A_558 = arith.maxsi %max3A_557, %add3A_554 : vector<16xi32>
    %min3A_559 = vector.broadcast %jit3A_556 : i32 to vector<16xi32>
    %min3A_560 = arith.minsi %min3A_559, %max3A_558 : vector<16xi32>
    %sub3A_561 = arith.subi %min3A_542, %min3A_533 : vector<16xi32>
    %sub3A_562 = arith.subi %min3A_560, %min3A_551 : vector<16xi32>
    %mul3A_563 = arith.muli %sub3A_561, %sub3A_562 : vector<16xi32>
    %convert_element_type3A_564 = arith.sitofp %mul3A_563 : vector<16xi32> to vector<16xf32>
    %swap3A_565 = arith.constant 80 : index
    %swap3A_566 = tpu.vector_load %arg7[%swap3A_565] {strides = array<i32>} : memref<256xf32, #tpu.memory_space<vmem>>, vector<16xf32>,
    %swap3A_567 = vector.shape_cast %swap3A_566 : vector<16xf32> to vector<16xf32>
    %swap3A_568 = vector.shape_cast %convert_element_type3A_564 : vector<16xf32> to vector<16xf32>
    tpu.vector_store %arg7[%swap3A_565], %swap3A_568 {strides = array<i32>} : memref<256xf32, #tpu.memory_space<vmem>>, vector<16xf32>,
    %mul3A_569 = arith.constant 262144 : i32
    %mul3A_570 = arith.muli %shift_right_logical3A_3, %mul3A_569 : i32
    %mul3A_571 = arith.constant 512 : i32
    %mul3A_572 = vector.broadcast %mul3A_571 : i32 to vector<16xi32>
    %mul3A_573 = arith.muli %min3A_560, %mul3A_572 : vector<16xi32>
    %mul3A_574 = arith.constant 512 : i32
    %mul3A_575 = vector.broadcast %mul3A_574 : i32 to vector<16xi32>
    %mul3A_576 = arith.muli %min3A_551, %mul3A_575 : vector<16xi32>
    %add3A_577 = vector.broadcast %mul3A_570 : i32 to vector<16xi32>
    %add3A_578 = arith.addi %add3A_577, %mul3A_573 : vector<16xi32>
    %add3A_579 = arith.addi %add3A_578, %min3A_542 : vector<16xi32>
    %add3A_580 = vector.broadcast %mul3A_570 : i32 to vector<16xi32>
    %add3A_581 = arith.addi %add3A_580, %mul3A_576 : vector<16xi32>
    %add3A_582 = arith.addi %add3A_581, %min3A_542 : vector<16xi32>
    %add3A_583 = vector.broadcast %mul3A_570 : i32 to vector<16xi32>
    %add3A_584 = arith.addi %add3A_583, %mul3A_573 : vector<16xi32>
    %add3A_585 = arith.addi %add3A_584, %min3A_533 : vector<16xi32>
    %add3A_586 = vector.broadcast %mul3A_570 : i32 to vector<16xi32>
    %add3A_587 = arith.addi %add3A_586, %mul3A_576 : vector<16xi32>
    %add3A_588 = arith.addi %add3A_587, %min3A_533 : vector<16xi32>
    %swap3A_589 = arith.constant 80 : index
    %swap3A_590 = tpu.vector_load %arg6[%swap3A_589] {strides = array<i32>} : memref<1024xi32, #tpu.memory_space<vmem>>, vector<16xi32>,
    %swap3A_591 = vector.shape_cast %swap3A_590 : vector<16xi32> to vector<16xi32>
    %swap3A_592 = vector.shape_cast %add3A_579 : vector<16xi32> to vector<16xi32>
    tpu.vector_store %arg6[%swap3A_589], %swap3A_592 {strides = array<i32>} : memref<1024xi32, #tpu.memory_space<vmem>>, vector<16xi32>,
    %swap3A_593 = arith.constant 336 : index
    %swap3A_594 = tpu.vector_load %arg6[%swap3A_593] {strides = array<i32>} : memref<1024xi32, #tpu.memory_space<vmem>>, vector<16xi32>,
    %swap3A_595 = vector.shape_cast %swap3A_594 : vector<16xi32> to vector<16xi32>
    %swap3A_596 = vector.shape_cast %add3A_582 : vector<16xi32> to vector<16xi32>
    tpu.vector_store %arg6[%swap3A_593], %swap3A_596 {strides = array<i32>} : memref<1024xi32, #tpu.memory_space<vmem>>, vector<16xi32>,
    %swap3A_597 = arith.constant 592 : index
    %swap3A_598 = tpu.vector_load %arg6[%swap3A_597] {strides = array<i32>} : memref<1024xi32, #tpu.memory_space<vmem>>, vector<16xi32>,
    %swap3A_599 = vector.shape_cast %swap3A_598 : vector<16xi32> to vector<16xi32>
    %swap3A_600 = vector.shape_cast %add3A_585 : vector<16xi32> to vector<16xi32>
    tpu.vector_store %arg6[%swap3A_597], %swap3A_600 {strides = array<i32>} : memref<1024xi32, #tpu.memory_space<vmem>>, vector<16xi32>,
    %swap3A_601 = arith.constant 848 : index
    %swap3A_602 = tpu.vector_load %arg6[%swap3A_601] {strides = array<i32>} : memref<1024xi32, #tpu.memory_space<vmem>>, vector<16xi32>,
    %swap3A_603 = vector.shape_cast %swap3A_602 : vector<16xi32> to vector<16xi32>
    %swap3A_604 = vector.shape_cast %add3A_588 : vector<16xi32> to vector<16xi32>
    tpu.vector_store %arg6[%swap3A_601], %swap3A_604 {strides = array<i32>} : memref<1024xi32, #tpu.memory_space<vmem>>, vector<16xi32>,
    %get3A_605 = arith.constant 96 : index
    %get3A_606 = tpu.vector_load %arg5[%get3A_605] {strides = array<i32>} : memref<512xf32, #tpu.memory_space<vmem>>, vector<16xf32>,
    %get3A_607 = vector.shape_cast %get3A_606 : vector<16xf32> to vector<16xf32>
    %get3A_608 = arith.constant 352 : index
    %get3A_609 = tpu.vector_load %arg5[%get3A_608] {strides = array<i32>} : memref<512xf32, #tpu.memory_space<vmem>>, vector<16xf32>,
    %get3A_610 = vector.shape_cast %get3A_609 : vector<16xf32> to vector<16xf32>
    %add3A_611 = arith.constant 1.000000e+00 : f32
    %add3A_612 = vector.broadcast %add3A_611 : f32 to vector<16xf32>
    %add3A_613 = arith.addf %get3A_607, %add3A_612 : vector<16xf32>
    %mul3A_614 = arith.constant 2.560000e+02 : f32
    %mul3A_615 = vector.broadcast %mul3A_614 : f32 to vector<16xf32>
    %mul3A_616 = arith.mulf %add3A_613, %mul3A_615 : vector<16xf32>
    %convert_element_type3A_617 = arith.fptosi %mul3A_616 : vector<16xf32> to vector<16xi32>
    %add3A_618 = arith.constant 1.000000e+00 : f32
    %add3A_619 = vector.broadcast %add3A_618 : f32 to vector<16xf32>
    %add3A_620 = arith.addf %get3A_610, %add3A_619 : vector<16xf32>
    %mul3A_621 = arith.constant 2.560000e+02 : f32
    %mul3A_622 = vector.broadcast %mul3A_621 : f32 to vector<16xf32>
    %mul3A_623 = arith.mulf %add3A_620, %mul3A_622 : vector<16xf32>
    %convert_element_type3A_624 = arith.fptosi %mul3A_623 : vector<16xf32> to vector<16xi32>
    %sub3A_625 = arith.constant 10 : i32
    %sub3A_626 = vector.broadcast %sub3A_625 : i32 to vector<16xi32>
    %sub3A_627 = arith.subi %convert_element_type3A_617, %sub3A_626 : vector<16xi32>
    %jit3A_628 = arith.constant 0 : i32
    %jit3A_629 = arith.constant 511 : i32
    %max3A_630 = vector.broadcast %jit3A_628 : i32 to vector<16xi32>
    %max3A_631 = arith.maxsi %max3A_630, %sub3A_627 : vector<16xi32>
    %min3A_632 = vector.broadcast %jit3A_629 : i32 to vector<16xi32>
    %min3A_633 = arith.minsi %min3A_632, %max3A_631 : vector<16xi32>
    %add3A_634 = arith.constant 10 : i32
    %add3A_635 = vector.broadcast %add3A_634 : i32 to vector<16xi32>
    %add3A_636 = arith.addi %convert_element_type3A_617, %add3A_635 : vector<16xi32>
    %jit3A_637 = arith.constant 0 : i32
    %jit3A_638 = arith.constant 511 : i32
    %max3A_639 = vector.broadcast %jit3A_637 : i32 to vector<16xi32>
    %max3A_640 = arith.maxsi %max3A_639, %add3A_636 : vector<16xi32>
    %min3A_641 = vector.broadcast %jit3A_638 : i32 to vector<16xi32>
    %min3A_642 = arith.minsi %min3A_641, %max3A_640 : vector<16xi32>
    %sub3A_643 = arith.constant 10 : i32
    %sub3A_644 = vector.broadcast %sub3A_643 : i32 to vector<16xi32>
    %sub3A_645 = arith.subi %convert_element_type3A_624, %sub3A_644 : vector<16xi32>
    %jit3A_646 = arith.constant 0 : i32
    %jit3A_647 = arith.constant 511 : i32
    %max3A_648 = vector.broadcast %jit3A_646 : i32 to vector<16xi32>
    %max3A_649 = arith.maxsi %max3A_648, %sub3A_645 : vector<16xi32>
    %min3A_650 = vector.broadcast %jit3A_647 : i32 to vector<16xi32>
    %min3A_651 = arith.minsi %min3A_650, %max3A_649 : vector<16xi32>
    %add3A_652 = arith.constant 10 : i32
    %add3A_653 = vector.broadcast %add3A_652 : i32 to vector<16xi32>
    %add3A_654 = arith.addi %convert_element_type3A_624, %add3A_653 : vector<16xi32>
    %jit3A_655 = arith.constant 0 : i32
    %jit3A_656 = arith.constant 511 : i32
    %max3A_657 = vector.broadcast %jit3A_655 : i32 to vector<16xi32>
    %max3A_658 = arith.maxsi %max3A_657, %add3A_654 : vector<16xi32>
    %min3A_659 = vector.broadcast %jit3A_656 : i32 to vector<16xi32>
    %min3A_660 = arith.minsi %min3A_659, %max3A_658 : vector<16xi32>
    %sub3A_661 = arith.subi %min3A_642, %min3A_633 : vector<16xi32>
    %sub3A_662 = arith.subi %min3A_660, %min3A_651 : vector<16xi32>
    %mul3A_663 = arith.muli %sub3A_661, %sub3A_662 : vector<16xi32>
    %convert_element_type3A_664 = arith.sitofp %mul3A_663 : vector<16xi32> to vector<16xf32>
    %swap3A_665 = arith.constant 96 : index
    %swap3A_666 = tpu.vector_load %arg7[%swap3A_665] {strides = array<i32>} : memref<256xf32, #tpu.memory_space<vmem>>, vector<16xf32>,
    %swap3A_667 = vector.shape_cast %swap3A_666 : vector<16xf32> to vector<16xf32>
    %swap3A_668 = vector.shape_cast %convert_element_type3A_664 : vector<16xf32> to vector<16xf32>
    tpu.vector_store %arg7[%swap3A_665], %swap3A_668 {strides = array<i32>} : memref<256xf32, #tpu.memory_space<vmem>>, vector<16xf32>,
    %mul3A_669 = arith.constant 262144 : i32
    %mul3A_670 = arith.muli %shift_right_logical3A_3, %mul3A_669 : i32
    %mul3A_671 = arith.constant 512 : i32
    %mul3A_672 = vector.broadcast %mul3A_671 : i32 to vector<16xi32>
    %mul3A_673 = arith.muli %min3A_660, %mul3A_672 : vector<16xi32>
    %mul3A_674 = arith.constant 512 : i32
    %mul3A_675 = vector.broadcast %mul3A_674 : i32 to vector<16xi32>
    %mul3A_676 = arith.muli %min3A_651, %mul3A_675 : vector<16xi32>
    %add3A_677 = vector.broadcast %mul3A_670 : i32 to vector<16xi32>
    %add3A_678 = arith.addi %add3A_677, %mul3A_673 : vector<16xi32>
    %add3A_679 = arith.addi %add3A_678, %min3A_642 : vector<16xi32>
    %add3A_680 = vector.broadcast %mul3A_670 : i32 to vector<16xi32>
    %add3A_681 = arith.addi %add3A_680, %mul3A_676 : vector<16xi32>
    %add3A_682 = arith.addi %add3A_681, %min3A_642 : vector<16xi32>
    %add3A_683 = vector.broadcast %mul3A_670 : i32 to vector<16xi32>
    %add3A_684 = arith.addi %add3A_683, %mul3A_673 : vector<16xi32>
    %add3A_685 = arith.addi %add3A_684, %min3A_633 : vector<16xi32>
    %add3A_686 = vector.broadcast %mul3A_670 : i32 to vector<16xi32>
    %add3A_687 = arith.addi %add3A_686, %mul3A_676 : vector<16xi32>
    %add3A_688 = arith.addi %add3A_687, %min3A_633 : vector<16xi32>
    %swap3A_689 = arith.constant 96 : index
    %swap3A_690 = tpu.vector_load %arg6[%swap3A_689] {strides = array<i32>} : memref<1024xi32, #tpu.memory_space<vmem>>, vector<16xi32>,
    %swap3A_691 = vector.shape_cast %swap3A_690 : vector<16xi32> to vector<16xi32>
    %swap3A_692 = vector.shape_cast %add3A_679 : vector<16xi32> to vector<16xi32>
    tpu.vector_store %arg6[%swap3A_689], %swap3A_692 {strides = array<i32>} : memref<1024xi32, #tpu.memory_space<vmem>>, vector<16xi32>,
    %swap3A_693 = arith.constant 352 : index
    %swap3A_694 = tpu.vector_load %arg6[%swap3A_693] {strides = array<i32>} : memref<1024xi32, #tpu.memory_space<vmem>>, vector<16xi32>,
    %swap3A_695 = vector.shape_cast %swap3A_694 : vector<16xi32> to vector<16xi32>
    %swap3A_696 = vector.shape_cast %add3A_682 : vector<16xi32> to vector<16xi32>
    tpu.vector_store %arg6[%swap3A_693], %swap3A_696 {strides = array<i32>} : memref<1024xi32, #tpu.memory_space<vmem>>, vector<16xi32>,
    %swap3A_697 = arith.constant 608 : index
    %swap3A_698 = tpu.vector_load %arg6[%swap3A_697] {strides = array<i32>} : memref<1024xi32, #tpu.memory_space<vmem>>, vector<16xi32>,
    %swap3A_699 = vector.shape_cast %swap3A_698 : vector<16xi32> to vector<16xi32>
    %swap3A_700 = vector.shape_cast %add3A_685 : vector<16xi32> to vector<16xi32>
    tpu.vector_store %arg6[%swap3A_697], %swap3A_700 {strides = array<i32>} : memref<1024xi32, #tpu.memory_space<vmem>>, vector<16xi32>,
    %swap3A_701 = arith.constant 864 : index
    %swap3A_702 = tpu.vector_load %arg6[%swap3A_701] {strides = array<i32>} : memref<1024xi32, #tpu.memory_space<vmem>>, vector<16xi32>,
    %swap3A_703 = vector.shape_cast %swap3A_702 : vector<16xi32> to vector<16xi32>
    %swap3A_704 = vector.shape_cast %add3A_688 : vector<16xi32> to vector<16xi32>
    tpu.vector_store %arg6[%swap3A_701], %swap3A_704 {strides = array<i32>} : memref<1024xi32, #tpu.memory_space<vmem>>, vector<16xi32>,
    %get3A_705 = arith.constant 112 : index
    %get3A_706 = tpu.vector_load %arg5[%get3A_705] {strides = array<i32>} : memref<512xf32, #tpu.memory_space<vmem>>, vector<16xf32>,
    %get3A_707 = vector.shape_cast %get3A_706 : vector<16xf32> to vector<16xf32>
    %get3A_708 = arith.constant 368 : index
    %get3A_709 = tpu.vector_load %arg5[%get3A_708] {strides = array<i32>} : memref<512xf32, #tpu.memory_space<vmem>>, vector<16xf32>,
    %get3A_710 = vector.shape_cast %get3A_709 : vector<16xf32> to vector<16xf32>
    %add3A_711 = arith.constant 1.000000e+00 : f32
    %add3A_712 = vector.broadcast %add3A_711 : f32 to vector<16xf32>
    %add3A_713 = arith.addf %get3A_707, %add3A_712 : vector<16xf32>
    %mul3A_714 = arith.constant 2.560000e+02 : f32
    %mul3A_715 = vector.broadcast %mul3A_714 : f32 to vector<16xf32>
    %mul3A_716 = arith.mulf %add3A_713, %mul3A_715 : vector<16xf32>
    %convert_element_type3A_717 = arith.fptosi %mul3A_716 : vector<16xf32> to vector<16xi32>
    %add3A_718 = arith.constant 1.000000e+00 : f32
    %add3A_719 = vector.broadcast %add3A_718 : f32 to vector<16xf32>
    %add3A_720 = arith.addf %get3A_710, %add3A_719 : vector<16xf32>
    %mul3A_721 = arith.constant 2.560000e+02 : f32
    %mul3A_722 = vector.broadcast %mul3A_721 : f32 to vector<16xf32>
    %mul3A_723 = arith.mulf %add3A_720, %mul3A_722 : vector<16xf32>
    %convert_element_type3A_724 = arith.fptosi %mul3A_723 : vector<16xf32> to vector<16xi32>
    %sub3A_725 = arith.constant 10 : i32
    %sub3A_726 = vector.broadcast %sub3A_725 : i32 to vector<16xi32>
    %sub3A_727 = arith.subi %convert_element_type3A_717, %sub3A_726 : vector<16xi32>
    %jit3A_728 = arith.constant 0 : i32
    %jit3A_729 = arith.constant 511 : i32
    %max3A_730 = vector.broadcast %jit3A_728 : i32 to vector<16xi32>
    %max3A_731 = arith.maxsi %max3A_730, %sub3A_727 : vector<16xi32>
    %min3A_732 = vector.broadcast %jit3A_729 : i32 to vector<16xi32>
    %min3A_733 = arith.minsi %min3A_732, %max3A_731 : vector<16xi32>
    %add3A_734 = arith.constant 10 : i32
    %add3A_735 = vector.broadcast %add3A_734 : i32 to vector<16xi32>
    %add3A_736 = arith.addi %convert_element_type3A_717, %add3A_735 : vector<16xi32>
    %jit3A_737 = arith.constant 0 : i32
    %jit3A_738 = arith.constant 511 : i32
    %max3A_739 = vector.broadcast %jit3A_737 : i32 to vector<16xi32>
    %max3A_740 = arith.maxsi %max3A_739, %add3A_736 : vector<16xi32>
    %min3A_741 = vector.broadcast %jit3A_738 : i32 to vector<16xi32>
    %min3A_742 = arith.minsi %min3A_741, %max3A_740 : vector<16xi32>
    %sub3A_743 = arith.constant 10 : i32
    %sub3A_744 = vector.broadcast %sub3A_743 : i32 to vector<16xi32>
    %sub3A_745 = arith.subi %convert_element_type3A_724, %sub3A_744 : vector<16xi32>
    %jit3A_746 = arith.constant 0 : i32
    %jit3A_747 = arith.constant 511 : i32
    %max3A_748 = vector.broadcast %jit3A_746 : i32 to vector<16xi32>
    %max3A_749 = arith.maxsi %max3A_748, %sub3A_745 : vector<16xi32>
    %min3A_750 = vector.broadcast %jit3A_747 : i32 to vector<16xi32>
    %min3A_751 = arith.minsi %min3A_750, %max3A_749 : vector<16xi32>
    %add3A_752 = arith.constant 10 : i32
    %add3A_753 = vector.broadcast %add3A_752 : i32 to vector<16xi32>
    %add3A_754 = arith.addi %convert_element_type3A_724, %add3A_753 : vector<16xi32>
    %jit3A_755 = arith.constant 0 : i32
    %jit3A_756 = arith.constant 511 : i32
    %max3A_757 = vector.broadcast %jit3A_755 : i32 to vector<16xi32>
    %max3A_758 = arith.maxsi %max3A_757, %add3A_754 : vector<16xi32>
    %min3A_759 = vector.broadcast %jit3A_756 : i32 to vector<16xi32>
    %min3A_760 = arith.minsi %min3A_759, %max3A_758 : vector<16xi32>
    %sub3A_761 = arith.subi %min3A_742, %min3A_733 : vector<16xi32>
    %sub3A_762 = arith.subi %min3A_760, %min3A_751 : vector<16xi32>
    %mul3A_763 = arith.muli %sub3A_761, %sub3A_762 : vector<16xi32>
    %convert_element_type3A_764 = arith.sitofp %mul3A_763 : vector<16xi32> to vector<16xf32>
    %swap3A_765 = arith.constant 112 : index
    %swap3A_766 = tpu.vector_load %arg7[%swap3A_765] {strides = array<i32>} : memref<256xf32, #tpu.memory_space<vmem>>, vector<16xf32>,
    %swap3A_767 = vector.shape_cast %swap3A_766 : vector<16xf32> to vector<16xf32>
    %swap3A_768 = vector.shape_cast %convert_element_type3A_764 : vector<16xf32> to vector<16xf32>
    tpu.vector_store %arg7[%swap3A_765], %swap3A_768 {strides = array<i32>} : memref<256xf32, #tpu.memory_space<vmem>>, vector<16xf32>,
    %mul3A_769 = arith.constant 262144 : i32
    %mul3A_770 = arith.muli %shift_right_logical3A_3, %mul3A_769 : i32
    %mul3A_771 = arith.constant 512 : i32
    %mul3A_772 = vector.broadcast %mul3A_771 : i32 to vector<16xi32>
    %mul3A_773 = arith.muli %min3A_760, %mul3A_772 : vector<16xi32>
    %mul3A_774 = arith.constant 512 : i32
    %mul3A_775 = vector.broadcast %mul3A_774 : i32 to vector<16xi32>
    %mul3A_776 = arith.muli %min3A_751, %mul3A_775 : vector<16xi32>
    %add3A_777 = vector.broadcast %mul3A_770 : i32 to vector<16xi32>
    %add3A_778 = arith.addi %add3A_777, %mul3A_773 : vector<16xi32>
    %add3A_779 = arith.addi %add3A_778, %min3A_742 : vector<16xi32>
    %add3A_780 = vector.broadcast %mul3A_770 : i32 to vector<16xi32>
    %add3A_781 = arith.addi %add3A_780, %mul3A_776 : vector<16xi32>
    %add3A_782 = arith.addi %add3A_781, %min3A_742 : vector<16xi32>
    %add3A_783 = vector.broadcast %mul3A_770 : i32 to vector<16xi32>
    %add3A_784 = arith.addi %add3A_783, %mul3A_773 : vector<16xi32>
    %add3A_785 = arith.addi %add3A_784, %min3A_733 : vector<16xi32>
    %add3A_786 = vector.broadcast %mul3A_770 : i32 to vector<16xi32>
    %add3A_787 = arith.addi %add3A_786, %mul3A_776 : vector<16xi32>
    %add3A_788 = arith.addi %add3A_787, %min3A_733 : vector<16xi32>
    %swap3A_789 = arith.constant 112 : index
    %swap3A_790 = tpu.vector_load %arg6[%swap3A_789] {strides = array<i32>} : memref<1024xi32, #tpu.memory_space<vmem>>, vector<16xi32>,
    %swap3A_791 = vector.shape_cast %swap3A_790 : vector<16xi32> to vector<16xi32>
    %swap3A_792 = vector.shape_cast %add3A_779 : vector<16xi32> to vector<16xi32>
    tpu.vector_store %arg6[%swap3A_789], %swap3A_792 {strides = array<i32>} : memref<1024xi32, #tpu.memory_space<vmem>>, vector<16xi32>,
    %swap3A_793 = arith.constant 368 : index
    %swap3A_794 = tpu.vector_load %arg6[%swap3A_793] {strides = array<i32>} : memref<1024xi32, #tpu.memory_space<vmem>>, vector<16xi32>,
    %swap3A_795 = vector.shape_cast %swap3A_794 : vector<16xi32> to vector<16xi32>
    %swap3A_796 = vector.shape_cast %add3A_782 : vector<16xi32> to vector<16xi32>
    tpu.vector_store %arg6[%swap3A_793], %swap3A_796 {strides = array<i32>} : memref<1024xi32, #tpu.memory_space<vmem>>, vector<16xi32>,
    %swap3A_797 = arith.constant 624 : index
    %swap3A_798 = tpu.vector_load %arg6[%swap3A_797] {strides = array<i32>} : memref<1024xi32, #tpu.memory_space<vmem>>, vector<16xi32>,
    %swap3A_799 = vector.shape_cast %swap3A_798 : vector<16xi32> to vector<16xi32>
    %swap3A_800 = vector.shape_cast %add3A_785 : vector<16xi32> to vector<16xi32>
    tpu.vector_store %arg6[%swap3A_797], %swap3A_800 {strides = array<i32>} : memref<1024xi32, #tpu.memory_space<vmem>>, vector<16xi32>,
    %swap3A_801 = arith.constant 880 : index
    %swap3A_802 = tpu.vector_load %arg6[%swap3A_801] {strides = array<i32>} : memref<1024xi32, #tpu.memory_space<vmem>>, vector<16xi32>,
    %swap3A_803 = vector.shape_cast %swap3A_802 : vector<16xi32> to vector<16xi32>
    %swap3A_804 = vector.shape_cast %add3A_788 : vector<16xi32> to vector<16xi32>
    tpu.vector_store %arg6[%swap3A_801], %swap3A_804 {strides = array<i32>} : memref<1024xi32, #tpu.memory_space<vmem>>, vector<16xi32>,
    %dma_start3A = arith.constant 0 : i32
    %dma_start3A_805 = tpu.memref_slice %arg8[%dma_start3A] : memref<1024xf32, #tpu.memory_space<vmem>> -> memref<128xf32, #tpu.memory_space<vmem>>
    %dma_start3A_806 = arith.constant 0 : i32
    %dma_start3A_807 = tpu.memref_slice %arg6[%dma_start3A_806] : memref<1024xi32, #tpu.memory_space<vmem>> -> memref<128xi32, #tpu.memory_space<vmem>>
    %dma_start3A_808 = arith.constant 0 : i32
    %dma_start3A_809 = tpu.memref_slice %arg3[%dma_start3A_808] : memref<4194304xf32, #tpu.memory_space<hbm>> -> memref<4194304xf32, #tpu.memory_space<hbm>>
    tpu.enqueue_indirect_dma source(%dma_start3A_809 : memref<4194304xf32, #tpu.memory_space<hbm>>) target(%dma_start3A_805 : memref<128xf32, #tpu.memory_space<vmem>>) offsets(%dma_start3A_807 : memref<128xi32, #tpu.memory_space<vmem>>) semaphore(%arg10 : memref<!tpu.dma_semaphore, #tpu.memory_space<semaphore_mem>>)
    %dma_start3A_810 = arith.constant 256 : i32
    %dma_start3A_811 = tpu.memref_slice %arg8[%dma_start3A_810] : memref<1024xf32, #tpu.memory_space<vmem>> -> memref<128xf32, #tpu.memory_space<vmem>>
    %dma_start3A_812 = arith.constant 256 : i32
    %dma_start3A_813 = tpu.memref_slice %arg6[%dma_start3A_812] : memref<1024xi32, #tpu.memory_space<vmem>> -> memref<128xi32, #tpu.memory_space<vmem>>
    %dma_start3A_814 = arith.constant 0 : i32
    %dma_start3A_815 = tpu.memref_slice %arg3[%dma_start3A_814] : memref<4194304xf32, #tpu.memory_space<hbm>> -> memref<4194304xf32, #tpu.memory_space<hbm>>
    tpu.enqueue_indirect_dma source(%dma_start3A_815 : memref<4194304xf32, #tpu.memory_space<hbm>>) target(%dma_start3A_811 : memref<128xf32, #tpu.memory_space<vmem>>) offsets(%dma_start3A_813 : memref<128xi32, #tpu.memory_space<vmem>>) semaphore(%arg10 : memref<!tpu.dma_semaphore, #tpu.memory_space<semaphore_mem>>)
    %dma_start3A_816 = arith.constant 512 : i32
    %dma_start3A_817 = tpu.memref_slice %arg8[%dma_start3A_816] : memref<1024xf32, #tpu.memory_space<vmem>> -> memref<128xf32, #tpu.memory_space<vmem>>
    %dma_start3A_818 = arith.constant 512 : i32
    %dma_start3A_819 = tpu.memref_slice %arg6[%dma_start3A_818] : memref<1024xi32, #tpu.memory_space<vmem>> -> memref<128xi32, #tpu.memory_space<vmem>>
    %dma_start3A_820 = arith.constant 0 : i32
    %dma_start3A_821 = tpu.memref_slice %arg3[%dma_start3A_820] : memref<4194304xf32, #tpu.memory_space<hbm>> -> memref<4194304xf32, #tpu.memory_space<hbm>>
    tpu.enqueue_indirect_dma source(%dma_start3A_821 : memref<4194304xf32, #tpu.memory_space<hbm>>) target(%dma_start3A_817 : memref<128xf32, #tpu.memory_space<vmem>>) offsets(%dma_start3A_819 : memref<128xi32, #tpu.memory_space<vmem>>) semaphore(%arg10 : memref<!tpu.dma_semaphore, #tpu.memory_space<semaphore_mem>>)
    %dma_start3A_822 = arith.constant 768 : i32
    %dma_start3A_823 = tpu.memref_slice %arg8[%dma_start3A_822] : memref<1024xf32, #tpu.memory_space<vmem>> -> memref<128xf32, #tpu.memory_space<vmem>>
    %dma_start3A_824 = arith.constant 768 : i32
    %dma_start3A_825 = tpu.memref_slice %arg6[%dma_start3A_824] : memref<1024xi32, #tpu.memory_space<vmem>> -> memref<128xi32, #tpu.memory_space<vmem>>
    %dma_start3A_826 = arith.constant 0 : i32
    %dma_start3A_827 = tpu.memref_slice %arg3[%dma_start3A_826] : memref<4194304xf32, #tpu.memory_space<hbm>> -> memref<4194304xf32, #tpu.memory_space<hbm>>
    tpu.enqueue_indirect_dma source(%dma_start3A_827 : memref<4194304xf32, #tpu.memory_space<hbm>>) target(%dma_start3A_823 : memref<128xf32, #tpu.memory_space<vmem>>) offsets(%dma_start3A_825 : memref<128xi32, #tpu.memory_space<vmem>>) semaphore(%arg10 : memref<!tpu.dma_semaphore, #tpu.memory_space<semaphore_mem>>)
    %get3A_828 = arith.constant 128 : index
    %get3A_829 = tpu.vector_load %arg5[%get3A_828] {strides = array<i32>} : memref<512xf32, #tpu.memory_space<vmem>>, vector<16xf32>,
    %get3A_830 = vector.shape_cast %get3A_829 : vector<16xf32> to vector<16xf32>
    %get3A_831 = arith.constant 384 : index
    %get3A_832 = tpu.vector_load %arg5[%get3A_831] {strides = array<i32>} : memref<512xf32, #tpu.memory_space<vmem>>, vector<16xf32>,
    %get3A_833 = vector.shape_cast %get3A_832 : vector<16xf32> to vector<16xf32>
    %add3A_834 = arith.constant 1.000000e+00 : f32
    %add3A_835 = vector.broadcast %add3A_834 : f32 to vector<16xf32>
    %add3A_836 = arith.addf %get3A_830, %add3A_835 : vector<16xf32>
    %mul3A_837 = arith.constant 2.560000e+02 : f32
    %mul3A_838 = vector.broadcast %mul3A_837 : f32 to vector<16xf32>
    %mul3A_839 = arith.mulf %add3A_836, %mul3A_838 : vector<16xf32>
    %convert_element_type3A_840 = arith.fptosi %mul3A_839 : vector<16xf32> to vector<16xi32>
    %add3A_841 = arith.constant 1.000000e+00 : f32
    %add3A_842 = vector.broadcast %add3A_841 : f32 to vector<16xf32>
    %add3A_843 = arith.addf %get3A_833, %add3A_842 : vector<16xf32>
    %mul3A_844 = arith.constant 2.560000e+02 : f32
    %mul3A_845 = vector.broadcast %mul3A_844 : f32 to vector<16xf32>
    %mul3A_846 = arith.mulf %add3A_843, %mul3A_845 : vector<16xf32>
    %convert_element_type3A_847 = arith.fptosi %mul3A_846 : vector<16xf32> to vector<16xi32>
    %sub3A_848 = arith.constant 10 : i32
    %sub3A_849 = vector.broadcast %sub3A_848 : i32 to vector<16xi32>
    %sub3A_850 = arith.subi %convert_element_type3A_840, %sub3A_849 : vector<16xi32>
    %jit3A_851 = arith.constant 0 : i32
    %jit3A_852 = arith.constant 511 : i32
    %max3A_853 = vector.broadcast %jit3A_851 : i32 to vector<16xi32>
    %max3A_854 = arith.maxsi %max3A_853, %sub3A_850 : vector<16xi32>
    %min3A_855 = vector.broadcast %jit3A_852 : i32 to vector<16xi32>
    %min3A_856 = arith.minsi %min3A_855, %max3A_854 : vector<16xi32>
    %add3A_857 = arith.constant 10 : i32
    %add3A_858 = vector.broadcast %add3A_857 : i32 to vector<16xi32>
    %add3A_859 = arith.addi %convert_element_type3A_840, %add3A_858 : vector<16xi32>
    %jit3A_860 = arith.constant 0 : i32
    %jit3A_861 = arith.constant 511 : i32
    %max3A_862 = vector.broadcast %jit3A_860 : i32 to vector<16xi32>
    %max3A_863 = arith.maxsi %max3A_862, %add3A_859 : vector<16xi32>
    %min3A_864 = vector.broadcast %jit3A_861 : i32 to vector<16xi32>
    %min3A_865 = arith.minsi %min3A_864, %max3A_863 : vector<16xi32>
    %sub3A_866 = arith.constant 10 : i32
    %sub3A_867 = vector.broadcast %sub3A_866 : i32 to vector<16xi32>
    %sub3A_868 = arith.subi %convert_element_type3A_847, %sub3A_867 : vector<16xi32>
    %jit3A_869 = arith.constant 0 : i32
    %jit3A_870 = arith.constant 511 : i32
    %max3A_871 = vector.broadcast %jit3A_869 : i32 to vector<16xi32>
    %max3A_872 = arith.maxsi %max3A_871, %sub3A_868 : vector<16xi32>
    %min3A_873 = vector.broadcast %jit3A_870 : i32 to vector<16xi32>
    %min3A_874 = arith.minsi %min3A_873, %max3A_872 : vector<16xi32>
    %add3A_875 = arith.constant 10 : i32
    %add3A_876 = vector.broadcast %add3A_875 : i32 to vector<16xi32>
    %add3A_877 = arith.addi %convert_element_type3A_847, %add3A_876 : vector<16xi32>
    %jit3A_878 = arith.constant 0 : i32
    %jit3A_879 = arith.constant 511 : i32
    %max3A_880 = vector.broadcast %jit3A_878 : i32 to vector<16xi32>
    %max3A_881 = arith.maxsi %max3A_880, %add3A_877 : vector<16xi32>
    %min3A_882 = vector.broadcast %jit3A_879 : i32 to vector<16xi32>
    %min3A_883 = arith.minsi %min3A_882, %max3A_881 : vector<16xi32>
    %sub3A_884 = arith.subi %min3A_865, %min3A_856 : vector<16xi32>
    %sub3A_885 = arith.subi %min3A_883, %min3A_874 : vector<16xi32>
    %mul3A_886 = arith.muli %sub3A_884, %sub3A_885 : vector<16xi32>
    %convert_element_type3A_887 = arith.sitofp %mul3A_886 : vector<16xi32> to vector<16xf32>
    %swap3A_888 = arith.constant 128 : index
    %swap3A_889 = tpu.vector_load %arg7[%swap3A_888] {strides = array<i32>} : memref<256xf32, #tpu.memory_space<vmem>>, vector<16xf32>,
    %swap3A_890 = vector.shape_cast %swap3A_889 : vector<16xf32> to vector<16xf32>
    %swap3A_891 = vector.shape_cast %convert_element_type3A_887 : vector<16xf32> to vector<16xf32>
    tpu.vector_store %arg7[%swap3A_888], %swap3A_891 {strides = array<i32>} : memref<256xf32, #tpu.memory_space<vmem>>, vector<16xf32>,
    %mul3A_892 = arith.constant 262144 : i32
    %mul3A_893 = arith.muli %shift_right_logical3A_3, %mul3A_892 : i32
    %mul3A_894 = arith.constant 512 : i32
    %mul3A_895 = vector.broadcast %mul3A_894 : i32 to vector<16xi32>
    %mul3A_896 = arith.muli %min3A_883, %mul3A_895 : vector<16xi32>
    %mul3A_897 = arith.constant 512 : i32
    %mul3A_898 = vector.broadcast %mul3A_897 : i32 to vector<16xi32>
    %mul3A_899 = arith.muli %min3A_874, %mul3A_898 : vector<16xi32>
    %add3A_900 = vector.broadcast %mul3A_893 : i32 to vector<16xi32>
    %add3A_901 = arith.addi %add3A_900, %mul3A_896 : vector<16xi32>
    %add3A_902 = arith.addi %add3A_901, %min3A_865 : vector<16xi32>
    %add3A_903 = vector.broadcast %mul3A_893 : i32 to vector<16xi32>
    %add3A_904 = arith.addi %add3A_903, %mul3A_899 : vector<16xi32>
    %add3A_905 = arith.addi %add3A_904, %min3A_865 : vector<16xi32>
    %add3A_906 = vector.broadcast %mul3A_893 : i32 to vector<16xi32>
    %add3A_907 = arith.addi %add3A_906, %mul3A_896 : vector<16xi32>
    %add3A_908 = arith.addi %add3A_907, %min3A_856 : vector<16xi32>
    %add3A_909 = vector.broadcast %mul3A_893 : i32 to vector<16xi32>
    %add3A_910 = arith.addi %add3A_909, %mul3A_899 : vector<16xi32>
    %add3A_911 = arith.addi %add3A_910, %min3A_856 : vector<16xi32>
    %swap3A_912 = arith.constant 128 : index
    %swap3A_913 = tpu.vector_load %arg6[%swap3A_912] {strides = array<i32>} : memref<1024xi32, #tpu.memory_space<vmem>>, vector<16xi32>,
    %swap3A_914 = vector.shape_cast %swap3A_913 : vector<16xi32> to vector<16xi32>
    %swap3A_915 = vector.shape_cast %add3A_902 : vector<16xi32> to vector<16xi32>
    tpu.vector_store %arg6[%swap3A_912], %swap3A_915 {strides = array<i32>} : memref<1024xi32, #tpu.memory_space<vmem>>, vector<16xi32>,
    %swap3A_916 = arith.constant 384 : index
    %swap3A_917 = tpu.vector_load %arg6[%swap3A_916] {strides = array<i32>} : memref<1024xi32, #tpu.memory_space<vmem>>, vector<16xi32>,
    %swap3A_918 = vector.shape_cast %swap3A_917 : vector<16xi32> to vector<16xi32>
    %swap3A_919 = vector.shape_cast %add3A_905 : vector<16xi32> to vector<16xi32>
    tpu.vector_store %arg6[%swap3A_916], %swap3A_919 {strides = array<i32>} : memref<1024xi32, #tpu.memory_space<vmem>>, vector<16xi32>,
    %swap3A_920 = arith.constant 640 : index
    %swap3A_921 = tpu.vector_load %arg6[%swap3A_920] {strides = array<i32>} : memref<1024xi32, #tpu.memory_space<vmem>>, vector<16xi32>,
    %swap3A_922 = vector.shape_cast %swap3A_921 : vector<16xi32> to vector<16xi32>
    %swap3A_923 = vector.shape_cast %add3A_908 : vector<16xi32> to vector<16xi32>
    tpu.vector_store %arg6[%swap3A_920], %swap3A_923 {strides = array<i32>} : memref<1024xi32, #tpu.memory_space<vmem>>, vector<16xi32>,
    %swap3A_924 = arith.constant 896 : index
    %swap3A_925 = tpu.vector_load %arg6[%swap3A_924] {strides = array<i32>} : memref<1024xi32, #tpu.memory_space<vmem>>, vector<16xi32>,
    %swap3A_926 = vector.shape_cast %swap3A_925 : vector<16xi32> to vector<16xi32>
    %swap3A_927 = vector.shape_cast %add3A_911 : vector<16xi32> to vector<16xi32>
    tpu.vector_store %arg6[%swap3A_924], %swap3A_927 {strides = array<i32>} : memref<1024xi32, #tpu.memory_space<vmem>>, vector<16xi32>,
    %get3A_928 = arith.constant 144 : index
    %get3A_929 = tpu.vector_load %arg5[%get3A_928] {strides = array<i32>} : memref<512xf32, #tpu.memory_space<vmem>>, vector<16xf32>,
    %get3A_930 = vector.shape_cast %get3A_929 : vector<16xf32> to vector<16xf32>
    %get3A_931 = arith.constant 400 : index
    %get3A_932 = tpu.vector_load %arg5[%get3A_931] {strides = array<i32>} : memref<512xf32, #tpu.memory_space<vmem>>, vector<16xf32>,
    %get3A_933 = vector.shape_cast %get3A_932 : vector<16xf32> to vector<16xf32>
    %add3A_934 = arith.constant 1.000000e+00 : f32
    %add3A_935 = vector.broadcast %add3A_934 : f32 to vector<16xf32>
    %add3A_936 = arith.addf %get3A_930, %add3A_935 : vector<16xf32>
    %mul3A_937 = arith.constant 2.560000e+02 : f32
    %mul3A_938 = vector.broadcast %mul3A_937 : f32 to vector<16xf32>
    %mul3A_939 = arith.mulf %add3A_936, %mul3A_938 : vector<16xf32>
    %convert_element_type3A_940 = arith.fptosi %mul3A_939 : vector<16xf32> to vector<16xi32>
    %add3A_941 = arith.constant 1.000000e+00 : f32
    %add3A_942 = vector.broadcast %add3A_941 : f32 to vector<16xf32>
    %add3A_943 = arith.addf %get3A_933, %add3A_942 : vector<16xf32>
    %mul3A_944 = arith.constant 2.560000e+02 : f32
    %mul3A_945 = vector.broadcast %mul3A_944 : f32 to vector<16xf32>
    %mul3A_946 = arith.mulf %add3A_943, %mul3A_945 : vector<16xf32>
    %convert_element_type3A_947 = arith.fptosi %mul3A_946 : vector<16xf32> to vector<16xi32>
    %sub3A_948 = arith.constant 10 : i32
    %sub3A_949 = vector.broadcast %sub3A_948 : i32 to vector<16xi32>
    %sub3A_950 = arith.subi %convert_element_type3A_940, %sub3A_949 : vector<16xi32>
    %jit3A_951 = arith.constant 0 : i32
    %jit3A_952 = arith.constant 511 : i32
    %max3A_953 = vector.broadcast %jit3A_951 : i32 to vector<16xi32>
    %max3A_954 = arith.maxsi %max3A_953, %sub3A_950 : vector<16xi32>
    %min3A_955 = vector.broadcast %jit3A_952 : i32 to vector<16xi32>
    %min3A_956 = arith.minsi %min3A_955, %max3A_954 : vector<16xi32>
    %add3A_957 = arith.constant 10 : i32
    %add3A_958 = vector.broadcast %add3A_957 : i32 to vector<16xi32>
    %add3A_959 = arith.addi %convert_element_type3A_940, %add3A_958 : vector<16xi32>
    %jit3A_960 = arith.constant 0 : i32
    %jit3A_961 = arith.constant 511 : i32
    %max3A_962 = vector.broadcast %jit3A_960 : i32 to vector<16xi32>
    %max3A_963 = arith.maxsi %max3A_962, %add3A_959 : vector<16xi32>
    %min3A_964 = vector.broadcast %jit3A_961 : i32 to vector<16xi32>
    %min3A_965 = arith.minsi %min3A_964, %max3A_963 : vector<16xi32>
    %sub3A_966 = arith.constant 10 : i32
    %sub3A_967 = vector.broadcast %sub3A_966 : i32 to vector<16xi32>
    %sub3A_968 = arith.subi %convert_element_type3A_947, %sub3A_967 : vector<16xi32>
    %jit3A_969 = arith.constant 0 : i32
    %jit3A_970 = arith.constant 511 : i32
    %max3A_971 = vector.broadcast %jit3A_969 : i32 to vector<16xi32>
    %max3A_972 = arith.maxsi %max3A_971, %sub3A_968 : vector<16xi32>
    %min3A_973 = vector.broadcast %jit3A_970 : i32 to vector<16xi32>
    %min3A_974 = arith.minsi %min3A_973, %max3A_972 : vector<16xi32>
    %add3A_975 = arith.constant 10 : i32
    %add3A_976 = vector.broadcast %add3A_975 : i32 to vector<16xi32>
    %add3A_977 = arith.addi %convert_element_type3A_947, %add3A_976 : vector<16xi32>
    %jit3A_978 = arith.constant 0 : i32
    %jit3A_979 = arith.constant 511 : i32
    %max3A_980 = vector.broadcast %jit3A_978 : i32 to vector<16xi32>
    %max3A_981 = arith.maxsi %max3A_980, %add3A_977 : vector<16xi32>
    %min3A_982 = vector.broadcast %jit3A_979 : i32 to vector<16xi32>
    %min3A_983 = arith.minsi %min3A_982, %max3A_981 : vector<16xi32>
    %sub3A_984 = arith.subi %min3A_965, %min3A_956 : vector<16xi32>
    %sub3A_985 = arith.subi %min3A_983, %min3A_974 : vector<16xi32>
    %mul3A_986 = arith.muli %sub3A_984, %sub3A_985 : vector<16xi32>
    %convert_element_type3A_987 = arith.sitofp %mul3A_986 : vector<16xi32> to vector<16xf32>
    %swap3A_988 = arith.constant 144 : index
    %swap3A_989 = tpu.vector_load %arg7[%swap3A_988] {strides = array<i32>} : memref<256xf32, #tpu.memory_space<vmem>>, vector<16xf32>,
    %swap3A_990 = vector.shape_cast %swap3A_989 : vector<16xf32> to vector<16xf32>
    %swap3A_991 = vector.shape_cast %convert_element_type3A_987 : vector<16xf32> to vector<16xf32>
    tpu.vector_store %arg7[%swap3A_988], %swap3A_991 {strides = array<i32>} : memref<256xf32, #tpu.memory_space<vmem>>, vector<16xf32>,
    %mul3A_992 = arith.constant 262144 : i32
    %mul3A_993 = arith.muli %shift_right_logical3A_3, %mul3A_992 : i32
    %mul3A_994 = arith.constant 512 : i32
    %mul3A_995 = vector.broadcast %mul3A_994 : i32 to vector<16xi32>
    %mul3A_996 = arith.muli %min3A_983, %mul3A_995 : vector<16xi32>
    %mul3A_997 = arith.constant 512 : i32
    %mul3A_998 = vector.broadcast %mul3A_997 : i32 to vector<16xi32>
    %mul3A_999 = arith.muli %min3A_974, %mul3A_998 : vector<16xi32>
    %add3A_1000 = vector.broadcast %mul3A_993 : i32 to vector<16xi32>
    %add3A_1001 = arith.addi %add3A_1000, %mul3A_996 : vector<16xi32>
    %add3A_1002 = arith.addi %add3A_1001, %min3A_965 : vector<16xi32>
    %add3A_1003 = vector.broadcast %mul3A_993 : i32 to vector<16xi32>
    %add3A_1004 = arith.addi %add3A_1003, %mul3A_999 : vector<16xi32>
    %add3A_1005 = arith.addi %add3A_1004, %min3A_965 : vector<16xi32>
    %add3A_1006 = vector.broadcast %mul3A_993 : i32 to vector<16xi32>
    %add3A_1007 = arith.addi %add3A_1006, %mul3A_996 : vector<16xi32>
    %add3A_1008 = arith.addi %add3A_1007, %min3A_956 : vector<16xi32>
    %add3A_1009 = vector.broadcast %mul3A_993 : i32 to vector<16xi32>
    %add3A_1010 = arith.addi %add3A_1009, %mul3A_999 : vector<16xi32>
    %add3A_1011 = arith.addi %add3A_1010, %min3A_956 : vector<16xi32>
    %swap3A_1012 = arith.constant 144 : index
    %swap3A_1013 = tpu.vector_load %arg6[%swap3A_1012] {strides = array<i32>} : memref<1024xi32, #tpu.memory_space<vmem>>, vector<16xi32>,
    %swap3A_1014 = vector.shape_cast %swap3A_1013 : vector<16xi32> to vector<16xi32>
    %swap3A_1015 = vector.shape_cast %add3A_1002 : vector<16xi32> to vector<16xi32>
    tpu.vector_store %arg6[%swap3A_1012], %swap3A_1015 {strides = array<i32>} : memref<1024xi32, #tpu.memory_space<vmem>>, vector<16xi32>,
    %swap3A_1016 = arith.constant 400 : index
    %swap3A_1017 = tpu.vector_load %arg6[%swap3A_1016] {strides = array<i32>} : memref<1024xi32, #tpu.memory_space<vmem>>, vector<16xi32>,
    %swap3A_1018 = vector.shape_cast %swap3A_1017 : vector<16xi32> to vector<16xi32>
    %swap3A_1019 = vector.shape_cast %add3A_1005 : vector<16xi32> to vector<16xi32>
    tpu.vector_store %arg6[%swap3A_1016], %swap3A_1019 {strides = array<i32>} : memref<1024xi32, #tpu.memory_space<vmem>>, vector<16xi32>,
    %swap3A_1020 = arith.constant 656 : index
    %swap3A_1021 = tpu.vector_load %arg6[%swap3A_1020] {strides = array<i32>} : memref<1024xi32, #tpu.memory_space<vmem>>, vector<16xi32>,
    %swap3A_1022 = vector.shape_cast %swap3A_1021 : vector<16xi32> to vector<16xi32>
    %swap3A_1023 = vector.shape_cast %add3A_1008 : vector<16xi32> to vector<16xi32>
    tpu.vector_store %arg6[%swap3A_1020], %swap3A_1023 {strides = array<i32>} : memref<1024xi32, #tpu.memory_space<vmem>>, vector<16xi32>,
    %swap3A_1024 = arith.constant 912 : index
    %swap3A_1025 = tpu.vector_load %arg6[%swap3A_1024] {strides = array<i32>} : memref<1024xi32, #tpu.memory_space<vmem>>, vector<16xi32>,
    %swap3A_1026 = vector.shape_cast %swap3A_1025 : vector<16xi32> to vector<16xi32>
    %swap3A_1027 = vector.shape_cast %add3A_1011 : vector<16xi32> to vector<16xi32>
    tpu.vector_store %arg6[%swap3A_1024], %swap3A_1027 {strides = array<i32>} : memref<1024xi32, #tpu.memory_space<vmem>>, vector<16xi32>,
    %get3A_1028 = arith.constant 160 : index
    %get3A_1029 = tpu.vector_load %arg5[%get3A_1028] {strides = array<i32>} : memref<512xf32, #tpu.memory_space<vmem>>, vector<16xf32>,
    %get3A_1030 = vector.shape_cast %get3A_1029 : vector<16xf32> to vector<16xf32>
    %get3A_1031 = arith.constant 416 : index
    %get3A_1032 = tpu.vector_load %arg5[%get3A_1031] {strides = array<i32>} : memref<512xf32, #tpu.memory_space<vmem>>, vector<16xf32>,
    %get3A_1033 = vector.shape_cast %get3A_1032 : vector<16xf32> to vector<16xf32>
    %add3A_1034 = arith.constant 1.000000e+00 : f32
    %add3A_1035 = vector.broadcast %add3A_1034 : f32 to vector<16xf32>
    %add3A_1036 = arith.addf %get3A_1030, %add3A_1035 : vector<16xf32>
    %mul3A_1037 = arith.constant 2.560000e+02 : f32
    %mul3A_1038 = vector.broadcast %mul3A_1037 : f32 to vector<16xf32>
    %mul3A_1039 = arith.mulf %add3A_1036, %mul3A_1038 : vector<16xf32>
    %convert_element_type3A_1040 = arith.fptosi %mul3A_1039 : vector<16xf32> to vector<16xi32>
    %add3A_1041 = arith.constant 1.000000e+00 : f32
    %add3A_1042 = vector.broadcast %add3A_1041 : f32 to vector<16xf32>
    %add3A_1043 = arith.addf %get3A_1033, %add3A_1042 : vector<16xf32>
    %mul3A_1044 = arith.constant 2.560000e+02 : f32
    %mul3A_1045 = vector.broadcast %mul3A_1044 : f32 to vector<16xf32>
    %mul3A_1046 = arith.mulf %add3A_1043, %mul3A_1045 : vector<16xf32>
    %convert_element_type3A_1047 = arith.fptosi %mul3A_1046 : vector<16xf32> to vector<16xi32>
    %sub3A_1048 = arith.constant 10 : i32
    %sub3A_1049 = vector.broadcast %sub3A_1048 : i32 to vector<16xi32>
    %sub3A_1050 = arith.subi %convert_element_type3A_1040, %sub3A_1049 : vector<16xi32>
    %jit3A_1051 = arith.constant 0 : i32
    %jit3A_1052 = arith.constant 511 : i32
    %max3A_1053 = vector.broadcast %jit3A_1051 : i32 to vector<16xi32>
    %max3A_1054 = arith.maxsi %max3A_1053, %sub3A_1050 : vector<16xi32>
    %min3A_1055 = vector.broadcast %jit3A_1052 : i32 to vector<16xi32>
    %min3A_1056 = arith.minsi %min3A_1055, %max3A_1054 : vector<16xi32>
    %add3A_1057 = arith.constant 10 : i32
    %add3A_1058 = vector.broadcast %add3A_1057 : i32 to vector<16xi32>
    %add3A_1059 = arith.addi %convert_element_type3A_1040, %add3A_1058 : vector<16xi32>
    %jit3A_1060 = arith.constant 0 : i32
    %jit3A_1061 = arith.constant 511 : i32
    %max3A_1062 = vector.broadcast %jit3A_1060 : i32 to vector<16xi32>
    %max3A_1063 = arith.maxsi %max3A_1062, %add3A_1059 : vector<16xi32>
    %min3A_1064 = vector.broadcast %jit3A_1061 : i32 to vector<16xi32>
    %min3A_1065 = arith.minsi %min3A_1064, %max3A_1063 : vector<16xi32>
    %sub3A_1066 = arith.constant 10 : i32
    %sub3A_1067 = vector.broadcast %sub3A_1066 : i32 to vector<16xi32>
    %sub3A_1068 = arith.subi %convert_element_type3A_1047, %sub3A_1067 : vector<16xi32>
    %jit3A_1069 = arith.constant 0 : i32
    %jit3A_1070 = arith.constant 511 : i32
    %max3A_1071 = vector.broadcast %jit3A_1069 : i32 to vector<16xi32>
    %max3A_1072 = arith.maxsi %max3A_1071, %sub3A_1068 : vector<16xi32>
    %min3A_1073 = vector.broadcast %jit3A_1070 : i32 to vector<16xi32>
    %min3A_1074 = arith.minsi %min3A_1073, %max3A_1072 : vector<16xi32>
    %add3A_1075 = arith.constant 10 : i32
    %add3A_1076 = vector.broadcast %add3A_1075 : i32 to vector<16xi32>
    %add3A_1077 = arith.addi %convert_element_type3A_1047, %add3A_1076 : vector<16xi32>
    %jit3A_1078 = arith.constant 0 : i32
    %jit3A_1079 = arith.constant 511 : i32
    %max3A_1080 = vector.broadcast %jit3A_1078 : i32 to vector<16xi32>
    %max3A_1081 = arith.maxsi %max3A_1080, %add3A_1077 : vector<16xi32>
    %min3A_1082 = vector.broadcast %jit3A_1079 : i32 to vector<16xi32>
    %min3A_1083 = arith.minsi %min3A_1082, %max3A_1081 : vector<16xi32>
    %sub3A_1084 = arith.subi %min3A_1065, %min3A_1056 : vector<16xi32>
    %sub3A_1085 = arith.subi %min3A_1083, %min3A_1074 : vector<16xi32>
    %mul3A_1086 = arith.muli %sub3A_1084, %sub3A_1085 : vector<16xi32>
    %convert_element_type3A_1087 = arith.sitofp %mul3A_1086 : vector<16xi32> to vector<16xf32>
    %swap3A_1088 = arith.constant 160 : index
    %swap3A_1089 = tpu.vector_load %arg7[%swap3A_1088] {strides = array<i32>} : memref<256xf32, #tpu.memory_space<vmem>>, vector<16xf32>,
    %swap3A_1090 = vector.shape_cast %swap3A_1089 : vector<16xf32> to vector<16xf32>
    %swap3A_1091 = vector.shape_cast %convert_element_type3A_1087 : vector<16xf32> to vector<16xf32>
    tpu.vector_store %arg7[%swap3A_1088], %swap3A_1091 {strides = array<i32>} : memref<256xf32, #tpu.memory_space<vmem>>, vector<16xf32>,
    %mul3A_1092 = arith.constant 262144 : i32
    %mul3A_1093 = arith.muli %shift_right_logical3A_3, %mul3A_1092 : i32
    %mul3A_1094 = arith.constant 512 : i32
    %mul3A_1095 = vector.broadcast %mul3A_1094 : i32 to vector<16xi32>
    %mul3A_1096 = arith.muli %min3A_1083, %mul3A_1095 : vector<16xi32>
    %mul3A_1097 = arith.constant 512 : i32
    %mul3A_1098 = vector.broadcast %mul3A_1097 : i32 to vector<16xi32>
    %mul3A_1099 = arith.muli %min3A_1074, %mul3A_1098 : vector<16xi32>
    %add3A_1100 = vector.broadcast %mul3A_1093 : i32 to vector<16xi32>
    %add3A_1101 = arith.addi %add3A_1100, %mul3A_1096 : vector<16xi32>
    %add3A_1102 = arith.addi %add3A_1101, %min3A_1065 : vector<16xi32>
    %add3A_1103 = vector.broadcast %mul3A_1093 : i32 to vector<16xi32>
    %add3A_1104 = arith.addi %add3A_1103, %mul3A_1099 : vector<16xi32>
    %add3A_1105 = arith.addi %add3A_1104, %min3A_1065 : vector<16xi32>
    %add3A_1106 = vector.broadcast %mul3A_1093 : i32 to vector<16xi32>
    %add3A_1107 = arith.addi %add3A_1106, %mul3A_1096 : vector<16xi32>
    %add3A_1108 = arith.addi %add3A_1107, %min3A_1056 : vector<16xi32>
    %add3A_1109 = vector.broadcast %mul3A_1093 : i32 to vector<16xi32>
    %add3A_1110 = arith.addi %add3A_1109, %mul3A_1099 : vector<16xi32>
    %add3A_1111 = arith.addi %add3A_1110, %min3A_1056 : vector<16xi32>
    %swap3A_1112 = arith.constant 160 : index
    %swap3A_1113 = tpu.vector_load %arg6[%swap3A_1112] {strides = array<i32>} : memref<1024xi32, #tpu.memory_space<vmem>>, vector<16xi32>,
    %swap3A_1114 = vector.shape_cast %swap3A_1113 : vector<16xi32> to vector<16xi32>
    %swap3A_1115 = vector.shape_cast %add3A_1102 : vector<16xi32> to vector<16xi32>
    tpu.vector_store %arg6[%swap3A_1112], %swap3A_1115 {strides = array<i32>} : memref<1024xi32, #tpu.memory_space<vmem>>, vector<16xi32>,
    %swap3A_1116 = arith.constant 416 : index
    %swap3A_1117 = tpu.vector_load %arg6[%swap3A_1116] {strides = array<i32>} : memref<1024xi32, #tpu.memory_space<vmem>>, vector<16xi32>,
    %swap3A_1118 = vector.shape_cast %swap3A_1117 : vector<16xi32> to vector<16xi32>
    %swap3A_1119 = vector.shape_cast %add3A_1105 : vector<16xi32> to vector<16xi32>
    tpu.vector_store %arg6[%swap3A_1116], %swap3A_1119 {strides = array<i32>} : memref<1024xi32, #tpu.memory_space<vmem>>, vector<16xi32>,
    %swap3A_1120 = arith.constant 672 : index
    %swap3A_1121 = tpu.vector_load %arg6[%swap3A_1120] {strides = array<i32>} : memref<1024xi32, #tpu.memory_space<vmem>>, vector<16xi32>,
    %swap3A_1122 = vector.shape_cast %swap3A_1121 : vector<16xi32> to vector<16xi32>
    %swap3A_1123 = vector.shape_cast %add3A_1108 : vector<16xi32> to vector<16xi32>
    tpu.vector_store %arg6[%swap3A_1120], %swap3A_1123 {strides = array<i32>} : memref<1024xi32, #tpu.memory_space<vmem>>, vector<16xi32>,
    %swap3A_1124 = arith.constant 928 : index
    %swap3A_1125 = tpu.vector_load %arg6[%swap3A_1124] {strides = array<i32>} : memref<1024xi32, #tpu.memory_space<vmem>>, vector<16xi32>,
    %swap3A_1126 = vector.shape_cast %swap3A_1125 : vector<16xi32> to vector<16xi32>
    %swap3A_1127 = vector.shape_cast %add3A_1111 : vector<16xi32> to vector<16xi32>
    tpu.vector_store %arg6[%swap3A_1124], %swap3A_1127 {strides = array<i32>} : memref<1024xi32, #tpu.memory_space<vmem>>, vector<16xi32>,
    %get3A_1128 = arith.constant 176 : index
    %get3A_1129 = tpu.vector_load %arg5[%get3A_1128] {strides = array<i32>} : memref<512xf32, #tpu.memory_space<vmem>>, vector<16xf32>,
    %get3A_1130 = vector.shape_cast %get3A_1129 : vector<16xf32> to vector<16xf32>
    %get3A_1131 = arith.constant 432 : index
    %get3A_1132 = tpu.vector_load %arg5[%get3A_1131] {strides = array<i32>} : memref<512xf32, #tpu.memory_space<vmem>>, vector<16xf32>,
    %get3A_1133 = vector.shape_cast %get3A_1132 : vector<16xf32> to vector<16xf32>
    %add3A_1134 = arith.constant 1.000000e+00 : f32
    %add3A_1135 = vector.broadcast %add3A_1134 : f32 to vector<16xf32>
    %add3A_1136 = arith.addf %get3A_1130, %add3A_1135 : vector<16xf32>
    %mul3A_1137 = arith.constant 2.560000e+02 : f32
    %mul3A_1138 = vector.broadcast %mul3A_1137 : f32 to vector<16xf32>
    %mul3A_1139 = arith.mulf %add3A_1136, %mul3A_1138 : vector<16xf32>
    %convert_element_type3A_1140 = arith.fptosi %mul3A_1139 : vector<16xf32> to vector<16xi32>
    %add3A_1141 = arith.constant 1.000000e+00 : f32
    %add3A_1142 = vector.broadcast %add3A_1141 : f32 to vector<16xf32>
    %add3A_1143 = arith.addf %get3A_1133, %add3A_1142 : vector<16xf32>
    %mul3A_1144 = arith.constant 2.560000e+02 : f32
    %mul3A_1145 = vector.broadcast %mul3A_1144 : f32 to vector<16xf32>
    %mul3A_1146 = arith.mulf %add3A_1143, %mul3A_1145 : vector<16xf32>
    %convert_element_type3A_1147 = arith.fptosi %mul3A_1146 : vector<16xf32> to vector<16xi32>
    %sub3A_1148 = arith.constant 10 : i32
    %sub3A_1149 = vector.broadcast %sub3A_1148 : i32 to vector<16xi32>
    %sub3A_1150 = arith.subi %convert_element_type3A_1140, %sub3A_1149 : vector<16xi32>
    %jit3A_1151 = arith.constant 0 : i32
    %jit3A_1152 = arith.constant 511 : i32
    %max3A_1153 = vector.broadcast %jit3A_1151 : i32 to vector<16xi32>
    %max3A_1154 = arith.maxsi %max3A_1153, %sub3A_1150 : vector<16xi32>
    %min3A_1155 = vector.broadcast %jit3A_1152 : i32 to vector<16xi32>
    %min3A_1156 = arith.minsi %min3A_1155, %max3A_1154 : vector<16xi32>
    %add3A_1157 = arith.constant 10 : i32
    %add3A_1158 = vector.broadcast %add3A_1157 : i32 to vector<16xi32>
    %add3A_1159 = arith.addi %convert_element_type3A_1140, %add3A_1158 : vector<16xi32>
    %jit3A_1160 = arith.constant 0 : i32
    %jit3A_1161 = arith.constant 511 : i32
    %max3A_1162 = vector.broadcast %jit3A_1160 : i32 to vector<16xi32>
    %max3A_1163 = arith.maxsi %max3A_1162, %add3A_1159 : vector<16xi32>
    %min3A_1164 = vector.broadcast %jit3A_1161 : i32 to vector<16xi32>
    %min3A_1165 = arith.minsi %min3A_1164, %max3A_1163 : vector<16xi32>
    %sub3A_1166 = arith.constant 10 : i32
    %sub3A_1167 = vector.broadcast %sub3A_1166 : i32 to vector<16xi32>
    %sub3A_1168 = arith.subi %convert_element_type3A_1147, %sub3A_1167 : vector<16xi32>
    %jit3A_1169 = arith.constant 0 : i32
    %jit3A_1170 = arith.constant 511 : i32
    %max3A_1171 = vector.broadcast %jit3A_1169 : i32 to vector<16xi32>
    %max3A_1172 = arith.maxsi %max3A_1171, %sub3A_1168 : vector<16xi32>
    %min3A_1173 = vector.broadcast %jit3A_1170 : i32 to vector<16xi32>
    %min3A_1174 = arith.minsi %min3A_1173, %max3A_1172 : vector<16xi32>
    %add3A_1175 = arith.constant 10 : i32
    %add3A_1176 = vector.broadcast %add3A_1175 : i32 to vector<16xi32>
    %add3A_1177 = arith.addi %convert_element_type3A_1147, %add3A_1176 : vector<16xi32>
    %jit3A_1178 = arith.constant 0 : i32
    %jit3A_1179 = arith.constant 511 : i32
    %max3A_1180 = vector.broadcast %jit3A_1178 : i32 to vector<16xi32>
    %max3A_1181 = arith.maxsi %max3A_1180, %add3A_1177 : vector<16xi32>
    %min3A_1182 = vector.broadcast %jit3A_1179 : i32 to vector<16xi32>
    %min3A_1183 = arith.minsi %min3A_1182, %max3A_1181 : vector<16xi32>
    %sub3A_1184 = arith.subi %min3A_1165, %min3A_1156 : vector<16xi32>
    %sub3A_1185 = arith.subi %min3A_1183, %min3A_1174 : vector<16xi32>
    %mul3A_1186 = arith.muli %sub3A_1184, %sub3A_1185 : vector<16xi32>
    %convert_element_type3A_1187 = arith.sitofp %mul3A_1186 : vector<16xi32> to vector<16xf32>
    %swap3A_1188 = arith.constant 176 : index
    %swap3A_1189 = tpu.vector_load %arg7[%swap3A_1188] {strides = array<i32>} : memref<256xf32, #tpu.memory_space<vmem>>, vector<16xf32>,
    %swap3A_1190 = vector.shape_cast %swap3A_1189 : vector<16xf32> to vector<16xf32>
    %swap3A_1191 = vector.shape_cast %convert_element_type3A_1187 : vector<16xf32> to vector<16xf32>
    tpu.vector_store %arg7[%swap3A_1188], %swap3A_1191 {strides = array<i32>} : memref<256xf32, #tpu.memory_space<vmem>>, vector<16xf32>,
    %mul3A_1192 = arith.constant 262144 : i32
    %mul3A_1193 = arith.muli %shift_right_logical3A_3, %mul3A_1192 : i32
    %mul3A_1194 = arith.constant 512 : i32
    %mul3A_1195 = vector.broadcast %mul3A_1194 : i32 to vector<16xi32>
    %mul3A_1196 = arith.muli %min3A_1183, %mul3A_1195 : vector<16xi32>
    %mul3A_1197 = arith.constant 512 : i32
    %mul3A_1198 = vector.broadcast %mul3A_1197 : i32 to vector<16xi32>
    %mul3A_1199 = arith.muli %min3A_1174, %mul3A_1198 : vector<16xi32>
    %add3A_1200 = vector.broadcast %mul3A_1193 : i32 to vector<16xi32>
    %add3A_1201 = arith.addi %add3A_1200, %mul3A_1196 : vector<16xi32>
    %add3A_1202 = arith.addi %add3A_1201, %min3A_1165 : vector<16xi32>
    %add3A_1203 = vector.broadcast %mul3A_1193 : i32 to vector<16xi32>
    %add3A_1204 = arith.addi %add3A_1203, %mul3A_1199 : vector<16xi32>
    %add3A_1205 = arith.addi %add3A_1204, %min3A_1165 : vector<16xi32>
    %add3A_1206 = vector.broadcast %mul3A_1193 : i32 to vector<16xi32>
    %add3A_1207 = arith.addi %add3A_1206, %mul3A_1196 : vector<16xi32>
    %add3A_1208 = arith.addi %add3A_1207, %min3A_1156 : vector<16xi32>
    %add3A_1209 = vector.broadcast %mul3A_1193 : i32 to vector<16xi32>
    %add3A_1210 = arith.addi %add3A_1209, %mul3A_1199 : vector<16xi32>
    %add3A_1211 = arith.addi %add3A_1210, %min3A_1156 : vector<16xi32>
    %swap3A_1212 = arith.constant 176 : index
    %swap3A_1213 = tpu.vector_load %arg6[%swap3A_1212] {strides = array<i32>} : memref<1024xi32, #tpu.memory_space<vmem>>, vector<16xi32>,
    %swap3A_1214 = vector.shape_cast %swap3A_1213 : vector<16xi32> to vector<16xi32>
    %swap3A_1215 = vector.shape_cast %add3A_1202 : vector<16xi32> to vector<16xi32>
    tpu.vector_store %arg6[%swap3A_1212], %swap3A_1215 {strides = array<i32>} : memref<1024xi32, #tpu.memory_space<vmem>>, vector<16xi32>,
    %swap3A_1216 = arith.constant 432 : index
    %swap3A_1217 = tpu.vector_load %arg6[%swap3A_1216] {strides = array<i32>} : memref<1024xi32, #tpu.memory_space<vmem>>, vector<16xi32>,
    %swap3A_1218 = vector.shape_cast %swap3A_1217 : vector<16xi32> to vector<16xi32>
    %swap3A_1219 = vector.shape_cast %add3A_1205 : vector<16xi32> to vector<16xi32>
    tpu.vector_store %arg6[%swap3A_1216], %swap3A_1219 {strides = array<i32>} : memref<1024xi32, #tpu.memory_space<vmem>>, vector<16xi32>,
    %swap3A_1220 = arith.constant 688 : index
    %swap3A_1221 = tpu.vector_load %arg6[%swap3A_1220] {strides = array<i32>} : memref<1024xi32, #tpu.memory_space<vmem>>, vector<16xi32>,
    %swap3A_1222 = vector.shape_cast %swap3A_1221 : vector<16xi32> to vector<16xi32>
    %swap3A_1223 = vector.shape_cast %add3A_1208 : vector<16xi32> to vector<16xi32>
    tpu.vector_store %arg6[%swap3A_1220], %swap3A_1223 {strides = array<i32>} : memref<1024xi32, #tpu.memory_space<vmem>>, vector<16xi32>,
    %swap3A_1224 = arith.constant 944 : index
    %swap3A_1225 = tpu.vector_load %arg6[%swap3A_1224] {strides = array<i32>} : memref<1024xi32, #tpu.memory_space<vmem>>, vector<16xi32>,
    %swap3A_1226 = vector.shape_cast %swap3A_1225 : vector<16xi32> to vector<16xi32>
    %swap3A_1227 = vector.shape_cast %add3A_1211 : vector<16xi32> to vector<16xi32>
    tpu.vector_store %arg6[%swap3A_1224], %swap3A_1227 {strides = array<i32>} : memref<1024xi32, #tpu.memory_space<vmem>>, vector<16xi32>,
    %get3A_1228 = arith.constant 192 : index
    %get3A_1229 = tpu.vector_load %arg5[%get3A_1228] {strides = array<i32>} : memref<512xf32, #tpu.memory_space<vmem>>, vector<16xf32>,
    %get3A_1230 = vector.shape_cast %get3A_1229 : vector<16xf32> to vector<16xf32>
    %get3A_1231 = arith.constant 448 : index
    %get3A_1232 = tpu.vector_load %arg5[%get3A_1231] {strides = array<i32>} : memref<512xf32, #tpu.memory_space<vmem>>, vector<16xf32>,
    %get3A_1233 = vector.shape_cast %get3A_1232 : vector<16xf32> to vector<16xf32>
    %add3A_1234 = arith.constant 1.000000e+00 : f32
    %add3A_1235 = vector.broadcast %add3A_1234 : f32 to vector<16xf32>
    %add3A_1236 = arith.addf %get3A_1230, %add3A_1235 : vector<16xf32>
    %mul3A_1237 = arith.constant 2.560000e+02 : f32
    %mul3A_1238 = vector.broadcast %mul3A_1237 : f32 to vector<16xf32>
    %mul3A_1239 = arith.mulf %add3A_1236, %mul3A_1238 : vector<16xf32>
    %convert_element_type3A_1240 = arith.fptosi %mul3A_1239 : vector<16xf32> to vector<16xi32>
    %add3A_1241 = arith.constant 1.000000e+00 : f32
    %add3A_1242 = vector.broadcast %add3A_1241 : f32 to vector<16xf32>
    %add3A_1243 = arith.addf %get3A_1233, %add3A_1242 : vector<16xf32>
    %mul3A_1244 = arith.constant 2.560000e+02 : f32
    %mul3A_1245 = vector.broadcast %mul3A_1244 : f32 to vector<16xf32>
    %mul3A_1246 = arith.mulf %add3A_1243, %mul3A_1245 : vector<16xf32>
    %convert_element_type3A_1247 = arith.fptosi %mul3A_1246 : vector<16xf32> to vector<16xi32>
    %sub3A_1248 = arith.constant 10 : i32
    %sub3A_1249 = vector.broadcast %sub3A_1248 : i32 to vector<16xi32>
    %sub3A_1250 = arith.subi %convert_element_type3A_1240, %sub3A_1249 : vector<16xi32>
    %jit3A_1251 = arith.constant 0 : i32
    %jit3A_1252 = arith.constant 511 : i32
    %max3A_1253 = vector.broadcast %jit3A_1251 : i32 to vector<16xi32>
    %max3A_1254 = arith.maxsi %max3A_1253, %sub3A_1250 : vector<16xi32>
    %min3A_1255 = vector.broadcast %jit3A_1252 : i32 to vector<16xi32>
    %min3A_1256 = arith.minsi %min3A_1255, %max3A_1254 : vector<16xi32>
    %add3A_1257 = arith.constant 10 : i32
    %add3A_1258 = vector.broadcast %add3A_1257 : i32 to vector<16xi32>
    %add3A_1259 = arith.addi %convert_element_type3A_1240, %add3A_1258 : vector<16xi32>
    %jit3A_1260 = arith.constant 0 : i32
    %jit3A_1261 = arith.constant 511 : i32
    %max3A_1262 = vector.broadcast %jit3A_1260 : i32 to vector<16xi32>
    %max3A_1263 = arith.maxsi %max3A_1262, %add3A_1259 : vector<16xi32>
    %min3A_1264 = vector.broadcast %jit3A_1261 : i32 to vector<16xi32>
    %min3A_1265 = arith.minsi %min3A_1264, %max3A_1263 : vector<16xi32>
    %sub3A_1266 = arith.constant 10 : i32
    %sub3A_1267 = vector.broadcast %sub3A_1266 : i32 to vector<16xi32>
    %sub3A_1268 = arith.subi %convert_element_type3A_1247, %sub3A_1267 : vector<16xi32>
    %jit3A_1269 = arith.constant 0 : i32
    %jit3A_1270 = arith.constant 511 : i32
    %max3A_1271 = vector.broadcast %jit3A_1269 : i32 to vector<16xi32>
    %max3A_1272 = arith.maxsi %max3A_1271, %sub3A_1268 : vector<16xi32>
    %min3A_1273 = vector.broadcast %jit3A_1270 : i32 to vector<16xi32>
    %min3A_1274 = arith.minsi %min3A_1273, %max3A_1272 : vector<16xi32>
    %add3A_1275 = arith.constant 10 : i32
    %add3A_1276 = vector.broadcast %add3A_1275 : i32 to vector<16xi32>
    %add3A_1277 = arith.addi %convert_element_type3A_1247, %add3A_1276 : vector<16xi32>
    %jit3A_1278 = arith.constant 0 : i32
    %jit3A_1279 = arith.constant 511 : i32
    %max3A_1280 = vector.broadcast %jit3A_1278 : i32 to vector<16xi32>
    %max3A_1281 = arith.maxsi %max3A_1280, %add3A_1277 : vector<16xi32>
    %min3A_1282 = vector.broadcast %jit3A_1279 : i32 to vector<16xi32>
    %min3A_1283 = arith.minsi %min3A_1282, %max3A_1281 : vector<16xi32>
    %sub3A_1284 = arith.subi %min3A_1265, %min3A_1256 : vector<16xi32>
    %sub3A_1285 = arith.subi %min3A_1283, %min3A_1274 : vector<16xi32>
    %mul3A_1286 = arith.muli %sub3A_1284, %sub3A_1285 : vector<16xi32>
    %convert_element_type3A_1287 = arith.sitofp %mul3A_1286 : vector<16xi32> to vector<16xf32>
    %swap3A_1288 = arith.constant 192 : index
    %swap3A_1289 = tpu.vector_load %arg7[%swap3A_1288] {strides = array<i32>} : memref<256xf32, #tpu.memory_space<vmem>>, vector<16xf32>,
    %swap3A_1290 = vector.shape_cast %swap3A_1289 : vector<16xf32> to vector<16xf32>
    %swap3A_1291 = vector.shape_cast %convert_element_type3A_1287 : vector<16xf32> to vector<16xf32>
    tpu.vector_store %arg7[%swap3A_1288], %swap3A_1291 {strides = array<i32>} : memref<256xf32, #tpu.memory_space<vmem>>, vector<16xf32>,
    %mul3A_1292 = arith.constant 262144 : i32
    %mul3A_1293 = arith.muli %shift_right_logical3A_3, %mul3A_1292 : i32
    %mul3A_1294 = arith.constant 512 : i32
    %mul3A_1295 = vector.broadcast %mul3A_1294 : i32 to vector<16xi32>
    %mul3A_1296 = arith.muli %min3A_1283, %mul3A_1295 : vector<16xi32>
    %mul3A_1297 = arith.constant 512 : i32
    %mul3A_1298 = vector.broadcast %mul3A_1297 : i32 to vector<16xi32>
    %mul3A_1299 = arith.muli %min3A_1274, %mul3A_1298 : vector<16xi32>
    %add3A_1300 = vector.broadcast %mul3A_1293 : i32 to vector<16xi32>
    %add3A_1301 = arith.addi %add3A_1300, %mul3A_1296 : vector<16xi32>
    %add3A_1302 = arith.addi %add3A_1301, %min3A_1265 : vector<16xi32>
    %add3A_1303 = vector.broadcast %mul3A_1293 : i32 to vector<16xi32>
    %add3A_1304 = arith.addi %add3A_1303, %mul3A_1299 : vector<16xi32>
    %add3A_1305 = arith.addi %add3A_1304, %min3A_1265 : vector<16xi32>
    %add3A_1306 = vector.broadcast %mul3A_1293 : i32 to vector<16xi32>
    %add3A_1307 = arith.addi %add3A_1306, %mul3A_1296 : vector<16xi32>
    %add3A_1308 = arith.addi %add3A_1307, %min3A_1256 : vector<16xi32>
    %add3A_1309 = vector.broadcast %mul3A_1293 : i32 to vector<16xi32>
    %add3A_1310 = arith.addi %add3A_1309, %mul3A_1299 : vector<16xi32>
    %add3A_1311 = arith.addi %add3A_1310, %min3A_1256 : vector<16xi32>
    %swap3A_1312 = arith.constant 192 : index
    %swap3A_1313 = tpu.vector_load %arg6[%swap3A_1312] {strides = array<i32>} : memref<1024xi32, #tpu.memory_space<vmem>>, vector<16xi32>,
    %swap3A_1314 = vector.shape_cast %swap3A_1313 : vector<16xi32> to vector<16xi32>
    %swap3A_1315 = vector.shape_cast %add3A_1302 : vector<16xi32> to vector<16xi32>
    tpu.vector_store %arg6[%swap3A_1312], %swap3A_1315 {strides = array<i32>} : memref<1024xi32, #tpu.memory_space<vmem>>, vector<16xi32>,
    %swap3A_1316 = arith.constant 448 : index
    %swap3A_1317 = tpu.vector_load %arg6[%swap3A_1316] {strides = array<i32>} : memref<1024xi32, #tpu.memory_space<vmem>>, vector<16xi32>,
    %swap3A_1318 = vector.shape_cast %swap3A_1317 : vector<16xi32> to vector<16xi32>
    %swap3A_1319 = vector.shape_cast %add3A_1305 : vector<16xi32> to vector<16xi32>
    tpu.vector_store %arg6[%swap3A_1316], %swap3A_1319 {strides = array<i32>} : memref<1024xi32, #tpu.memory_space<vmem>>, vector<16xi32>,
    %swap3A_1320 = arith.constant 704 : index
    %swap3A_1321 = tpu.vector_load %arg6[%swap3A_1320] {strides = array<i32>} : memref<1024xi32, #tpu.memory_space<vmem>>, vector<16xi32>,
    %swap3A_1322 = vector.shape_cast %swap3A_1321 : vector<16xi32> to vector<16xi32>
    %swap3A_1323 = vector.shape_cast %add3A_1308 : vector<16xi32> to vector<16xi32>
    tpu.vector_store %arg6[%swap3A_1320], %swap3A_1323 {strides = array<i32>} : memref<1024xi32, #tpu.memory_space<vmem>>, vector<16xi32>,
    %swap3A_1324 = arith.constant 960 : index
    %swap3A_1325 = tpu.vector_load %arg6[%swap3A_1324] {strides = array<i32>} : memref<1024xi32, #tpu.memory_space<vmem>>, vector<16xi32>,
    %swap3A_1326 = vector.shape_cast %swap3A_1325 : vector<16xi32> to vector<16xi32>
    %swap3A_1327 = vector.shape_cast %add3A_1311 : vector<16xi32> to vector<16xi32>
    tpu.vector_store %arg6[%swap3A_1324], %swap3A_1327 {strides = array<i32>} : memref<1024xi32, #tpu.memory_space<vmem>>, vector<16xi32>,
    %get3A_1328 = arith.constant 208 : index
    %get3A_1329 = tpu.vector_load %arg5[%get3A_1328] {strides = array<i32>} : memref<512xf32, #tpu.memory_space<vmem>>, vector<16xf32>,
    %get3A_1330 = vector.shape_cast %get3A_1329 : vector<16xf32> to vector<16xf32>
    %get3A_1331 = arith.constant 464 : index
    %get3A_1332 = tpu.vector_load %arg5[%get3A_1331] {strides = array<i32>} : memref<512xf32, #tpu.memory_space<vmem>>, vector<16xf32>,
    %get3A_1333 = vector.shape_cast %get3A_1332 : vector<16xf32> to vector<16xf32>
    %add3A_1334 = arith.constant 1.000000e+00 : f32
    %add3A_1335 = vector.broadcast %add3A_1334 : f32 to vector<16xf32>
    %add3A_1336 = arith.addf %get3A_1330, %add3A_1335 : vector<16xf32>
    %mul3A_1337 = arith.constant 2.560000e+02 : f32
    %mul3A_1338 = vector.broadcast %mul3A_1337 : f32 to vector<16xf32>
    %mul3A_1339 = arith.mulf %add3A_1336, %mul3A_1338 : vector<16xf32>
    %convert_element_type3A_1340 = arith.fptosi %mul3A_1339 : vector<16xf32> to vector<16xi32>
    %add3A_1341 = arith.constant 1.000000e+00 : f32
    %add3A_1342 = vector.broadcast %add3A_1341 : f32 to vector<16xf32>
    %add3A_1343 = arith.addf %get3A_1333, %add3A_1342 : vector<16xf32>
    %mul3A_1344 = arith.constant 2.560000e+02 : f32
    %mul3A_1345 = vector.broadcast %mul3A_1344 : f32 to vector<16xf32>
    %mul3A_1346 = arith.mulf %add3A_1343, %mul3A_1345 : vector<16xf32>
    %convert_element_type3A_1347 = arith.fptosi %mul3A_1346 : vector<16xf32> to vector<16xi32>
    %sub3A_1348 = arith.constant 10 : i32
    %sub3A_1349 = vector.broadcast %sub3A_1348 : i32 to vector<16xi32>
    %sub3A_1350 = arith.subi %convert_element_type3A_1340, %sub3A_1349 : vector<16xi32>
    %jit3A_1351 = arith.constant 0 : i32
    %jit3A_1352 = arith.constant 511 : i32
    %max3A_1353 = vector.broadcast %jit3A_1351 : i32 to vector<16xi32>
    %max3A_1354 = arith.maxsi %max3A_1353, %sub3A_1350 : vector<16xi32>
    %min3A_1355 = vector.broadcast %jit3A_1352 : i32 to vector<16xi32>
    %min3A_1356 = arith.minsi %min3A_1355, %max3A_1354 : vector<16xi32>
    %add3A_1357 = arith.constant 10 : i32
    %add3A_1358 = vector.broadcast %add3A_1357 : i32 to vector<16xi32>
    %add3A_1359 = arith.addi %convert_element_type3A_1340, %add3A_1358 : vector<16xi32>
    %jit3A_1360 = arith.constant 0 : i32
    %jit3A_1361 = arith.constant 511 : i32
    %max3A_1362 = vector.broadcast %jit3A_1360 : i32 to vector<16xi32>
    %max3A_1363 = arith.maxsi %max3A_1362, %add3A_1359 : vector<16xi32>
    %min3A_1364 = vector.broadcast %jit3A_1361 : i32 to vector<16xi32>
    %min3A_1365 = arith.minsi %min3A_1364, %max3A_1363 : vector<16xi32>
    %sub3A_1366 = arith.constant 10 : i32
    %sub3A_1367 = vector.broadcast %sub3A_1366 : i32 to vector<16xi32>
    %sub3A_1368 = arith.subi %convert_element_type3A_1347, %sub3A_1367 : vector<16xi32>
    %jit3A_1369 = arith.constant 0 : i32
    %jit3A_1370 = arith.constant 511 : i32
    %max3A_1371 = vector.broadcast %jit3A_1369 : i32 to vector<16xi32>
    %max3A_1372 = arith.maxsi %max3A_1371, %sub3A_1368 : vector<16xi32>
    %min3A_1373 = vector.broadcast %jit3A_1370 : i32 to vector<16xi32>
    %min3A_1374 = arith.minsi %min3A_1373, %max3A_1372 : vector<16xi32>
    %add3A_1375 = arith.constant 10 : i32
    %add3A_1376 = vector.broadcast %add3A_1375 : i32 to vector<16xi32>
    %add3A_1377 = arith.addi %convert_element_type3A_1347, %add3A_1376 : vector<16xi32>
    %jit3A_1378 = arith.constant 0 : i32
    %jit3A_1379 = arith.constant 511 : i32
    %max3A_1380 = vector.broadcast %jit3A_1378 : i32 to vector<16xi32>
    %max3A_1381 = arith.maxsi %max3A_1380, %add3A_1377 : vector<16xi32>
    %min3A_1382 = vector.broadcast %jit3A_1379 : i32 to vector<16xi32>
    %min3A_1383 = arith.minsi %min3A_1382, %max3A_1381 : vector<16xi32>
    %sub3A_1384 = arith.subi %min3A_1365, %min3A_1356 : vector<16xi32>
    %sub3A_1385 = arith.subi %min3A_1383, %min3A_1374 : vector<16xi32>
    %mul3A_1386 = arith.muli %sub3A_1384, %sub3A_1385 : vector<16xi32>
    %convert_element_type3A_1387 = arith.sitofp %mul3A_1386 : vector<16xi32> to vector<16xf32>
    %swap3A_1388 = arith.constant 208 : index
    %swap3A_1389 = tpu.vector_load %arg7[%swap3A_1388] {strides = array<i32>} : memref<256xf32, #tpu.memory_space<vmem>>, vector<16xf32>,
    %swap3A_1390 = vector.shape_cast %swap3A_1389 : vector<16xf32> to vector<16xf32>
    %swap3A_1391 = vector.shape_cast %convert_element_type3A_1387 : vector<16xf32> to vector<16xf32>
    tpu.vector_store %arg7[%swap3A_1388], %swap3A_1391 {strides = array<i32>} : memref<256xf32, #tpu.memory_space<vmem>>, vector<16xf32>,
    %mul3A_1392 = arith.constant 262144 : i32
    %mul3A_1393 = arith.muli %shift_right_logical3A_3, %mul3A_1392 : i32
    %mul3A_1394 = arith.constant 512 : i32
    %mul3A_1395 = vector.broadcast %mul3A_1394 : i32 to vector<16xi32>
    %mul3A_1396 = arith.muli %min3A_1383, %mul3A_1395 : vector<16xi32>
    %mul3A_1397 = arith.constant 512 : i32
    %mul3A_1398 = vector.broadcast %mul3A_1397 : i32 to vector<16xi32>
    %mul3A_1399 = arith.muli %min3A_1374, %mul3A_1398 : vector<16xi32>
    %add3A_1400 = vector.broadcast %mul3A_1393 : i32 to vector<16xi32>
    %add3A_1401 = arith.addi %add3A_1400, %mul3A_1396 : vector<16xi32>
    %add3A_1402 = arith.addi %add3A_1401, %min3A_1365 : vector<16xi32>
    %add3A_1403 = vector.broadcast %mul3A_1393 : i32 to vector<16xi32>
    %add3A_1404 = arith.addi %add3A_1403, %mul3A_1399 : vector<16xi32>
    %add3A_1405 = arith.addi %add3A_1404, %min3A_1365 : vector<16xi32>
    %add3A_1406 = vector.broadcast %mul3A_1393 : i32 to vector<16xi32>
    %add3A_1407 = arith.addi %add3A_1406, %mul3A_1396 : vector<16xi32>
    %add3A_1408 = arith.addi %add3A_1407, %min3A_1356 : vector<16xi32>
    %add3A_1409 = vector.broadcast %mul3A_1393 : i32 to vector<16xi32>
    %add3A_1410 = arith.addi %add3A_1409, %mul3A_1399 : vector<16xi32>
    %add3A_1411 = arith.addi %add3A_1410, %min3A_1356 : vector<16xi32>
    %swap3A_1412 = arith.constant 208 : index
    %swap3A_1413 = tpu.vector_load %arg6[%swap3A_1412] {strides = array<i32>} : memref<1024xi32, #tpu.memory_space<vmem>>, vector<16xi32>,
    %swap3A_1414 = vector.shape_cast %swap3A_1413 : vector<16xi32> to vector<16xi32>
    %swap3A_1415 = vector.shape_cast %add3A_1402 : vector<16xi32> to vector<16xi32>
    tpu.vector_store %arg6[%swap3A_1412], %swap3A_1415 {strides = array<i32>} : memref<1024xi32, #tpu.memory_space<vmem>>, vector<16xi32>,
    %swap3A_1416 = arith.constant 464 : index
    %swap3A_1417 = tpu.vector_load %arg6[%swap3A_1416] {strides = array<i32>} : memref<1024xi32, #tpu.memory_space<vmem>>, vector<16xi32>,
    %swap3A_1418 = vector.shape_cast %swap3A_1417 : vector<16xi32> to vector<16xi32>
    %swap3A_1419 = vector.shape_cast %add3A_1405 : vector<16xi32> to vector<16xi32>
    tpu.vector_store %arg6[%swap3A_1416], %swap3A_1419 {strides = array<i32>} : memref<1024xi32, #tpu.memory_space<vmem>>, vector<16xi32>,
    %swap3A_1420 = arith.constant 720 : index
    %swap3A_1421 = tpu.vector_load %arg6[%swap3A_1420] {strides = array<i32>} : memref<1024xi32, #tpu.memory_space<vmem>>, vector<16xi32>,
    %swap3A_1422 = vector.shape_cast %swap3A_1421 : vector<16xi32> to vector<16xi32>
    %swap3A_1423 = vector.shape_cast %add3A_1408 : vector<16xi32> to vector<16xi32>
    tpu.vector_store %arg6[%swap3A_1420], %swap3A_1423 {strides = array<i32>} : memref<1024xi32, #tpu.memory_space<vmem>>, vector<16xi32>,
    %swap3A_1424 = arith.constant 976 : index
    %swap3A_1425 = tpu.vector_load %arg6[%swap3A_1424] {strides = array<i32>} : memref<1024xi32, #tpu.memory_space<vmem>>, vector<16xi32>,
    %swap3A_1426 = vector.shape_cast %swap3A_1425 : vector<16xi32> to vector<16xi32>
    %swap3A_1427 = vector.shape_cast %add3A_1411 : vector<16xi32> to vector<16xi32>
    tpu.vector_store %arg6[%swap3A_1424], %swap3A_1427 {strides = array<i32>} : memref<1024xi32, #tpu.memory_space<vmem>>, vector<16xi32>,
    %get3A_1428 = arith.constant 224 : index
    %get3A_1429 = tpu.vector_load %arg5[%get3A_1428] {strides = array<i32>} : memref<512xf32, #tpu.memory_space<vmem>>, vector<16xf32>,
    %get3A_1430 = vector.shape_cast %get3A_1429 : vector<16xf32> to vector<16xf32>
    %get3A_1431 = arith.constant 480 : index
    %get3A_1432 = tpu.vector_load %arg5[%get3A_1431] {strides = array<i32>} : memref<512xf32, #tpu.memory_space<vmem>>, vector<16xf32>,
    %get3A_1433 = vector.shape_cast %get3A_1432 : vector<16xf32> to vector<16xf32>
    %add3A_1434 = arith.constant 1.000000e+00 : f32
    %add3A_1435 = vector.broadcast %add3A_1434 : f32 to vector<16xf32>
    %add3A_1436 = arith.addf %get3A_1430, %add3A_1435 : vector<16xf32>
    %mul3A_1437 = arith.constant 2.560000e+02 : f32
    %mul3A_1438 = vector.broadcast %mul3A_1437 : f32 to vector<16xf32>
    %mul3A_1439 = arith.mulf %add3A_1436, %mul3A_1438 : vector<16xf32>
    %convert_element_type3A_1440 = arith.fptosi %mul3A_1439 : vector<16xf32> to vector<16xi32>
    %add3A_1441 = arith.constant 1.000000e+00 : f32
    %add3A_1442 = vector.broadcast %add3A_1441 : f32 to vector<16xf32>
    %add3A_1443 = arith.addf %get3A_1433, %add3A_1442 : vector<16xf32>
    %mul3A_1444 = arith.constant 2.560000e+02 : f32
    %mul3A_1445 = vector.broadcast %mul3A_1444 : f32 to vector<16xf32>
    %mul3A_1446 = arith.mulf %add3A_1443, %mul3A_1445 : vector<16xf32>
    %convert_element_type3A_1447 = arith.fptosi %mul3A_1446 : vector<16xf32> to vector<16xi32>
    %sub3A_1448 = arith.constant 10 : i32
    %sub3A_1449 = vector.broadcast %sub3A_1448 : i32 to vector<16xi32>
    %sub3A_1450 = arith.subi %convert_element_type3A_1440, %sub3A_1449 : vector<16xi32>
    %jit3A_1451 = arith.constant 0 : i32
    %jit3A_1452 = arith.constant 511 : i32
    %max3A_1453 = vector.broadcast %jit3A_1451 : i32 to vector<16xi32>
    %max3A_1454 = arith.maxsi %max3A_1453, %sub3A_1450 : vector<16xi32>
    %min3A_1455 = vector.broadcast %jit3A_1452 : i32 to vector<16xi32>
    %min3A_1456 = arith.minsi %min3A_1455, %max3A_1454 : vector<16xi32>
    %add3A_1457 = arith.constant 10 : i32
    %add3A_1458 = vector.broadcast %add3A_1457 : i32 to vector<16xi32>
    %add3A_1459 = arith.addi %convert_element_type3A_1440, %add3A_1458 : vector<16xi32>
    %jit3A_1460 = arith.constant 0 : i32
    %jit3A_1461 = arith.constant 511 : i32
    %max3A_1462 = vector.broadcast %jit3A_1460 : i32 to vector<16xi32>
    %max3A_1463 = arith.maxsi %max3A_1462, %add3A_1459 : vector<16xi32>
    %min3A_1464 = vector.broadcast %jit3A_1461 : i32 to vector<16xi32>
    %min3A_1465 = arith.minsi %min3A_1464, %max3A_1463 : vector<16xi32>
    %sub3A_1466 = arith.constant 10 : i32
    %sub3A_1467 = vector.broadcast %sub3A_1466 : i32 to vector<16xi32>
    %sub3A_1468 = arith.subi %convert_element_type3A_1447, %sub3A_1467 : vector<16xi32>
    %jit3A_1469 = arith.constant 0 : i32
    %jit3A_1470 = arith.constant 511 : i32
    %max3A_1471 = vector.broadcast %jit3A_1469 : i32 to vector<16xi32>
    %max3A_1472 = arith.maxsi %max3A_1471, %sub3A_1468 : vector<16xi32>
    %min3A_1473 = vector.broadcast %jit3A_1470 : i32 to vector<16xi32>
    %min3A_1474 = arith.minsi %min3A_1473, %max3A_1472 : vector<16xi32>
    %add3A_1475 = arith.constant 10 : i32
    %add3A_1476 = vector.broadcast %add3A_1475 : i32 to vector<16xi32>
    %add3A_1477 = arith.addi %convert_element_type3A_1447, %add3A_1476 : vector<16xi32>
    %jit3A_1478 = arith.constant 0 : i32
    %jit3A_1479 = arith.constant 511 : i32
    %max3A_1480 = vector.broadcast %jit3A_1478 : i32 to vector<16xi32>
    %max3A_1481 = arith.maxsi %max3A_1480, %add3A_1477 : vector<16xi32>
    %min3A_1482 = vector.broadcast %jit3A_1479 : i32 to vector<16xi32>
    %min3A_1483 = arith.minsi %min3A_1482, %max3A_1481 : vector<16xi32>
    %sub3A_1484 = arith.subi %min3A_1465, %min3A_1456 : vector<16xi32>
    %sub3A_1485 = arith.subi %min3A_1483, %min3A_1474 : vector<16xi32>
    %mul3A_1486 = arith.muli %sub3A_1484, %sub3A_1485 : vector<16xi32>
    %convert_element_type3A_1487 = arith.sitofp %mul3A_1486 : vector<16xi32> to vector<16xf32>
    %swap3A_1488 = arith.constant 224 : index
    %swap3A_1489 = tpu.vector_load %arg7[%swap3A_1488] {strides = array<i32>} : memref<256xf32, #tpu.memory_space<vmem>>, vector<16xf32>,
    %swap3A_1490 = vector.shape_cast %swap3A_1489 : vector<16xf32> to vector<16xf32>
    %swap3A_1491 = vector.shape_cast %convert_element_type3A_1487 : vector<16xf32> to vector<16xf32>
    tpu.vector_store %arg7[%swap3A_1488], %swap3A_1491 {strides = array<i32>} : memref<256xf32, #tpu.memory_space<vmem>>, vector<16xf32>,
    %mul3A_1492 = arith.constant 262144 : i32
    %mul3A_1493 = arith.muli %shift_right_logical3A_3, %mul3A_1492 : i32
    %mul3A_1494 = arith.constant 512 : i32
    %mul3A_1495 = vector.broadcast %mul3A_1494 : i32 to vector<16xi32>
    %mul3A_1496 = arith.muli %min3A_1483, %mul3A_1495 : vector<16xi32>
    %mul3A_1497 = arith.constant 512 : i32
    %mul3A_1498 = vector.broadcast %mul3A_1497 : i32 to vector<16xi32>
    %mul3A_1499 = arith.muli %min3A_1474, %mul3A_1498 : vector<16xi32>
    %add3A_1500 = vector.broadcast %mul3A_1493 : i32 to vector<16xi32>
    %add3A_1501 = arith.addi %add3A_1500, %mul3A_1496 : vector<16xi32>
    %add3A_1502 = arith.addi %add3A_1501, %min3A_1465 : vector<16xi32>
    %add3A_1503 = vector.broadcast %mul3A_1493 : i32 to vector<16xi32>
    %add3A_1504 = arith.addi %add3A_1503, %mul3A_1499 : vector<16xi32>
    %add3A_1505 = arith.addi %add3A_1504, %min3A_1465 : vector<16xi32>
    %add3A_1506 = vector.broadcast %mul3A_1493 : i32 to vector<16xi32>
    %add3A_1507 = arith.addi %add3A_1506, %mul3A_1496 : vector<16xi32>
    %add3A_1508 = arith.addi %add3A_1507, %min3A_1456 : vector<16xi32>
    %add3A_1509 = vector.broadcast %mul3A_1493 : i32 to vector<16xi32>
    %add3A_1510 = arith.addi %add3A_1509, %mul3A_1499 : vector<16xi32>
    %add3A_1511 = arith.addi %add3A_1510, %min3A_1456 : vector<16xi32>
    %swap3A_1512 = arith.constant 224 : index
    %swap3A_1513 = tpu.vector_load %arg6[%swap3A_1512] {strides = array<i32>} : memref<1024xi32, #tpu.memory_space<vmem>>, vector<16xi32>,
    %swap3A_1514 = vector.shape_cast %swap3A_1513 : vector<16xi32> to vector<16xi32>
    %swap3A_1515 = vector.shape_cast %add3A_1502 : vector<16xi32> to vector<16xi32>
    tpu.vector_store %arg6[%swap3A_1512], %swap3A_1515 {strides = array<i32>} : memref<1024xi32, #tpu.memory_space<vmem>>, vector<16xi32>,
    %swap3A_1516 = arith.constant 480 : index
    %swap3A_1517 = tpu.vector_load %arg6[%swap3A_1516] {strides = array<i32>} : memref<1024xi32, #tpu.memory_space<vmem>>, vector<16xi32>,
    %swap3A_1518 = vector.shape_cast %swap3A_1517 : vector<16xi32> to vector<16xi32>
    %swap3A_1519 = vector.shape_cast %add3A_1505 : vector<16xi32> to vector<16xi32>
    tpu.vector_store %arg6[%swap3A_1516], %swap3A_1519 {strides = array<i32>} : memref<1024xi32, #tpu.memory_space<vmem>>, vector<16xi32>,
    %swap3A_1520 = arith.constant 736 : index
    %swap3A_1521 = tpu.vector_load %arg6[%swap3A_1520] {strides = array<i32>} : memref<1024xi32, #tpu.memory_space<vmem>>, vector<16xi32>,
    %swap3A_1522 = vector.shape_cast %swap3A_1521 : vector<16xi32> to vector<16xi32>
    %swap3A_1523 = vector.shape_cast %add3A_1508 : vector<16xi32> to vector<16xi32>
    tpu.vector_store %arg6[%swap3A_1520], %swap3A_1523 {strides = array<i32>} : memref<1024xi32, #tpu.memory_space<vmem>>, vector<16xi32>,
    %swap3A_1524 = arith.constant 992 : index
    %swap3A_1525 = tpu.vector_load %arg6[%swap3A_1524] {strides = array<i32>} : memref<1024xi32, #tpu.memory_space<vmem>>, vector<16xi32>,
    %swap3A_1526 = vector.shape_cast %swap3A_1525 : vector<16xi32> to vector<16xi32>
    %swap3A_1527 = vector.shape_cast %add3A_1511 : vector<16xi32> to vector<16xi32>
    tpu.vector_store %arg6[%swap3A_1524], %swap3A_1527 {strides = array<i32>} : memref<1024xi32, #tpu.memory_space<vmem>>, vector<16xi32>,
    %get3A_1528 = arith.constant 240 : index
    %get3A_1529 = tpu.vector_load %arg5[%get3A_1528] {strides = array<i32>} : memref<512xf32, #tpu.memory_space<vmem>>, vector<16xf32>,
    %get3A_1530 = vector.shape_cast %get3A_1529 : vector<16xf32> to vector<16xf32>
    %get3A_1531 = arith.constant 496 : index
    %get3A_1532 = tpu.vector_load %arg5[%get3A_1531] {strides = array<i32>} : memref<512xf32, #tpu.memory_space<vmem>>, vector<16xf32>,
    %get3A_1533 = vector.shape_cast %get3A_1532 : vector<16xf32> to vector<16xf32>
    %add3A_1534 = arith.constant 1.000000e+00 : f32
    %add3A_1535 = vector.broadcast %add3A_1534 : f32 to vector<16xf32>
    %add3A_1536 = arith.addf %get3A_1530, %add3A_1535 : vector<16xf32>
    %mul3A_1537 = arith.constant 2.560000e+02 : f32
    %mul3A_1538 = vector.broadcast %mul3A_1537 : f32 to vector<16xf32>
    %mul3A_1539 = arith.mulf %add3A_1536, %mul3A_1538 : vector<16xf32>
    %convert_element_type3A_1540 = arith.fptosi %mul3A_1539 : vector<16xf32> to vector<16xi32>
    %add3A_1541 = arith.constant 1.000000e+00 : f32
    %add3A_1542 = vector.broadcast %add3A_1541 : f32 to vector<16xf32>
    %add3A_1543 = arith.addf %get3A_1533, %add3A_1542 : vector<16xf32>
    %mul3A_1544 = arith.constant 2.560000e+02 : f32
    %mul3A_1545 = vector.broadcast %mul3A_1544 : f32 to vector<16xf32>
    %mul3A_1546 = arith.mulf %add3A_1543, %mul3A_1545 : vector<16xf32>
    %convert_element_type3A_1547 = arith.fptosi %mul3A_1546 : vector<16xf32> to vector<16xi32>
    %sub3A_1548 = arith.constant 10 : i32
    %sub3A_1549 = vector.broadcast %sub3A_1548 : i32 to vector<16xi32>
    %sub3A_1550 = arith.subi %convert_element_type3A_1540, %sub3A_1549 : vector<16xi32>
    %jit3A_1551 = arith.constant 0 : i32
    %jit3A_1552 = arith.constant 511 : i32
    %max3A_1553 = vector.broadcast %jit3A_1551 : i32 to vector<16xi32>
    %max3A_1554 = arith.maxsi %max3A_1553, %sub3A_1550 : vector<16xi32>
    %min3A_1555 = vector.broadcast %jit3A_1552 : i32 to vector<16xi32>
    %min3A_1556 = arith.minsi %min3A_1555, %max3A_1554 : vector<16xi32>
    %add3A_1557 = arith.constant 10 : i32
    %add3A_1558 = vector.broadcast %add3A_1557 : i32 to vector<16xi32>
    %add3A_1559 = arith.addi %convert_element_type3A_1540, %add3A_1558 : vector<16xi32>
    %jit3A_1560 = arith.constant 0 : i32
    %jit3A_1561 = arith.constant 511 : i32
    %max3A_1562 = vector.broadcast %jit3A_1560 : i32 to vector<16xi32>
    %max3A_1563 = arith.maxsi %max3A_1562, %add3A_1559 : vector<16xi32>
    %min3A_1564 = vector.broadcast %jit3A_1561 : i32 to vector<16xi32>
    %min3A_1565 = arith.minsi %min3A_1564, %max3A_1563 : vector<16xi32>
    %sub3A_1566 = arith.constant 10 : i32
    %sub3A_1567 = vector.broadcast %sub3A_1566 : i32 to vector<16xi32>
    %sub3A_1568 = arith.subi %convert_element_type3A_1547, %sub3A_1567 : vector<16xi32>
    %jit3A_1569 = arith.constant 0 : i32
    %jit3A_1570 = arith.constant 511 : i32
    %max3A_1571 = vector.broadcast %jit3A_1569 : i32 to vector<16xi32>
    %max3A_1572 = arith.maxsi %max3A_1571, %sub3A_1568 : vector<16xi32>
    %min3A_1573 = vector.broadcast %jit3A_1570 : i32 to vector<16xi32>
    %min3A_1574 = arith.minsi %min3A_1573, %max3A_1572 : vector<16xi32>
    %add3A_1575 = arith.constant 10 : i32
    %add3A_1576 = vector.broadcast %add3A_1575 : i32 to vector<16xi32>
    %add3A_1577 = arith.addi %convert_element_type3A_1547, %add3A_1576 : vector<16xi32>
    %jit3A_1578 = arith.constant 0 : i32
    %jit3A_1579 = arith.constant 511 : i32
    %max3A_1580 = vector.broadcast %jit3A_1578 : i32 to vector<16xi32>
    %max3A_1581 = arith.maxsi %max3A_1580, %add3A_1577 : vector<16xi32>
    %min3A_1582 = vector.broadcast %jit3A_1579 : i32 to vector<16xi32>
    %min3A_1583 = arith.minsi %min3A_1582, %max3A_1581 : vector<16xi32>
    %sub3A_1584 = arith.subi %min3A_1565, %min3A_1556 : vector<16xi32>
    %sub3A_1585 = arith.subi %min3A_1583, %min3A_1574 : vector<16xi32>
    %mul3A_1586 = arith.muli %sub3A_1584, %sub3A_1585 : vector<16xi32>
    %convert_element_type3A_1587 = arith.sitofp %mul3A_1586 : vector<16xi32> to vector<16xf32>
    %swap3A_1588 = arith.constant 240 : index
    %swap3A_1589 = tpu.vector_load %arg7[%swap3A_1588] {strides = array<i32>} : memref<256xf32, #tpu.memory_space<vmem>>, vector<16xf32>,
    %swap3A_1590 = vector.shape_cast %swap3A_1589 : vector<16xf32> to vector<16xf32>
    %swap3A_1591 = vector.shape_cast %convert_element_type3A_1587 : vector<16xf32> to vector<16xf32>
    tpu.vector_store %arg7[%swap3A_1588], %swap3A_1591 {strides = array<i32>} : memref<256xf32, #tpu.memory_space<vmem>>, vector<16xf32>,
    %mul3A_1592 = arith.constant 262144 : i32
    %mul3A_1593 = arith.muli %shift_right_logical3A_3, %mul3A_1592 : i32
    %mul3A_1594 = arith.constant 512 : i32
    %mul3A_1595 = vector.broadcast %mul3A_1594 : i32 to vector<16xi32>
    %mul3A_1596 = arith.muli %min3A_1583, %mul3A_1595 : vector<16xi32>
    %mul3A_1597 = arith.constant 512 : i32
    %mul3A_1598 = vector.broadcast %mul3A_1597 : i32 to vector<16xi32>
    %mul3A_1599 = arith.muli %min3A_1574, %mul3A_1598 : vector<16xi32>
    %add3A_1600 = vector.broadcast %mul3A_1593 : i32 to vector<16xi32>
    %add3A_1601 = arith.addi %add3A_1600, %mul3A_1596 : vector<16xi32>
    %add3A_1602 = arith.addi %add3A_1601, %min3A_1565 : vector<16xi32>
    %add3A_1603 = vector.broadcast %mul3A_1593 : i32 to vector<16xi32>
    %add3A_1604 = arith.addi %add3A_1603, %mul3A_1599 : vector<16xi32>
    %add3A_1605 = arith.addi %add3A_1604, %min3A_1565 : vector<16xi32>
    %add3A_1606 = vector.broadcast %mul3A_1593 : i32 to vector<16xi32>
    %add3A_1607 = arith.addi %add3A_1606, %mul3A_1596 : vector<16xi32>
    %add3A_1608 = arith.addi %add3A_1607, %min3A_1556 : vector<16xi32>
    %add3A_1609 = vector.broadcast %mul3A_1593 : i32 to vector<16xi32>
    %add3A_1610 = arith.addi %add3A_1609, %mul3A_1599 : vector<16xi32>
    %add3A_1611 = arith.addi %add3A_1610, %min3A_1556 : vector<16xi32>
    %swap3A_1612 = arith.constant 240 : index
    %swap3A_1613 = tpu.vector_load %arg6[%swap3A_1612] {strides = array<i32>} : memref<1024xi32, #tpu.memory_space<vmem>>, vector<16xi32>,
    %swap3A_1614 = vector.shape_cast %swap3A_1613 : vector<16xi32> to vector<16xi32>
    %swap3A_1615 = vector.shape_cast %add3A_1602 : vector<16xi32> to vector<16xi32>
    tpu.vector_store %arg6[%swap3A_1612], %swap3A_1615 {strides = array<i32>} : memref<1024xi32, #tpu.memory_space<vmem>>, vector<16xi32>,
    %swap3A_1616 = arith.constant 496 : index
    %swap3A_1617 = tpu.vector_load %arg6[%swap3A_1616] {strides = array<i32>} : memref<1024xi32, #tpu.memory_space<vmem>>, vector<16xi32>,
    %swap3A_1618 = vector.shape_cast %swap3A_1617 : vector<16xi32> to vector<16xi32>
    %swap3A_1619 = vector.shape_cast %add3A_1605 : vector<16xi32> to vector<16xi32>
    tpu.vector_store %arg6[%swap3A_1616], %swap3A_1619 {strides = array<i32>} : memref<1024xi32, #tpu.memory_space<vmem>>, vector<16xi32>,
    %swap3A_1620 = arith.constant 752 : index
    %swap3A_1621 = tpu.vector_load %arg6[%swap3A_1620] {strides = array<i32>} : memref<1024xi32, #tpu.memory_space<vmem>>, vector<16xi32>,
    %swap3A_1622 = vector.shape_cast %swap3A_1621 : vector<16xi32> to vector<16xi32>
    %swap3A_1623 = vector.shape_cast %add3A_1608 : vector<16xi32> to vector<16xi32>
    tpu.vector_store %arg6[%swap3A_1620], %swap3A_1623 {strides = array<i32>} : memref<1024xi32, #tpu.memory_space<vmem>>, vector<16xi32>,
    %swap3A_1624 = arith.constant 1008 : index
    %swap3A_1625 = tpu.vector_load %arg6[%swap3A_1624] {strides = array<i32>} : memref<1024xi32, #tpu.memory_space<vmem>>, vector<16xi32>,
    %swap3A_1626 = vector.shape_cast %swap3A_1625 : vector<16xi32> to vector<16xi32>
    %swap3A_1627 = vector.shape_cast %add3A_1611 : vector<16xi32> to vector<16xi32>
    tpu.vector_store %arg6[%swap3A_1624], %swap3A_1627 {strides = array<i32>} : memref<1024xi32, #tpu.memory_space<vmem>>, vector<16xi32>,
    %dma_start3A_1628 = arith.constant 128 : i32
    %dma_start3A_1629 = tpu.memref_slice %arg8[%dma_start3A_1628] : memref<1024xf32, #tpu.memory_space<vmem>> -> memref<128xf32, #tpu.memory_space<vmem>>
    %dma_start3A_1630 = arith.constant 128 : i32
    %dma_start3A_1631 = tpu.memref_slice %arg6[%dma_start3A_1630] : memref<1024xi32, #tpu.memory_space<vmem>> -> memref<128xi32, #tpu.memory_space<vmem>>
    %dma_start3A_1632 = arith.constant 0 : i32
    %dma_start3A_1633 = tpu.memref_slice %arg3[%dma_start3A_1632] : memref<4194304xf32, #tpu.memory_space<hbm>> -> memref<4194304xf32, #tpu.memory_space<hbm>>
    tpu.enqueue_indirect_dma source(%dma_start3A_1633 : memref<4194304xf32, #tpu.memory_space<hbm>>) target(%dma_start3A_1629 : memref<128xf32, #tpu.memory_space<vmem>>) offsets(%dma_start3A_1631 : memref<128xi32, #tpu.memory_space<vmem>>) semaphore(%arg10 : memref<!tpu.dma_semaphore, #tpu.memory_space<semaphore_mem>>)
    %dma_start3A_1634 = arith.constant 384 : i32
    %dma_start3A_1635 = tpu.memref_slice %arg8[%dma_start3A_1634] : memref<1024xf32, #tpu.memory_space<vmem>> -> memref<128xf32, #tpu.memory_space<vmem>>
    %dma_start3A_1636 = arith.constant 384 : i32
    %dma_start3A_1637 = tpu.memref_slice %arg6[%dma_start3A_1636] : memref<1024xi32, #tpu.memory_space<vmem>> -> memref<128xi32, #tpu.memory_space<vmem>>
    %dma_start3A_1638 = arith.constant 0 : i32
    %dma_start3A_1639 = tpu.memref_slice %arg3[%dma_start3A_1638] : memref<4194304xf32, #tpu.memory_space<hbm>> -> memref<4194304xf32, #tpu.memory_space<hbm>>
    tpu.enqueue_indirect_dma source(%dma_start3A_1639 : memref<4194304xf32, #tpu.memory_space<hbm>>) target(%dma_start3A_1635 : memref<128xf32, #tpu.memory_space<vmem>>) offsets(%dma_start3A_1637 : memref<128xi32, #tpu.memory_space<vmem>>) semaphore(%arg10 : memref<!tpu.dma_semaphore, #tpu.memory_space<semaphore_mem>>)
    %dma_start3A_1640 = arith.constant 640 : i32
    %dma_start3A_1641 = tpu.memref_slice %arg8[%dma_start3A_1640] : memref<1024xf32, #tpu.memory_space<vmem>> -> memref<128xf32, #tpu.memory_space<vmem>>
    %dma_start3A_1642 = arith.constant 640 : i32
    %dma_start3A_1643 = tpu.memref_slice %arg6[%dma_start3A_1642] : memref<1024xi32, #tpu.memory_space<vmem>> -> memref<128xi32, #tpu.memory_space<vmem>>
    %dma_start3A_1644 = arith.constant 0 : i32
    %dma_start3A_1645 = tpu.memref_slice %arg3[%dma_start3A_1644] : memref<4194304xf32, #tpu.memory_space<hbm>> -> memref<4194304xf32, #tpu.memory_space<hbm>>
    tpu.enqueue_indirect_dma source(%dma_start3A_1645 : memref<4194304xf32, #tpu.memory_space<hbm>>) target(%dma_start3A_1641 : memref<128xf32, #tpu.memory_space<vmem>>) offsets(%dma_start3A_1643 : memref<128xi32, #tpu.memory_space<vmem>>) semaphore(%arg10 : memref<!tpu.dma_semaphore, #tpu.memory_space<semaphore_mem>>)
    %dma_start3A_1646 = arith.constant 896 : i32
    %dma_start3A_1647 = tpu.memref_slice %arg8[%dma_start3A_1646] : memref<1024xf32, #tpu.memory_space<vmem>> -> memref<128xf32, #tpu.memory_space<vmem>>
    %dma_start3A_1648 = arith.constant 896 : i32
    %dma_start3A_1649 = tpu.memref_slice %arg6[%dma_start3A_1648] : memref<1024xi32, #tpu.memory_space<vmem>> -> memref<128xi32, #tpu.memory_space<vmem>>
    %dma_start3A_1650 = arith.constant 0 : i32
    %dma_start3A_1651 = tpu.memref_slice %arg3[%dma_start3A_1650] : memref<4194304xf32, #tpu.memory_space<hbm>> -> memref<4194304xf32, #tpu.memory_space<hbm>>
    tpu.enqueue_indirect_dma source(%dma_start3A_1651 : memref<4194304xf32, #tpu.memory_space<hbm>>) target(%dma_start3A_1647 : memref<128xf32, #tpu.memory_space<vmem>>) offsets(%dma_start3A_1649 : memref<128xi32, #tpu.memory_space<vmem>>) semaphore(%arg10 : memref<!tpu.dma_semaphore, #tpu.memory_space<semaphore_mem>>)
    %dma_wait3A = arith.constant 0 : i32
    %dma_wait3A_1652 = tpu.memref_slice %arg8[%dma_wait3A] : memref<1024xf32, #tpu.memory_space<vmem>> -> memref<128xf32, #tpu.memory_space<vmem>>
    %dma_wait3A_1653 = arith.constant 0 : i32
    %dma_wait3A_1654 = tpu.memref_slice %arg6[%dma_wait3A_1653] : memref<1024xi32, #tpu.memory_space<vmem>> -> memref<128xi32, #tpu.memory_space<vmem>>
    %dma_wait3A_1655 = arith.constant 0 : i32
    %dma_wait3A_1656 = tpu.memref_slice %arg3[%dma_wait3A_1655] : memref<4194304xf32, #tpu.memory_space<hbm>> -> memref<4194304xf32, #tpu.memory_space<hbm>>
    tpu.wait_indirect_dma semaphore(%arg10 : memref<!tpu.dma_semaphore, #tpu.memory_space<semaphore_mem>>) src(%dma_wait3A_1656 : memref<4194304xf32, #tpu.memory_space<hbm>>) dst(%dma_wait3A_1652 : memref<128xf32, #tpu.memory_space<vmem>>)
    %dma_wait3A_1657 = arith.constant 256 : i32
    %dma_wait3A_1658 = tpu.memref_slice %arg8[%dma_wait3A_1657] : memref<1024xf32, #tpu.memory_space<vmem>> -> memref<128xf32, #tpu.memory_space<vmem>>
    %dma_wait3A_1659 = arith.constant 256 : i32
    %dma_wait3A_1660 = tpu.memref_slice %arg6[%dma_wait3A_1659] : memref<1024xi32, #tpu.memory_space<vmem>> -> memref<128xi32, #tpu.memory_space<vmem>>
    %dma_wait3A_1661 = arith.constant 0 : i32
    %dma_wait3A_1662 = tpu.memref_slice %arg3[%dma_wait3A_1661] : memref<4194304xf32, #tpu.memory_space<hbm>> -> memref<4194304xf32, #tpu.memory_space<hbm>>
    tpu.wait_indirect_dma semaphore(%arg10 : memref<!tpu.dma_semaphore, #tpu.memory_space<semaphore_mem>>) src(%dma_wait3A_1662 : memref<4194304xf32, #tpu.memory_space<hbm>>) dst(%dma_wait3A_1658 : memref<128xf32, #tpu.memory_space<vmem>>)
    %dma_wait3A_1663 = arith.constant 512 : i32
    %dma_wait3A_1664 = tpu.memref_slice %arg8[%dma_wait3A_1663] : memref<1024xf32, #tpu.memory_space<vmem>> -> memref<128xf32, #tpu.memory_space<vmem>>
    %dma_wait3A_1665 = arith.constant 512 : i32
    %dma_wait3A_1666 = tpu.memref_slice %arg6[%dma_wait3A_1665] : memref<1024xi32, #tpu.memory_space<vmem>> -> memref<128xi32, #tpu.memory_space<vmem>>
    %dma_wait3A_1667 = arith.constant 0 : i32
    %dma_wait3A_1668 = tpu.memref_slice %arg3[%dma_wait3A_1667] : memref<4194304xf32, #tpu.memory_space<hbm>> -> memref<4194304xf32, #tpu.memory_space<hbm>>
    tpu.wait_indirect_dma semaphore(%arg10 : memref<!tpu.dma_semaphore, #tpu.memory_space<semaphore_mem>>) src(%dma_wait3A_1668 : memref<4194304xf32, #tpu.memory_space<hbm>>) dst(%dma_wait3A_1664 : memref<128xf32, #tpu.memory_space<vmem>>)
    %dma_wait3A_1669 = arith.constant 768 : i32
    %dma_wait3A_1670 = tpu.memref_slice %arg8[%dma_wait3A_1669] : memref<1024xf32, #tpu.memory_space<vmem>> -> memref<128xf32, #tpu.memory_space<vmem>>
    %dma_wait3A_1671 = arith.constant 768 : i32
    %dma_wait3A_1672 = tpu.memref_slice %arg6[%dma_wait3A_1671] : memref<1024xi32, #tpu.memory_space<vmem>> -> memref<128xi32, #tpu.memory_space<vmem>>
    %dma_wait3A_1673 = arith.constant 0 : i32
    %dma_wait3A_1674 = tpu.memref_slice %arg3[%dma_wait3A_1673] : memref<4194304xf32, #tpu.memory_space<hbm>> -> memref<4194304xf32, #tpu.memory_space<hbm>>
    tpu.wait_indirect_dma semaphore(%arg10 : memref<!tpu.dma_semaphore, #tpu.memory_space<semaphore_mem>>) src(%dma_wait3A_1674 : memref<4194304xf32, #tpu.memory_space<hbm>>) dst(%dma_wait3A_1670 : memref<128xf32, #tpu.memory_space<vmem>>)
    %dma_wait3A_1675 = arith.constant 128 : i32
    %dma_wait3A_1676 = tpu.memref_slice %arg8[%dma_wait3A_1675] : memref<1024xf32, #tpu.memory_space<vmem>> -> memref<128xf32, #tpu.memory_space<vmem>>
    %dma_wait3A_1677 = arith.constant 128 : i32
    %dma_wait3A_1678 = tpu.memref_slice %arg6[%dma_wait3A_1677] : memref<1024xi32, #tpu.memory_space<vmem>> -> memref<128xi32, #tpu.memory_space<vmem>>
    %dma_wait3A_1679 = arith.constant 0 : i32
    %dma_wait3A_1680 = tpu.memref_slice %arg3[%dma_wait3A_1679] : memref<4194304xf32, #tpu.memory_space<hbm>> -> memref<4194304xf32, #tpu.memory_space<hbm>>
    tpu.wait_indirect_dma semaphore(%arg10 : memref<!tpu.dma_semaphore, #tpu.memory_space<semaphore_mem>>) src(%dma_wait3A_1680 : memref<4194304xf32, #tpu.memory_space<hbm>>) dst(%dma_wait3A_1676 : memref<128xf32, #tpu.memory_space<vmem>>)
    %dma_wait3A_1681 = arith.constant 384 : i32
    %dma_wait3A_1682 = tpu.memref_slice %arg8[%dma_wait3A_1681] : memref<1024xf32, #tpu.memory_space<vmem>> -> memref<128xf32, #tpu.memory_space<vmem>>
    %dma_wait3A_1683 = arith.constant 384 : i32
    %dma_wait3A_1684 = tpu.memref_slice %arg6[%dma_wait3A_1683] : memref<1024xi32, #tpu.memory_space<vmem>> -> memref<128xi32, #tpu.memory_space<vmem>>
    %dma_wait3A_1685 = arith.constant 0 : i32
    %dma_wait3A_1686 = tpu.memref_slice %arg3[%dma_wait3A_1685] : memref<4194304xf32, #tpu.memory_space<hbm>> -> memref<4194304xf32, #tpu.memory_space<hbm>>
    tpu.wait_indirect_dma semaphore(%arg10 : memref<!tpu.dma_semaphore, #tpu.memory_space<semaphore_mem>>) src(%dma_wait3A_1686 : memref<4194304xf32, #tpu.memory_space<hbm>>) dst(%dma_wait3A_1682 : memref<128xf32, #tpu.memory_space<vmem>>)
    %dma_wait3A_1687 = arith.constant 640 : i32
    %dma_wait3A_1688 = tpu.memref_slice %arg8[%dma_wait3A_1687] : memref<1024xf32, #tpu.memory_space<vmem>> -> memref<128xf32, #tpu.memory_space<vmem>>
    %dma_wait3A_1689 = arith.constant 640 : i32
    %dma_wait3A_1690 = tpu.memref_slice %arg6[%dma_wait3A_1689] : memref<1024xi32, #tpu.memory_space<vmem>> -> memref<128xi32, #tpu.memory_space<vmem>>
    %dma_wait3A_1691 = arith.constant 0 : i32
    %dma_wait3A_1692 = tpu.memref_slice %arg3[%dma_wait3A_1691] : memref<4194304xf32, #tpu.memory_space<hbm>> -> memref<4194304xf32, #tpu.memory_space<hbm>>
    tpu.wait_indirect_dma semaphore(%arg10 : memref<!tpu.dma_semaphore, #tpu.memory_space<semaphore_mem>>) src(%dma_wait3A_1692 : memref<4194304xf32, #tpu.memory_space<hbm>>) dst(%dma_wait3A_1688 : memref<128xf32, #tpu.memory_space<vmem>>)
    %dma_wait3A_1693 = arith.constant 896 : i32
    %dma_wait3A_1694 = tpu.memref_slice %arg8[%dma_wait3A_1693] : memref<1024xf32, #tpu.memory_space<vmem>> -> memref<128xf32, #tpu.memory_space<vmem>>
    %dma_wait3A_1695 = arith.constant 896 : i32
    %dma_wait3A_1696 = tpu.memref_slice %arg6[%dma_wait3A_1695] : memref<1024xi32, #tpu.memory_space<vmem>> -> memref<128xi32, #tpu.memory_space<vmem>>
    %dma_wait3A_1697 = arith.constant 0 : i32
    %dma_wait3A_1698 = tpu.memref_slice %arg3[%dma_wait3A_1697] : memref<4194304xf32, #tpu.memory_space<hbm>> -> memref<4194304xf32, #tpu.memory_space<hbm>>
    tpu.wait_indirect_dma semaphore(%arg10 : memref<!tpu.dma_semaphore, #tpu.memory_space<semaphore_mem>>) src(%dma_wait3A_1698 : memref<4194304xf32, #tpu.memory_space<hbm>>) dst(%dma_wait3A_1694 : memref<128xf32, #tpu.memory_space<vmem>>)
    %get3A_1699 = arith.constant 0 : index
    %get3A_1700 = tpu.vector_load %arg8[%get3A_1699] {strides = array<i32>} : memref<1024xf32, #tpu.memory_space<vmem>>, vector<16xf32>,
    %get3A_1701 = vector.shape_cast %get3A_1700 : vector<16xf32> to vector<16xf32>
    %get3A_1702 = arith.constant 256 : index
    %get3A_1703 = tpu.vector_load %arg8[%get3A_1702] {strides = array<i32>} : memref<1024xf32, #tpu.memory_space<vmem>>, vector<16xf32>,
    %get3A_1704 = vector.shape_cast %get3A_1703 : vector<16xf32> to vector<16xf32>
    %get3A_1705 = arith.constant 512 : index
    %get3A_1706 = tpu.vector_load %arg8[%get3A_1705] {strides = array<i32>} : memref<1024xf32, #tpu.memory_space<vmem>>, vector<16xf32>,
    %get3A_1707 = vector.shape_cast %get3A_1706 : vector<16xf32> to vector<16xf32>
    %get3A_1708 = arith.constant 768 : index
    %get3A_1709 = tpu.vector_load %arg8[%get3A_1708] {strides = array<i32>} : memref<1024xf32, #tpu.memory_space<vmem>>, vector<16xf32>,
    %get3A_1710 = vector.shape_cast %get3A_1709 : vector<16xf32> to vector<16xf32>
    %sub3A_1711 = arith.subf %get3A_1701, %get3A_1704 : vector<16xf32>
    %sub3A_1712 = arith.subf %sub3A_1711, %get3A_1707 : vector<16xf32>
    %add3A_1713 = arith.addf %sub3A_1712, %get3A_1710 : vector<16xf32>
    %get3A_1714 = arith.constant 0 : index
    %get3A_1715 = tpu.vector_load %arg7[%get3A_1714] {strides = array<i32>} : memref<256xf32, #tpu.memory_space<vmem>>, vector<16xf32>,
    %get3A_1716 = vector.shape_cast %get3A_1715 : vector<16xf32> to vector<16xf32>
    %div3A = arith.divf %add3A_1713, %get3A_1716 : vector<16xf32>
    %jit3A_1717 = arith.constant 0.000000e+00 : f32
    %jit3A_1718 = arith.constant 1.000000e+00 : f32
    %max3A_1719 = vector.broadcast %jit3A_1717 : f32 to vector<16xf32>
    %max3A_1720 = arith.maximumf %max3A_1719, %div3A : vector<16xf32>
    %min3A_1721 = vector.broadcast %jit3A_1718 : f32 to vector<16xf32>
    %min3A_1722 = arith.minimumf %min3A_1721, %max3A_1720 : vector<16xf32>
    %swap3A_1723 = arith.constant 0 : index
    %swap3A_1724 = tpu.vector_load %arg9[%swap3A_1723] {strides = array<i32>} : memref<256xf32, #tpu.memory_space<vmem>>, vector<16xf32>,
    %swap3A_1725 = vector.shape_cast %swap3A_1724 : vector<16xf32> to vector<16xf32>
    %swap3A_1726 = vector.shape_cast %min3A_1722 : vector<16xf32> to vector<16xf32>
    tpu.vector_store %arg9[%swap3A_1723], %swap3A_1726 {strides = array<i32>} : memref<256xf32, #tpu.memory_space<vmem>>, vector<16xf32>,
    %get3A_1727 = arith.constant 16 : index
    %get3A_1728 = tpu.vector_load %arg8[%get3A_1727] {strides = array<i32>} : memref<1024xf32, #tpu.memory_space<vmem>>, vector<16xf32>,
    %get3A_1729 = vector.shape_cast %get3A_1728 : vector<16xf32> to vector<16xf32>
    %get3A_1730 = arith.constant 272 : index
    %get3A_1731 = tpu.vector_load %arg8[%get3A_1730] {strides = array<i32>} : memref<1024xf32, #tpu.memory_space<vmem>>, vector<16xf32>,
    %get3A_1732 = vector.shape_cast %get3A_1731 : vector<16xf32> to vector<16xf32>
    %get3A_1733 = arith.constant 528 : index
    %get3A_1734 = tpu.vector_load %arg8[%get3A_1733] {strides = array<i32>} : memref<1024xf32, #tpu.memory_space<vmem>>, vector<16xf32>,
    %get3A_1735 = vector.shape_cast %get3A_1734 : vector<16xf32> to vector<16xf32>
    %get3A_1736 = arith.constant 784 : index
    %get3A_1737 = tpu.vector_load %arg8[%get3A_1736] {strides = array<i32>} : memref<1024xf32, #tpu.memory_space<vmem>>, vector<16xf32>,
    %get3A_1738 = vector.shape_cast %get3A_1737 : vector<16xf32> to vector<16xf32>
    %sub3A_1739 = arith.subf %get3A_1729, %get3A_1732 : vector<16xf32>
    %sub3A_1740 = arith.subf %sub3A_1739, %get3A_1735 : vector<16xf32>
    %add3A_1741 = arith.addf %sub3A_1740, %get3A_1738 : vector<16xf32>
    %get3A_1742 = arith.constant 16 : index
    %get3A_1743 = tpu.vector_load %arg7[%get3A_1742] {strides = array<i32>} : memref<256xf32, #tpu.memory_space<vmem>>, vector<16xf32>,
    %get3A_1744 = vector.shape_cast %get3A_1743 : vector<16xf32> to vector<16xf32>
    %div3A_1745 = arith.divf %add3A_1741, %get3A_1744 : vector<16xf32>
    %jit3A_1746 = arith.constant 0.000000e+00 : f32
    %jit3A_1747 = arith.constant 1.000000e+00 : f32
    %max3A_1748 = vector.broadcast %jit3A_1746 : f32 to vector<16xf32>
    %max3A_1749 = arith.maximumf %max3A_1748, %div3A_1745 : vector<16xf32>
    %min3A_1750 = vector.broadcast %jit3A_1747 : f32 to vector<16xf32>
    %min3A_1751 = arith.minimumf %min3A_1750, %max3A_1749 : vector<16xf32>
    %swap3A_1752 = arith.constant 16 : index
    %swap3A_1753 = tpu.vector_load %arg9[%swap3A_1752] {strides = array<i32>} : memref<256xf32, #tpu.memory_space<vmem>>, vector<16xf32>,
    %swap3A_1754 = vector.shape_cast %swap3A_1753 : vector<16xf32> to vector<16xf32>
    %swap3A_1755 = vector.shape_cast %min3A_1751 : vector<16xf32> to vector<16xf32>
    tpu.vector_store %arg9[%swap3A_1752], %swap3A_1755 {strides = array<i32>} : memref<256xf32, #tpu.memory_space<vmem>>, vector<16xf32>,
    %get3A_1756 = arith.constant 32 : index
    %get3A_1757 = tpu.vector_load %arg8[%get3A_1756] {strides = array<i32>} : memref<1024xf32, #tpu.memory_space<vmem>>, vector<16xf32>,
    %get3A_1758 = vector.shape_cast %get3A_1757 : vector<16xf32> to vector<16xf32>
    %get3A_1759 = arith.constant 288 : index
    %get3A_1760 = tpu.vector_load %arg8[%get3A_1759] {strides = array<i32>} : memref<1024xf32, #tpu.memory_space<vmem>>, vector<16xf32>,
    %get3A_1761 = vector.shape_cast %get3A_1760 : vector<16xf32> to vector<16xf32>
    %get3A_1762 = arith.constant 544 : index
    %get3A_1763 = tpu.vector_load %arg8[%get3A_1762] {strides = array<i32>} : memref<1024xf32, #tpu.memory_space<vmem>>, vector<16xf32>,
    %get3A_1764 = vector.shape_cast %get3A_1763 : vector<16xf32> to vector<16xf32>
    %get3A_1765 = arith.constant 800 : index
    %get3A_1766 = tpu.vector_load %arg8[%get3A_1765] {strides = array<i32>} : memref<1024xf32, #tpu.memory_space<vmem>>, vector<16xf32>,
    %get3A_1767 = vector.shape_cast %get3A_1766 : vector<16xf32> to vector<16xf32>
    %sub3A_1768 = arith.subf %get3A_1758, %get3A_1761 : vector<16xf32>
    %sub3A_1769 = arith.subf %sub3A_1768, %get3A_1764 : vector<16xf32>
    %add3A_1770 = arith.addf %sub3A_1769, %get3A_1767 : vector<16xf32>
    %get3A_1771 = arith.constant 32 : index
    %get3A_1772 = tpu.vector_load %arg7[%get3A_1771] {strides = array<i32>} : memref<256xf32, #tpu.memory_space<vmem>>, vector<16xf32>,
    %get3A_1773 = vector.shape_cast %get3A_1772 : vector<16xf32> to vector<16xf32>
    %div3A_1774 = arith.divf %add3A_1770, %get3A_1773 : vector<16xf32>
    %jit3A_1775 = arith.constant 0.000000e+00 : f32
    %jit3A_1776 = arith.constant 1.000000e+00 : f32
    %max3A_1777 = vector.broadcast %jit3A_1775 : f32 to vector<16xf32>
    %max3A_1778 = arith.maximumf %max3A_1777, %div3A_1774 : vector<16xf32>
    %min3A_1779 = vector.broadcast %jit3A_1776 : f32 to vector<16xf32>
    %min3A_1780 = arith.minimumf %min3A_1779, %max3A_1778 : vector<16xf32>
    %swap3A_1781 = arith.constant 32 : index
    %swap3A_1782 = tpu.vector_load %arg9[%swap3A_1781] {strides = array<i32>} : memref<256xf32, #tpu.memory_space<vmem>>, vector<16xf32>,
    %swap3A_1783 = vector.shape_cast %swap3A_1782 : vector<16xf32> to vector<16xf32>
    %swap3A_1784 = vector.shape_cast %min3A_1780 : vector<16xf32> to vector<16xf32>
    tpu.vector_store %arg9[%swap3A_1781], %swap3A_1784 {strides = array<i32>} : memref<256xf32, #tpu.memory_space<vmem>>, vector<16xf32>,
    %get3A_1785 = arith.constant 48 : index
    %get3A_1786 = tpu.vector_load %arg8[%get3A_1785] {strides = array<i32>} : memref<1024xf32, #tpu.memory_space<vmem>>, vector<16xf32>,
    %get3A_1787 = vector.shape_cast %get3A_1786 : vector<16xf32> to vector<16xf32>
    %get3A_1788 = arith.constant 304 : index
    %get3A_1789 = tpu.vector_load %arg8[%get3A_1788] {strides = array<i32>} : memref<1024xf32, #tpu.memory_space<vmem>>, vector<16xf32>,
    %get3A_1790 = vector.shape_cast %get3A_1789 : vector<16xf32> to vector<16xf32>
    %get3A_1791 = arith.constant 560 : index
    %get3A_1792 = tpu.vector_load %arg8[%get3A_1791] {strides = array<i32>} : memref<1024xf32, #tpu.memory_space<vmem>>, vector<16xf32>,
    %get3A_1793 = vector.shape_cast %get3A_1792 : vector<16xf32> to vector<16xf32>
    %get3A_1794 = arith.constant 816 : index
    %get3A_1795 = tpu.vector_load %arg8[%get3A_1794] {strides = array<i32>} : memref<1024xf32, #tpu.memory_space<vmem>>, vector<16xf32>,
    %get3A_1796 = vector.shape_cast %get3A_1795 : vector<16xf32> to vector<16xf32>
    %sub3A_1797 = arith.subf %get3A_1787, %get3A_1790 : vector<16xf32>
    %sub3A_1798 = arith.subf %sub3A_1797, %get3A_1793 : vector<16xf32>
    %add3A_1799 = arith.addf %sub3A_1798, %get3A_1796 : vector<16xf32>
    %get3A_1800 = arith.constant 48 : index
    %get3A_1801 = tpu.vector_load %arg7[%get3A_1800] {strides = array<i32>} : memref<256xf32, #tpu.memory_space<vmem>>, vector<16xf32>,
    %get3A_1802 = vector.shape_cast %get3A_1801 : vector<16xf32> to vector<16xf32>
    %div3A_1803 = arith.divf %add3A_1799, %get3A_1802 : vector<16xf32>
    %jit3A_1804 = arith.constant 0.000000e+00 : f32
    %jit3A_1805 = arith.constant 1.000000e+00 : f32
    %max3A_1806 = vector.broadcast %jit3A_1804 : f32 to vector<16xf32>
    %max3A_1807 = arith.maximumf %max3A_1806, %div3A_1803 : vector<16xf32>
    %min3A_1808 = vector.broadcast %jit3A_1805 : f32 to vector<16xf32>
    %min3A_1809 = arith.minimumf %min3A_1808, %max3A_1807 : vector<16xf32>
    %swap3A_1810 = arith.constant 48 : index
    %swap3A_1811 = tpu.vector_load %arg9[%swap3A_1810] {strides = array<i32>} : memref<256xf32, #tpu.memory_space<vmem>>, vector<16xf32>,
    %swap3A_1812 = vector.shape_cast %swap3A_1811 : vector<16xf32> to vector<16xf32>
    %swap3A_1813 = vector.shape_cast %min3A_1809 : vector<16xf32> to vector<16xf32>
    tpu.vector_store %arg9[%swap3A_1810], %swap3A_1813 {strides = array<i32>} : memref<256xf32, #tpu.memory_space<vmem>>, vector<16xf32>,
    %get3A_1814 = arith.constant 64 : index
    %get3A_1815 = tpu.vector_load %arg8[%get3A_1814] {strides = array<i32>} : memref<1024xf32, #tpu.memory_space<vmem>>, vector<16xf32>,
    %get3A_1816 = vector.shape_cast %get3A_1815 : vector<16xf32> to vector<16xf32>
    %get3A_1817 = arith.constant 320 : index
    %get3A_1818 = tpu.vector_load %arg8[%get3A_1817] {strides = array<i32>} : memref<1024xf32, #tpu.memory_space<vmem>>, vector<16xf32>,
    %get3A_1819 = vector.shape_cast %get3A_1818 : vector<16xf32> to vector<16xf32>
    %get3A_1820 = arith.constant 576 : index
    %get3A_1821 = tpu.vector_load %arg8[%get3A_1820] {strides = array<i32>} : memref<1024xf32, #tpu.memory_space<vmem>>, vector<16xf32>,
    %get3A_1822 = vector.shape_cast %get3A_1821 : vector<16xf32> to vector<16xf32>
    %get3A_1823 = arith.constant 832 : index
    %get3A_1824 = tpu.vector_load %arg8[%get3A_1823] {strides = array<i32>} : memref<1024xf32, #tpu.memory_space<vmem>>, vector<16xf32>,
    %get3A_1825 = vector.shape_cast %get3A_1824 : vector<16xf32> to vector<16xf32>
    %sub3A_1826 = arith.subf %get3A_1816, %get3A_1819 : vector<16xf32>
    %sub3A_1827 = arith.subf %sub3A_1826, %get3A_1822 : vector<16xf32>
    %add3A_1828 = arith.addf %sub3A_1827, %get3A_1825 : vector<16xf32>
    %get3A_1829 = arith.constant 64 : index
    %get3A_1830 = tpu.vector_load %arg7[%get3A_1829] {strides = array<i32>} : memref<256xf32, #tpu.memory_space<vmem>>, vector<16xf32>,
    %get3A_1831 = vector.shape_cast %get3A_1830 : vector<16xf32> to vector<16xf32>
    %div3A_1832 = arith.divf %add3A_1828, %get3A_1831 : vector<16xf32>
    %jit3A_1833 = arith.constant 0.000000e+00 : f32
    %jit3A_1834 = arith.constant 1.000000e+00 : f32
    %max3A_1835 = vector.broadcast %jit3A_1833 : f32 to vector<16xf32>
    %max3A_1836 = arith.maximumf %max3A_1835, %div3A_1832 : vector<16xf32>
    %min3A_1837 = vector.broadcast %jit3A_1834 : f32 to vector<16xf32>
    %min3A_1838 = arith.minimumf %min3A_1837, %max3A_1836 : vector<16xf32>
    %swap3A_1839 = arith.constant 64 : index
    %swap3A_1840 = tpu.vector_load %arg9[%swap3A_1839] {strides = array<i32>} : memref<256xf32, #tpu.memory_space<vmem>>, vector<16xf32>,
    %swap3A_1841 = vector.shape_cast %swap3A_1840 : vector<16xf32> to vector<16xf32>
    %swap3A_1842 = vector.shape_cast %min3A_1838 : vector<16xf32> to vector<16xf32>
    tpu.vector_store %arg9[%swap3A_1839], %swap3A_1842 {strides = array<i32>} : memref<256xf32, #tpu.memory_space<vmem>>, vector<16xf32>,
    %get3A_1843 = arith.constant 80 : index
    %get3A_1844 = tpu.vector_load %arg8[%get3A_1843] {strides = array<i32>} : memref<1024xf32, #tpu.memory_space<vmem>>, vector<16xf32>,
    %get3A_1845 = vector.shape_cast %get3A_1844 : vector<16xf32> to vector<16xf32>
    %get3A_1846 = arith.constant 336 : index
    %get3A_1847 = tpu.vector_load %arg8[%get3A_1846] {strides = array<i32>} : memref<1024xf32, #tpu.memory_space<vmem>>, vector<16xf32>,
    %get3A_1848 = vector.shape_cast %get3A_1847 : vector<16xf32> to vector<16xf32>
    %get3A_1849 = arith.constant 592 : index
    %get3A_1850 = tpu.vector_load %arg8[%get3A_1849] {strides = array<i32>} : memref<1024xf32, #tpu.memory_space<vmem>>, vector<16xf32>,
    %get3A_1851 = vector.shape_cast %get3A_1850 : vector<16xf32> to vector<16xf32>
    %get3A_1852 = arith.constant 848 : index
    %get3A_1853 = tpu.vector_load %arg8[%get3A_1852] {strides = array<i32>} : memref<1024xf32, #tpu.memory_space<vmem>>, vector<16xf32>,
    %get3A_1854 = vector.shape_cast %get3A_1853 : vector<16xf32> to vector<16xf32>
    %sub3A_1855 = arith.subf %get3A_1845, %get3A_1848 : vector<16xf32>
    %sub3A_1856 = arith.subf %sub3A_1855, %get3A_1851 : vector<16xf32>
    %add3A_1857 = arith.addf %sub3A_1856, %get3A_1854 : vector<16xf32>
    %get3A_1858 = arith.constant 80 : index
    %get3A_1859 = tpu.vector_load %arg7[%get3A_1858] {strides = array<i32>} : memref<256xf32, #tpu.memory_space<vmem>>, vector<16xf32>,
    %get3A_1860 = vector.shape_cast %get3A_1859 : vector<16xf32> to vector<16xf32>
    %div3A_1861 = arith.divf %add3A_1857, %get3A_1860 : vector<16xf32>
    %jit3A_1862 = arith.constant 0.000000e+00 : f32
    %jit3A_1863 = arith.constant 1.000000e+00 : f32
    %max3A_1864 = vector.broadcast %jit3A_1862 : f32 to vector<16xf32>
    %max3A_1865 = arith.maximumf %max3A_1864, %div3A_1861 : vector<16xf32>
    %min3A_1866 = vector.broadcast %jit3A_1863 : f32 to vector<16xf32>
    %min3A_1867 = arith.minimumf %min3A_1866, %max3A_1865 : vector<16xf32>
    %swap3A_1868 = arith.constant 80 : index
    %swap3A_1869 = tpu.vector_load %arg9[%swap3A_1868] {strides = array<i32>} : memref<256xf32, #tpu.memory_space<vmem>>, vector<16xf32>,
    %swap3A_1870 = vector.shape_cast %swap3A_1869 : vector<16xf32> to vector<16xf32>
    %swap3A_1871 = vector.shape_cast %min3A_1867 : vector<16xf32> to vector<16xf32>
    tpu.vector_store %arg9[%swap3A_1868], %swap3A_1871 {strides = array<i32>} : memref<256xf32, #tpu.memory_space<vmem>>, vector<16xf32>,
    %get3A_1872 = arith.constant 96 : index
    %get3A_1873 = tpu.vector_load %arg8[%get3A_1872] {strides = array<i32>} : memref<1024xf32, #tpu.memory_space<vmem>>, vector<16xf32>,
    %get3A_1874 = vector.shape_cast %get3A_1873 : vector<16xf32> to vector<16xf32>
    %get3A_1875 = arith.constant 352 : index
    %get3A_1876 = tpu.vector_load %arg8[%get3A_1875] {strides = array<i32>} : memref<1024xf32, #tpu.memory_space<vmem>>, vector<16xf32>,
    %get3A_1877 = vector.shape_cast %get3A_1876 : vector<16xf32> to vector<16xf32>
    %get3A_1878 = arith.constant 608 : index
    %get3A_1879 = tpu.vector_load %arg8[%get3A_1878] {strides = array<i32>} : memref<1024xf32, #tpu.memory_space<vmem>>, vector<16xf32>,
    %get3A_1880 = vector.shape_cast %get3A_1879 : vector<16xf32> to vector<16xf32>
    %get3A_1881 = arith.constant 864 : index
    %get3A_1882 = tpu.vector_load %arg8[%get3A_1881] {strides = array<i32>} : memref<1024xf32, #tpu.memory_space<vmem>>, vector<16xf32>,
    %get3A_1883 = vector.shape_cast %get3A_1882 : vector<16xf32> to vector<16xf32>
    %sub3A_1884 = arith.subf %get3A_1874, %get3A_1877 : vector<16xf32>
    %sub3A_1885 = arith.subf %sub3A_1884, %get3A_1880 : vector<16xf32>
    %add3A_1886 = arith.addf %sub3A_1885, %get3A_1883 : vector<16xf32>
    %get3A_1887 = arith.constant 96 : index
    %get3A_1888 = tpu.vector_load %arg7[%get3A_1887] {strides = array<i32>} : memref<256xf32, #tpu.memory_space<vmem>>, vector<16xf32>,
    %get3A_1889 = vector.shape_cast %get3A_1888 : vector<16xf32> to vector<16xf32>
    %div3A_1890 = arith.divf %add3A_1886, %get3A_1889 : vector<16xf32>
    %jit3A_1891 = arith.constant 0.000000e+00 : f32
    %jit3A_1892 = arith.constant 1.000000e+00 : f32
    %max3A_1893 = vector.broadcast %jit3A_1891 : f32 to vector<16xf32>
    %max3A_1894 = arith.maximumf %max3A_1893, %div3A_1890 : vector<16xf32>
    %min3A_1895 = vector.broadcast %jit3A_1892 : f32 to vector<16xf32>
    %min3A_1896 = arith.minimumf %min3A_1895, %max3A_1894 : vector<16xf32>
    %swap3A_1897 = arith.constant 96 : index
    %swap3A_1898 = tpu.vector_load %arg9[%swap3A_1897] {strides = array<i32>} : memref<256xf32, #tpu.memory_space<vmem>>, vector<16xf32>,
    %swap3A_1899 = vector.shape_cast %swap3A_1898 : vector<16xf32> to vector<16xf32>
    %swap3A_1900 = vector.shape_cast %min3A_1896 : vector<16xf32> to vector<16xf32>
    tpu.vector_store %arg9[%swap3A_1897], %swap3A_1900 {strides = array<i32>} : memref<256xf32, #tpu.memory_space<vmem>>, vector<16xf32>,
    %get3A_1901 = arith.constant 112 : index
    %get3A_1902 = tpu.vector_load %arg8[%get3A_1901] {strides = array<i32>} : memref<1024xf32, #tpu.memory_space<vmem>>, vector<16xf32>,
    %get3A_1903 = vector.shape_cast %get3A_1902 : vector<16xf32> to vector<16xf32>
    %get3A_1904 = arith.constant 368 : index
    %get3A_1905 = tpu.vector_load %arg8[%get3A_1904] {strides = array<i32>} : memref<1024xf32, #tpu.memory_space<vmem>>, vector<16xf32>,
    %get3A_1906 = vector.shape_cast %get3A_1905 : vector<16xf32> to vector<16xf32>
    %get3A_1907 = arith.constant 624 : index
    %get3A_1908 = tpu.vector_load %arg8[%get3A_1907] {strides = array<i32>} : memref<1024xf32, #tpu.memory_space<vmem>>, vector<16xf32>,
    %get3A_1909 = vector.shape_cast %get3A_1908 : vector<16xf32> to vector<16xf32>
    %get3A_1910 = arith.constant 880 : index
    %get3A_1911 = tpu.vector_load %arg8[%get3A_1910] {strides = array<i32>} : memref<1024xf32, #tpu.memory_space<vmem>>, vector<16xf32>,
    %get3A_1912 = vector.shape_cast %get3A_1911 : vector<16xf32> to vector<16xf32>
    %sub3A_1913 = arith.subf %get3A_1903, %get3A_1906 : vector<16xf32>
    %sub3A_1914 = arith.subf %sub3A_1913, %get3A_1909 : vector<16xf32>
    %add3A_1915 = arith.addf %sub3A_1914, %get3A_1912 : vector<16xf32>
    %get3A_1916 = arith.constant 112 : index
    %get3A_1917 = tpu.vector_load %arg7[%get3A_1916] {strides = array<i32>} : memref<256xf32, #tpu.memory_space<vmem>>, vector<16xf32>,
    %get3A_1918 = vector.shape_cast %get3A_1917 : vector<16xf32> to vector<16xf32>
    %div3A_1919 = arith.divf %add3A_1915, %get3A_1918 : vector<16xf32>
    %jit3A_1920 = arith.constant 0.000000e+00 : f32
    %jit3A_1921 = arith.constant 1.000000e+00 : f32
    %max3A_1922 = vector.broadcast %jit3A_1920 : f32 to vector<16xf32>
    %max3A_1923 = arith.maximumf %max3A_1922, %div3A_1919 : vector<16xf32>
    %min3A_1924 = vector.broadcast %jit3A_1921 : f32 to vector<16xf32>
    %min3A_1925 = arith.minimumf %min3A_1924, %max3A_1923 : vector<16xf32>
    %swap3A_1926 = arith.constant 112 : index
    %swap3A_1927 = tpu.vector_load %arg9[%swap3A_1926] {strides = array<i32>} : memref<256xf32, #tpu.memory_space<vmem>>, vector<16xf32>,
    %swap3A_1928 = vector.shape_cast %swap3A_1927 : vector<16xf32> to vector<16xf32>
    %swap3A_1929 = vector.shape_cast %min3A_1925 : vector<16xf32> to vector<16xf32>
    tpu.vector_store %arg9[%swap3A_1926], %swap3A_1929 {strides = array<i32>} : memref<256xf32, #tpu.memory_space<vmem>>, vector<16xf32>,
    %get3A_1930 = arith.constant 128 : index
    %get3A_1931 = tpu.vector_load %arg8[%get3A_1930] {strides = array<i32>} : memref<1024xf32, #tpu.memory_space<vmem>>, vector<16xf32>,
    %get3A_1932 = vector.shape_cast %get3A_1931 : vector<16xf32> to vector<16xf32>
    %get3A_1933 = arith.constant 384 : index
    %get3A_1934 = tpu.vector_load %arg8[%get3A_1933] {strides = array<i32>} : memref<1024xf32, #tpu.memory_space<vmem>>, vector<16xf32>,
    %get3A_1935 = vector.shape_cast %get3A_1934 : vector<16xf32> to vector<16xf32>
    %get3A_1936 = arith.constant 640 : index
    %get3A_1937 = tpu.vector_load %arg8[%get3A_1936] {strides = array<i32>} : memref<1024xf32, #tpu.memory_space<vmem>>, vector<16xf32>,
    %get3A_1938 = vector.shape_cast %get3A_1937 : vector<16xf32> to vector<16xf32>
    %get3A_1939 = arith.constant 896 : index
    %get3A_1940 = tpu.vector_load %arg8[%get3A_1939] {strides = array<i32>} : memref<1024xf32, #tpu.memory_space<vmem>>, vector<16xf32>,
    %get3A_1941 = vector.shape_cast %get3A_1940 : vector<16xf32> to vector<16xf32>
    %sub3A_1942 = arith.subf %get3A_1932, %get3A_1935 : vector<16xf32>
    %sub3A_1943 = arith.subf %sub3A_1942, %get3A_1938 : vector<16xf32>
    %add3A_1944 = arith.addf %sub3A_1943, %get3A_1941 : vector<16xf32>
    %get3A_1945 = arith.constant 128 : index
    %get3A_1946 = tpu.vector_load %arg7[%get3A_1945] {strides = array<i32>} : memref<256xf32, #tpu.memory_space<vmem>>, vector<16xf32>,
    %get3A_1947 = vector.shape_cast %get3A_1946 : vector<16xf32> to vector<16xf32>
    %div3A_1948 = arith.divf %add3A_1944, %get3A_1947 : vector<16xf32>
    %jit3A_1949 = arith.constant 0.000000e+00 : f32
    %jit3A_1950 = arith.constant 1.000000e+00 : f32
    %max3A_1951 = vector.broadcast %jit3A_1949 : f32 to vector<16xf32>
    %max3A_1952 = arith.maximumf %max3A_1951, %div3A_1948 : vector<16xf32>
    %min3A_1953 = vector.broadcast %jit3A_1950 : f32 to vector<16xf32>
    %min3A_1954 = arith.minimumf %min3A_1953, %max3A_1952 : vector<16xf32>
    %swap3A_1955 = arith.constant 128 : index
    %swap3A_1956 = tpu.vector_load %arg9[%swap3A_1955] {strides = array<i32>} : memref<256xf32, #tpu.memory_space<vmem>>, vector<16xf32>,
    %swap3A_1957 = vector.shape_cast %swap3A_1956 : vector<16xf32> to vector<16xf32>
    %swap3A_1958 = vector.shape_cast %min3A_1954 : vector<16xf32> to vector<16xf32>
    tpu.vector_store %arg9[%swap3A_1955], %swap3A_1958 {strides = array<i32>} : memref<256xf32, #tpu.memory_space<vmem>>, vector<16xf32>,
    %get3A_1959 = arith.constant 144 : index
    %get3A_1960 = tpu.vector_load %arg8[%get3A_1959] {strides = array<i32>} : memref<1024xf32, #tpu.memory_space<vmem>>, vector<16xf32>,
    %get3A_1961 = vector.shape_cast %get3A_1960 : vector<16xf32> to vector<16xf32>
    %get3A_1962 = arith.constant 400 : index
    %get3A_1963 = tpu.vector_load %arg8[%get3A_1962] {strides = array<i32>} : memref<1024xf32, #tpu.memory_space<vmem>>, vector<16xf32>,
    %get3A_1964 = vector.shape_cast %get3A_1963 : vector<16xf32> to vector<16xf32>
    %get3A_1965 = arith.constant 656 : index
    %get3A_1966 = tpu.vector_load %arg8[%get3A_1965] {strides = array<i32>} : memref<1024xf32, #tpu.memory_space<vmem>>, vector<16xf32>,
    %get3A_1967 = vector.shape_cast %get3A_1966 : vector<16xf32> to vector<16xf32>
    %get3A_1968 = arith.constant 912 : index
    %get3A_1969 = tpu.vector_load %arg8[%get3A_1968] {strides = array<i32>} : memref<1024xf32, #tpu.memory_space<vmem>>, vector<16xf32>,
    %get3A_1970 = vector.shape_cast %get3A_1969 : vector<16xf32> to vector<16xf32>
    %sub3A_1971 = arith.subf %get3A_1961, %get3A_1964 : vector<16xf32>
    %sub3A_1972 = arith.subf %sub3A_1971, %get3A_1967 : vector<16xf32>
    %add3A_1973 = arith.addf %sub3A_1972, %get3A_1970 : vector<16xf32>
    %get3A_1974 = arith.constant 144 : index
    %get3A_1975 = tpu.vector_load %arg7[%get3A_1974] {strides = array<i32>} : memref<256xf32, #tpu.memory_space<vmem>>, vector<16xf32>,
    %get3A_1976 = vector.shape_cast %get3A_1975 : vector<16xf32> to vector<16xf32>
    %div3A_1977 = arith.divf %add3A_1973, %get3A_1976 : vector<16xf32>
    %jit3A_1978 = arith.constant 0.000000e+00 : f32
    %jit3A_1979 = arith.constant 1.000000e+00 : f32
    %max3A_1980 = vector.broadcast %jit3A_1978 : f32 to vector<16xf32>
    %max3A_1981 = arith.maximumf %max3A_1980, %div3A_1977 : vector<16xf32>
    %min3A_1982 = vector.broadcast %jit3A_1979 : f32 to vector<16xf32>
    %min3A_1983 = arith.minimumf %min3A_1982, %max3A_1981 : vector<16xf32>
    %swap3A_1984 = arith.constant 144 : index
    %swap3A_1985 = tpu.vector_load %arg9[%swap3A_1984] {strides = array<i32>} : memref<256xf32, #tpu.memory_space<vmem>>, vector<16xf32>,
    %swap3A_1986 = vector.shape_cast %swap3A_1985 : vector<16xf32> to vector<16xf32>
    %swap3A_1987 = vector.shape_cast %min3A_1983 : vector<16xf32> to vector<16xf32>
    tpu.vector_store %arg9[%swap3A_1984], %swap3A_1987 {strides = array<i32>} : memref<256xf32, #tpu.memory_space<vmem>>, vector<16xf32>,
    %get3A_1988 = arith.constant 160 : index
    %get3A_1989 = tpu.vector_load %arg8[%get3A_1988] {strides = array<i32>} : memref<1024xf32, #tpu.memory_space<vmem>>, vector<16xf32>,
    %get3A_1990 = vector.shape_cast %get3A_1989 : vector<16xf32> to vector<16xf32>
    %get3A_1991 = arith.constant 416 : index
    %get3A_1992 = tpu.vector_load %arg8[%get3A_1991] {strides = array<i32>} : memref<1024xf32, #tpu.memory_space<vmem>>, vector<16xf32>,
    %get3A_1993 = vector.shape_cast %get3A_1992 : vector<16xf32> to vector<16xf32>
    %get3A_1994 = arith.constant 672 : index
    %get3A_1995 = tpu.vector_load %arg8[%get3A_1994] {strides = array<i32>} : memref<1024xf32, #tpu.memory_space<vmem>>, vector<16xf32>,
    %get3A_1996 = vector.shape_cast %get3A_1995 : vector<16xf32> to vector<16xf32>
    %get3A_1997 = arith.constant 928 : index
    %get3A_1998 = tpu.vector_load %arg8[%get3A_1997] {strides = array<i32>} : memref<1024xf32, #tpu.memory_space<vmem>>, vector<16xf32>,
    %get3A_1999 = vector.shape_cast %get3A_1998 : vector<16xf32> to vector<16xf32>
    %sub3A_2000 = arith.subf %get3A_1990, %get3A_1993 : vector<16xf32>
    %sub3A_2001 = arith.subf %sub3A_2000, %get3A_1996 : vector<16xf32>
    %add3A_2002 = arith.addf %sub3A_2001, %get3A_1999 : vector<16xf32>
    %get3A_2003 = arith.constant 160 : index
    %get3A_2004 = tpu.vector_load %arg7[%get3A_2003] {strides = array<i32>} : memref<256xf32, #tpu.memory_space<vmem>>, vector<16xf32>,
    %get3A_2005 = vector.shape_cast %get3A_2004 : vector<16xf32> to vector<16xf32>
    %div3A_2006 = arith.divf %add3A_2002, %get3A_2005 : vector<16xf32>
    %jit3A_2007 = arith.constant 0.000000e+00 : f32
    %jit3A_2008 = arith.constant 1.000000e+00 : f32
    %max3A_2009 = vector.broadcast %jit3A_2007 : f32 to vector<16xf32>
    %max3A_2010 = arith.maximumf %max3A_2009, %div3A_2006 : vector<16xf32>
    %min3A_2011 = vector.broadcast %jit3A_2008 : f32 to vector<16xf32>
    %min3A_2012 = arith.minimumf %min3A_2011, %max3A_2010 : vector<16xf32>
    %swap3A_2013 = arith.constant 160 : index
    %swap3A_2014 = tpu.vector_load %arg9[%swap3A_2013] {strides = array<i32>} : memref<256xf32, #tpu.memory_space<vmem>>, vector<16xf32>,
    %swap3A_2015 = vector.shape_cast %swap3A_2014 : vector<16xf32> to vector<16xf32>
    %swap3A_2016 = vector.shape_cast %min3A_2012 : vector<16xf32> to vector<16xf32>
    tpu.vector_store %arg9[%swap3A_2013], %swap3A_2016 {strides = array<i32>} : memref<256xf32, #tpu.memory_space<vmem>>, vector<16xf32>,
    %get3A_2017 = arith.constant 176 : index
    %get3A_2018 = tpu.vector_load %arg8[%get3A_2017] {strides = array<i32>} : memref<1024xf32, #tpu.memory_space<vmem>>, vector<16xf32>,
    %get3A_2019 = vector.shape_cast %get3A_2018 : vector<16xf32> to vector<16xf32>
    %get3A_2020 = arith.constant 432 : index
    %get3A_2021 = tpu.vector_load %arg8[%get3A_2020] {strides = array<i32>} : memref<1024xf32, #tpu.memory_space<vmem>>, vector<16xf32>,
    %get3A_2022 = vector.shape_cast %get3A_2021 : vector<16xf32> to vector<16xf32>
    %get3A_2023 = arith.constant 688 : index
    %get3A_2024 = tpu.vector_load %arg8[%get3A_2023] {strides = array<i32>} : memref<1024xf32, #tpu.memory_space<vmem>>, vector<16xf32>,
    %get3A_2025 = vector.shape_cast %get3A_2024 : vector<16xf32> to vector<16xf32>
    %get3A_2026 = arith.constant 944 : index
    %get3A_2027 = tpu.vector_load %arg8[%get3A_2026] {strides = array<i32>} : memref<1024xf32, #tpu.memory_space<vmem>>, vector<16xf32>,
    %get3A_2028 = vector.shape_cast %get3A_2027 : vector<16xf32> to vector<16xf32>
    %sub3A_2029 = arith.subf %get3A_2019, %get3A_2022 : vector<16xf32>
    %sub3A_2030 = arith.subf %sub3A_2029, %get3A_2025 : vector<16xf32>
    %add3A_2031 = arith.addf %sub3A_2030, %get3A_2028 : vector<16xf32>
    %get3A_2032 = arith.constant 176 : index
    %get3A_2033 = tpu.vector_load %arg7[%get3A_2032] {strides = array<i32>} : memref<256xf32, #tpu.memory_space<vmem>>, vector<16xf32>,
    %get3A_2034 = vector.shape_cast %get3A_2033 : vector<16xf32> to vector<16xf32>
    %div3A_2035 = arith.divf %add3A_2031, %get3A_2034 : vector<16xf32>
    %jit3A_2036 = arith.constant 0.000000e+00 : f32
    %jit3A_2037 = arith.constant 1.000000e+00 : f32
    %max3A_2038 = vector.broadcast %jit3A_2036 : f32 to vector<16xf32>
    %max3A_2039 = arith.maximumf %max3A_2038, %div3A_2035 : vector<16xf32>
    %min3A_2040 = vector.broadcast %jit3A_2037 : f32 to vector<16xf32>
    %min3A_2041 = arith.minimumf %min3A_2040, %max3A_2039 : vector<16xf32>
    %swap3A_2042 = arith.constant 176 : index
    %swap3A_2043 = tpu.vector_load %arg9[%swap3A_2042] {strides = array<i32>} : memref<256xf32, #tpu.memory_space<vmem>>, vector<16xf32>,
    %swap3A_2044 = vector.shape_cast %swap3A_2043 : vector<16xf32> to vector<16xf32>
    %swap3A_2045 = vector.shape_cast %min3A_2041 : vector<16xf32> to vector<16xf32>
    tpu.vector_store %arg9[%swap3A_2042], %swap3A_2045 {strides = array<i32>} : memref<256xf32, #tpu.memory_space<vmem>>, vector<16xf32>,
    %get3A_2046 = arith.constant 192 : index
    %get3A_2047 = tpu.vector_load %arg8[%get3A_2046] {strides = array<i32>} : memref<1024xf32, #tpu.memory_space<vmem>>, vector<16xf32>,
    %get3A_2048 = vector.shape_cast %get3A_2047 : vector<16xf32> to vector<16xf32>
    %get3A_2049 = arith.constant 448 : index
    %get3A_2050 = tpu.vector_load %arg8[%get3A_2049] {strides = array<i32>} : memref<1024xf32, #tpu.memory_space<vmem>>, vector<16xf32>,
    %get3A_2051 = vector.shape_cast %get3A_2050 : vector<16xf32> to vector<16xf32>
    %get3A_2052 = arith.constant 704 : index
    %get3A_2053 = tpu.vector_load %arg8[%get3A_2052] {strides = array<i32>} : memref<1024xf32, #tpu.memory_space<vmem>>, vector<16xf32>,
    %get3A_2054 = vector.shape_cast %get3A_2053 : vector<16xf32> to vector<16xf32>
    %get3A_2055 = arith.constant 960 : index
    %get3A_2056 = tpu.vector_load %arg8[%get3A_2055] {strides = array<i32>} : memref<1024xf32, #tpu.memory_space<vmem>>, vector<16xf32>,
    %get3A_2057 = vector.shape_cast %get3A_2056 : vector<16xf32> to vector<16xf32>
    %sub3A_2058 = arith.subf %get3A_2048, %get3A_2051 : vector<16xf32>
    %sub3A_2059 = arith.subf %sub3A_2058, %get3A_2054 : vector<16xf32>
    %add3A_2060 = arith.addf %sub3A_2059, %get3A_2057 : vector<16xf32>
    %get3A_2061 = arith.constant 192 : index
    %get3A_2062 = tpu.vector_load %arg7[%get3A_2061] {strides = array<i32>} : memref<256xf32, #tpu.memory_space<vmem>>, vector<16xf32>,
    %get3A_2063 = vector.shape_cast %get3A_2062 : vector<16xf32> to vector<16xf32>
    %div3A_2064 = arith.divf %add3A_2060, %get3A_2063 : vector<16xf32>
    %jit3A_2065 = arith.constant 0.000000e+00 : f32
    %jit3A_2066 = arith.constant 1.000000e+00 : f32
    %max3A_2067 = vector.broadcast %jit3A_2065 : f32 to vector<16xf32>
    %max3A_2068 = arith.maximumf %max3A_2067, %div3A_2064 : vector<16xf32>
    %min3A_2069 = vector.broadcast %jit3A_2066 : f32 to vector<16xf32>
    %min3A_2070 = arith.minimumf %min3A_2069, %max3A_2068 : vector<16xf32>
    %swap3A_2071 = arith.constant 192 : index
    %swap3A_2072 = tpu.vector_load %arg9[%swap3A_2071] {strides = array<i32>} : memref<256xf32, #tpu.memory_space<vmem>>, vector<16xf32>,
    %swap3A_2073 = vector.shape_cast %swap3A_2072 : vector<16xf32> to vector<16xf32>
    %swap3A_2074 = vector.shape_cast %min3A_2070 : vector<16xf32> to vector<16xf32>
    tpu.vector_store %arg9[%swap3A_2071], %swap3A_2074 {strides = array<i32>} : memref<256xf32, #tpu.memory_space<vmem>>, vector<16xf32>,
    %get3A_2075 = arith.constant 208 : index
    %get3A_2076 = tpu.vector_load %arg8[%get3A_2075] {strides = array<i32>} : memref<1024xf32, #tpu.memory_space<vmem>>, vector<16xf32>,
    %get3A_2077 = vector.shape_cast %get3A_2076 : vector<16xf32> to vector<16xf32>
    %get3A_2078 = arith.constant 464 : index
    %get3A_2079 = tpu.vector_load %arg8[%get3A_2078] {strides = array<i32>} : memref<1024xf32, #tpu.memory_space<vmem>>, vector<16xf32>,
    %get3A_2080 = vector.shape_cast %get3A_2079 : vector<16xf32> to vector<16xf32>
    %get3A_2081 = arith.constant 720 : index
    %get3A_2082 = tpu.vector_load %arg8[%get3A_2081] {strides = array<i32>} : memref<1024xf32, #tpu.memory_space<vmem>>, vector<16xf32>,
    %get3A_2083 = vector.shape_cast %get3A_2082 : vector<16xf32> to vector<16xf32>
    %get3A_2084 = arith.constant 976 : index
    %get3A_2085 = tpu.vector_load %arg8[%get3A_2084] {strides = array<i32>} : memref<1024xf32, #tpu.memory_space<vmem>>, vector<16xf32>,
    %get3A_2086 = vector.shape_cast %get3A_2085 : vector<16xf32> to vector<16xf32>
    %sub3A_2087 = arith.subf %get3A_2077, %get3A_2080 : vector<16xf32>
    %sub3A_2088 = arith.subf %sub3A_2087, %get3A_2083 : vector<16xf32>
    %add3A_2089 = arith.addf %sub3A_2088, %get3A_2086 : vector<16xf32>
    %get3A_2090 = arith.constant 208 : index
    %get3A_2091 = tpu.vector_load %arg7[%get3A_2090] {strides = array<i32>} : memref<256xf32, #tpu.memory_space<vmem>>, vector<16xf32>,
    %get3A_2092 = vector.shape_cast %get3A_2091 : vector<16xf32> to vector<16xf32>
    %div3A_2093 = arith.divf %add3A_2089, %get3A_2092 : vector<16xf32>
    %jit3A_2094 = arith.constant 0.000000e+00 : f32
    %jit3A_2095 = arith.constant 1.000000e+00 : f32
    %max3A_2096 = vector.broadcast %jit3A_2094 : f32 to vector<16xf32>
    %max3A_2097 = arith.maximumf %max3A_2096, %div3A_2093 : vector<16xf32>
    %min3A_2098 = vector.broadcast %jit3A_2095 : f32 to vector<16xf32>
    %min3A_2099 = arith.minimumf %min3A_2098, %max3A_2097 : vector<16xf32>
    %swap3A_2100 = arith.constant 208 : index
    %swap3A_2101 = tpu.vector_load %arg9[%swap3A_2100] {strides = array<i32>} : memref<256xf32, #tpu.memory_space<vmem>>, vector<16xf32>,
    %swap3A_2102 = vector.shape_cast %swap3A_2101 : vector<16xf32> to vector<16xf32>
    %swap3A_2103 = vector.shape_cast %min3A_2099 : vector<16xf32> to vector<16xf32>
    tpu.vector_store %arg9[%swap3A_2100], %swap3A_2103 {strides = array<i32>} : memref<256xf32, #tpu.memory_space<vmem>>, vector<16xf32>,
    %get3A_2104 = arith.constant 224 : index
    %get3A_2105 = tpu.vector_load %arg8[%get3A_2104] {strides = array<i32>} : memref<1024xf32, #tpu.memory_space<vmem>>, vector<16xf32>,
    %get3A_2106 = vector.shape_cast %get3A_2105 : vector<16xf32> to vector<16xf32>
    %get3A_2107 = arith.constant 480 : index
    %get3A_2108 = tpu.vector_load %arg8[%get3A_2107] {strides = array<i32>} : memref<1024xf32, #tpu.memory_space<vmem>>, vector<16xf32>,
    %get3A_2109 = vector.shape_cast %get3A_2108 : vector<16xf32> to vector<16xf32>
    %get3A_2110 = arith.constant 736 : index
    %get3A_2111 = tpu.vector_load %arg8[%get3A_2110] {strides = array<i32>} : memref<1024xf32, #tpu.memory_space<vmem>>, vector<16xf32>,
    %get3A_2112 = vector.shape_cast %get3A_2111 : vector<16xf32> to vector<16xf32>
    %get3A_2113 = arith.constant 992 : index
    %get3A_2114 = tpu.vector_load %arg8[%get3A_2113] {strides = array<i32>} : memref<1024xf32, #tpu.memory_space<vmem>>, vector<16xf32>,
    %get3A_2115 = vector.shape_cast %get3A_2114 : vector<16xf32> to vector<16xf32>
    %sub3A_2116 = arith.subf %get3A_2106, %get3A_2109 : vector<16xf32>
    %sub3A_2117 = arith.subf %sub3A_2116, %get3A_2112 : vector<16xf32>
    %add3A_2118 = arith.addf %sub3A_2117, %get3A_2115 : vector<16xf32>
    %get3A_2119 = arith.constant 224 : index
    %get3A_2120 = tpu.vector_load %arg7[%get3A_2119] {strides = array<i32>} : memref<256xf32, #tpu.memory_space<vmem>>, vector<16xf32>,
    %get3A_2121 = vector.shape_cast %get3A_2120 : vector<16xf32> to vector<16xf32>
    %div3A_2122 = arith.divf %add3A_2118, %get3A_2121 : vector<16xf32>
    %jit3A_2123 = arith.constant 0.000000e+00 : f32
    %jit3A_2124 = arith.constant 1.000000e+00 : f32
    %max3A_2125 = vector.broadcast %jit3A_2123 : f32 to vector<16xf32>
    %max3A_2126 = arith.maximumf %max3A_2125, %div3A_2122 : vector<16xf32>
    %min3A_2127 = vector.broadcast %jit3A_2124 : f32 to vector<16xf32>
    %min3A_2128 = arith.minimumf %min3A_2127, %max3A_2126 : vector<16xf32>
    %swap3A_2129 = arith.constant 224 : index
    %swap3A_2130 = tpu.vector_load %arg9[%swap3A_2129] {strides = array<i32>} : memref<256xf32, #tpu.memory_space<vmem>>, vector<16xf32>,
    %swap3A_2131 = vector.shape_cast %swap3A_2130 : vector<16xf32> to vector<16xf32>
    %swap3A_2132 = vector.shape_cast %min3A_2128 : vector<16xf32> to vector<16xf32>
    tpu.vector_store %arg9[%swap3A_2129], %swap3A_2132 {strides = array<i32>} : memref<256xf32, #tpu.memory_space<vmem>>, vector<16xf32>,
    %get3A_2133 = arith.constant 240 : index
    %get3A_2134 = tpu.vector_load %arg8[%get3A_2133] {strides = array<i32>} : memref<1024xf32, #tpu.memory_space<vmem>>, vector<16xf32>,
    %get3A_2135 = vector.shape_cast %get3A_2134 : vector<16xf32> to vector<16xf32>
    %get3A_2136 = arith.constant 496 : index
    %get3A_2137 = tpu.vector_load %arg8[%get3A_2136] {strides = array<i32>} : memref<1024xf32, #tpu.memory_space<vmem>>, vector<16xf32>,
    %get3A_2138 = vector.shape_cast %get3A_2137 : vector<16xf32> to vector<16xf32>
    %get3A_2139 = arith.constant 752 : index
    %get3A_2140 = tpu.vector_load %arg8[%get3A_2139] {strides = array<i32>} : memref<1024xf32, #tpu.memory_space<vmem>>, vector<16xf32>,
    %get3A_2141 = vector.shape_cast %get3A_2140 : vector<16xf32> to vector<16xf32>
    %get3A_2142 = arith.constant 1008 : index
    %get3A_2143 = tpu.vector_load %arg8[%get3A_2142] {strides = array<i32>} : memref<1024xf32, #tpu.memory_space<vmem>>, vector<16xf32>,
    %get3A_2144 = vector.shape_cast %get3A_2143 : vector<16xf32> to vector<16xf32>
    %sub3A_2145 = arith.subf %get3A_2135, %get3A_2138 : vector<16xf32>
    %sub3A_2146 = arith.subf %sub3A_2145, %get3A_2141 : vector<16xf32>
    %add3A_2147 = arith.addf %sub3A_2146, %get3A_2144 : vector<16xf32>
    %get3A_2148 = arith.constant 240 : index
    %get3A_2149 = tpu.vector_load %arg7[%get3A_2148] {strides = array<i32>} : memref<256xf32, #tpu.memory_space<vmem>>, vector<16xf32>,
    %get3A_2150 = vector.shape_cast %get3A_2149 : vector<16xf32> to vector<16xf32>
    %div3A_2151 = arith.divf %add3A_2147, %get3A_2150 : vector<16xf32>
    %jit3A_2152 = arith.constant 0.000000e+00 : f32
    %jit3A_2153 = arith.constant 1.000000e+00 : f32
    %max3A_2154 = vector.broadcast %jit3A_2152 : f32 to vector<16xf32>
    %max3A_2155 = arith.maximumf %max3A_2154, %div3A_2151 : vector<16xf32>
    %min3A_2156 = vector.broadcast %jit3A_2153 : f32 to vector<16xf32>
    %min3A_2157 = arith.minimumf %min3A_2156, %max3A_2155 : vector<16xf32>
    %swap3A_2158 = arith.constant 240 : index
    %swap3A_2159 = tpu.vector_load %arg9[%swap3A_2158] {strides = array<i32>} : memref<256xf32, #tpu.memory_space<vmem>>, vector<16xf32>,
    %swap3A_2160 = vector.shape_cast %swap3A_2159 : vector<16xf32> to vector<16xf32>
    %swap3A_2161 = vector.shape_cast %min3A_2157 : vector<16xf32> to vector<16xf32>
    tpu.vector_store %arg9[%swap3A_2158], %swap3A_2161 {strides = array<i32>} : memref<256xf32, #tpu.memory_space<vmem>>, vector<16xf32>,
    "tpu.region"() ({
      %run_scoped3A = tpu.sem_alloc : memref<!tpu.dma_semaphore, #tpu.memory_space<semaphore_mem>>
      %dma_start3A_2162 = arith.constant 0 : i32
      %dma_start3A_2163 = tpu.memref_slice %arg4[%add3A, %dma_start3A_2162] : memref<32x256xf32, #tpu.memory_space<hbm>> -> memref<1x256xf32, #tpu.memory_space<hbm>>
      %dma_start3A_2164 = tpu.memref_squeeze %dma_start3A_2163 : memref<1x256xf32, #tpu.memory_space<hbm>> -> memref<256xf32, #tpu.memory_space<hbm>>
      %dma_start3A_2165 = arith.constant 0 : i32
      %dma_start3A_2166 = tpu.memref_slice %arg4[%add3A, %dma_start3A_2165] : memref<32x256xf32, #tpu.memory_space<hbm>> -> memref<1x256xf32, #tpu.memory_space<hbm>>
      %dma_start3A_2167 = tpu.memref_squeeze %dma_start3A_2166 : memref<1x256xf32, #tpu.memory_space<hbm>> -> memref<256xf32, #tpu.memory_space<hbm>>
      tpu.enqueue_dma source(%arg9 : memref<256xf32, #tpu.memory_space<vmem>>) target(%dma_start3A_2167 : memref<256xf32, #tpu.memory_space<hbm>>) target_semaphore(%run_scoped3A : memref<!tpu.dma_semaphore, #tpu.memory_space<semaphore_mem>>)
      %dma_wait3A_2168 = arith.constant 0 : i32
      %dma_wait3A_2169 = tpu.memref_slice %arg4[%add3A, %dma_wait3A_2168] : memref<32x256xf32, #tpu.memory_space<hbm>> -> memref<1x256xf32, #tpu.memory_space<hbm>>
      %dma_wait3A_2170 = tpu.memref_squeeze %dma_wait3A_2169 : memref<1x256xf32, #tpu.memory_space<hbm>> -> memref<256xf32, #tpu.memory_space<hbm>>
      %dma_wait3A_2171 = arith.constant 0 : i32
      %dma_wait3A_2172 = tpu.memref_slice %arg4[%add3A, %dma_wait3A_2171] : memref<32x256xf32, #tpu.memory_space<hbm>> -> memref<1x256xf32, #tpu.memory_space<hbm>>
      %dma_wait3A_2173 = tpu.memref_squeeze %dma_wait3A_2172 : memref<1x256xf32, #tpu.memory_space<hbm>> -> memref<256xf32, #tpu.memory_space<hbm>>
      tpu.wait_dma2 semaphore(%run_scoped3A : memref<!tpu.dma_semaphore, #tpu.memory_space<semaphore_mem>>) src(%arg9 : memref<256xf32, #tpu.memory_space<vmem>>) dst(%dma_wait3A_2173 : memref<256xf32, #tpu.memory_space<hbm>>)
      tpu.yield
    }) : () -> ()
    return
  }
}

module attributes {stable_mosaic.version = 14 : i64} {
  func.func @_loss_body(%arg0: memref<16x512xf32, #tpu.memory_space<vmem>>, %arg1: memref<32x256xf32, #tpu.memory_space<vmem>>, %arg2: memref<1x1xf32, #tpu.memory_space<smem>>) attributes {dimension_semantics = [], scalar_prefetch = 0 : i64, scratch_operands = 0 : i64, tpu.core_type = #tpu.core_type<tc>} {
    %get3A = arith.constant 0 : index
    %get3A_0 = arith.constant 0 : index
    %get3A_1 = vector.load %arg0[%get3A, %get3A_0] : memref<16x512xf32, #tpu.memory_space<vmem>>, vector<16x512xf32>
    %get3A_2 = arith.constant 0 : index
    %get3A_3 = arith.constant 0 : index
    %get3A_4 = vector.load %arg1[%get3A_2, %get3A_3] : memref<32x256xf32, #tpu.memory_space<vmem>>, vector<32x256xf32>
    %reshape3A = vector.shape_cast %get3A_4 : vector<32x256xf32> to vector<16x2x256xf32>
    %slice3A = vector.extract_strided_slice %reshape3A {offsets = [0, 0, 0], sizes = [16, 1, 256], strides = [1, 1, 1]} : vector<16x2x256xf32> to vector<16x1x256xf32>
    %squeeze3A = vector.shape_cast %slice3A : vector<16x1x256xf32> to vector<16x256xf32>
    %slice3A_5 = vector.extract_strided_slice %get3A_1 {offsets = [0, 0], sizes = [16, 256], strides = [1, 1]} : vector<16x512xf32> to vector<16x256xf32>
    %sub3A = arith.subf %squeeze3A, %slice3A_5 : vector<16x256xf32>
    %slice3A_6 = vector.extract_strided_slice %reshape3A {offsets = [0, 1, 0], sizes = [16, 1, 256], strides = [1, 1, 1]} : vector<16x2x256xf32> to vector<16x1x256xf32>
    %squeeze3A_7 = vector.shape_cast %slice3A_6 : vector<16x1x256xf32> to vector<16x256xf32>
    %slice3A_8 = vector.extract_strided_slice %get3A_1 {offsets = [0, 256], sizes = [16, 256], strides = [1, 1]} : vector<16x512xf32> to vector<16x256xf32>
    %sub3A_9 = arith.subf %squeeze3A_7, %slice3A_8 : vector<16x256xf32>
    %mul3A = arith.mulf %sub3A, %sub3A : vector<16x256xf32>
    %reduce_sum3A = vector.shape_cast %mul3A : vector<16x256xf32> to vector<1x16x256xf32>
    %reduce_sum3A_10 = arith.constant dense<0.000000e+00> : vector<1xf32>
    %reduce_sum3A_11 = vector.multi_reduction <add>, %reduce_sum3A, %reduce_sum3A_10 [1, 2] : vector<1x16x256xf32> to vector<1xf32>
    %reduce_sum3A_12 = vector.shape_cast %reduce_sum3A_11 : vector<1xf32> to vector<1x1x1xf32>
    %reduce_sum3A_13 = vector.extract %reduce_sum3A_12[0, 0, 0] : f32 from vector<1x1x1xf32>
    %mul3A_14 = arith.mulf %sub3A_9, %sub3A_9 : vector<16x256xf32>
    %reduce_sum3A_15 = vector.shape_cast %mul3A_14 : vector<16x256xf32> to vector<1x16x256xf32>
    %reduce_sum3A_16 = arith.constant dense<0.000000e+00> : vector<1xf32>
    %reduce_sum3A_17 = vector.multi_reduction <add>, %reduce_sum3A_15, %reduce_sum3A_16 [1, 2] : vector<1x16x256xf32> to vector<1xf32>
    %reduce_sum3A_18 = vector.shape_cast %reduce_sum3A_17 : vector<1xf32> to vector<1x1x1xf32>
    %reduce_sum3A_19 = vector.extract %reduce_sum3A_18[0, 0, 0] : f32 from vector<1x1x1xf32>
    %add3A = arith.addf %reduce_sum3A_13, %reduce_sum3A_19 : f32
    %mul3A_20 = arith.constant 1.22070313E-4 : f32
    %mul3A_21 = arith.mulf %add3A, %mul3A_20 : f32
    %swap3A = arith.constant 0 : index
    %swap3A_22 = arith.constant 0 : index
    %swap3A_23 = memref.load %arg2[%swap3A, %swap3A_22] : memref<1x1xf32, #tpu.memory_space<smem>>
    memref.store %mul3A_21, %arg2[%swap3A, %swap3A_22] : memref<1x1xf32, #tpu.memory_space<smem>>
    return
  }
}

module attributes {stable_mosaic.version = 14 : i64} {
  func.func @_integral_body(%arg0: i32, %arg1: memref<1x1x512x512xi32, #tpu.memory_space<vmem>>, %arg2: memref<1x512x512xi32, #tpu.memory_space<vmem>>, %arg3: memref<1x512x2xf32, #tpu.memory_space<vmem>>, %arg4: memref<262144xf32, #tpu.memory_space<vmem>>, %arg5: memref<1024xf32, #tpu.memory_space<vmem>>) attributes {dimension_semantics = [#tpu.dimension_semantics<arbitrary>], iteration_bounds = array<i64: 16>, scalar_prefetch = 0 : i64, scratch_operands = 0 : i64, tpu.core_type = #tpu.core_type<tc>, window_params = [{transform_indices = @transform_0, window_bounds = array<i64: 1, 1, 512, 512>}, {transform_indices = @transform_1, window_bounds = array<i64: 1, 512, 512>}, {transform_indices = @transform_2, window_bounds = array<i64: 1, 512, 2>}, {transform_indices = @transform_3, window_bounds = array<i64: 262144>}, {transform_indices = @transform_4, window_bounds = array<i64: 1024>}]} {
    %get3A = arith.constant 0 : index
    %get3A_0 = arith.constant 0 : index
    %get3A_1 = arith.constant 0 : index
    %get3A_2 = arith.constant 0 : index
    %get3A_3 = vector.load %arg1[%get3A, %get3A_0, %get3A_1, %get3A_2] : memref<1x1x512x512xi32, #tpu.memory_space<vmem>>, vector<1x1x512x512xi32>
    %get3A_4 = vector.shape_cast %get3A_3 : vector<1x1x512x512xi32> to vector<512x512xi32>
    %get3A_5 = arith.constant 0 : index
    %get3A_6 = arith.constant 0 : index
    %get3A_7 = arith.constant 0 : index
    %get3A_8 = vector.load %arg2[%get3A_5, %get3A_6, %get3A_7] : memref<1x512x512xi32, #tpu.memory_space<vmem>>, vector<1x512x512xi32>
    %get3A_9 = vector.shape_cast %get3A_8 : vector<1x512x512xi32> to vector<512x512xi32>
    %eq3A = arith.cmpi eq, %get3A_4, %get3A_9 : vector<512x512xi32>
    %convert_element_type3A = arith.extui %eq3A : vector<512x512xi1> to vector<512x512xi32>
    %convert_element_type3A_10 = arith.sitofp %convert_element_type3A : vector<512x512xi32> to vector<512x512xf32>
    %iota3A = tpu.iota {dimensions = array<i32: 0>} : vector<512x512xi32>
    %iota3A_11 = tpu.iota {dimensions = array<i32: 1>} : vector<512x512xi32>
    %gt3A = arith.cmpi sgt, %iota3A, %iota3A_11 : vector<512x512xi32>
    %convert_element_type3A_12 = arith.extui %gt3A : vector<512x512xi1> to vector<512x512xi32>
    %convert_element_type3A_13 = arith.sitofp %convert_element_type3A_12 : vector<512x512xi32> to vector<512x512xf32>
    %lt3A = arith.cmpi slt, %iota3A, %iota3A_11 : vector<512x512xi32>
    %convert_element_type3A_14 = arith.extui %lt3A : vector<512x512xi1> to vector<512x512xi32>
    %convert_element_type3A_15 = arith.sitofp %convert_element_type3A_14 : vector<512x512xi32> to vector<512x512xf32>
    %dot_general3A = arith.constant dense<0.000000e+00> : vector<512x512xf32>
    %dot_general3A_16 = tpu.matmul %convert_element_type3A_13, %convert_element_type3A_10, %dot_general3A {dimension_numbers = #tpu.dot_dimension_numbers<[1], [0], [0], [1], [0, 0, 1, 1], [], []>, transpose_lhs_hint = false} : vector<512x512xf32>, vector<512x512xf32>, vector<512x512xf32> -> vector<512x512xf32>
    %dot_general3A_17 = arith.constant dense<0.000000e+00> : vector<512x512xf32>
    %dot_general3A_18 = tpu.matmul %dot_general3A_16, %convert_element_type3A_15, %dot_general3A_17 {dimension_numbers = #tpu.dot_dimension_numbers<[1], [0], [0], [1], [0, 0, 1, 1], [], []>, transpose_lhs_hint = false} : vector<512x512xf32>, vector<512x512xf32>, vector<512x512xf32> -> vector<512x512xf32>
    %reshape3A = vector.shape_cast %dot_general3A_18 : vector<512x512xf32> to vector<262144xf32>
    %swap3A = arith.constant 0 : index
    %swap3A_19 = vector.load %arg4[%swap3A] : memref<262144xf32, #tpu.memory_space<vmem>>, vector<262144xf32>
    tpu.vector_store %arg4[%swap3A], %reshape3A {strides = array<i32>} : memref<262144xf32, #tpu.memory_space<vmem>>, vector<262144xf32>,
    %eq3A_20 = arith.cmpi eq, %iota3A, %iota3A_11 : vector<512x512xi32>
    %convert_element_type3A_21 = arith.extui %eq3A_20 : vector<512x512xi1> to vector<512x512xi32>
    %convert_element_type3A_22 = arith.sitofp %convert_element_type3A_21 : vector<512x512xi32> to vector<512x512xf32>
    %get3A_23 = arith.constant 0 : index
    %get3A_24 = arith.constant 0 : index
    %get3A_25 = arith.constant 0 : index
    %get3A_26 = vector.load %arg3[%get3A_23, %get3A_24, %get3A_25] : memref<1x512x2xf32, #tpu.memory_space<vmem>>, vector<1x512x2xf32>
    %get3A_27 = vector.shape_cast %get3A_26 : vector<1x512x2xf32> to vector<512x2xf32>
    %dot_general3A_28 = arith.constant dense<0.000000e+00> : vector<2x512xf32>
    %dot_general3A_29 = tpu.matmul %get3A_27, %convert_element_type3A_22, %dot_general3A_28 {dimension_numbers = #tpu.dot_dimension_numbers<[0], [0], [1], [1], [0, 1, 1, 1], [], []>, precision = #tpu.contract_precision<fp32>, transpose_lhs_hint = false} : vector<512x2xf32>, vector<512x512xf32>, vector<2x512xf32> -> vector<2x512xf32>
    %reshape3A_30 = vector.shape_cast %dot_general3A_29 : vector<2x512xf32> to vector<1024xf32>
    %swap3A_31 = arith.constant 0 : index
    %swap3A_32 = vector.load %arg5[%swap3A_31] : memref<1024xf32, #tpu.memory_space<vmem>>, vector<1024xf32>
    tpu.vector_store %arg5[%swap3A_31], %reshape3A_30 {strides = array<i32>} : memref<1024xf32, #tpu.memory_space<vmem>>, vector<1024xf32>,
    return
  }
  func.func @transform_0(%arg0: i32) -> (i32, i32, i32, i32) {
    %c0_i32 = arith.constant 0 : i32
    %c0_i32_0 = arith.constant 0 : i32
    %c0_i32_1 = arith.constant 0 : i32
    %c0_i32_2 = arith.constant 0 : i32
    return %arg0, %c0_i32, %c0_i32_0, %c0_i32_1 : i32, i32, i32, i32
  }
  func.func @transform_1(%arg0: i32) -> (i32, i32, i32) {
    %c0_i32 = arith.constant 0 : i32
    %c0_i32_0 = arith.constant 0 : i32
    %c0_i32_1 = arith.constant 0 : i32
    return %arg0, %c0_i32, %c0_i32_0 : i32, i32, i32
  }
  func.func @transform_2(%arg0: i32) -> (i32, i32, i32) {
    %c0_i32 = arith.constant 0 : i32
    %c0_i32_0 = arith.constant 0 : i32
    %c0_i32_1 = arith.constant 0 : i32
    return %arg0, %c0_i32, %c0_i32_0 : i32, i32, i32
  }
  func.func @transform_3(%arg0: i32) -> i32 {
    %c0_i32 = arith.constant 0 : i32
    return %arg0 : i32
  }
  func.func @transform_4(%arg0: i32) -> i32 {
    %c0_i32 = arith.constant 0 : i32
    return %arg0 : i32
  }
}

</mosaic_0001>

<sc_bundles>
// kernel: kernel.5.cloned.1.call-start
scs
__scs_entry_jumppad:
0x0: {  	(pc) =	sbr.rel $0x88, $3  }
0x1: {  	(tag) =	ssettag $0x0;
	lr =	simm.s32 $0x1  }
0x2: {  	[smem:$0x3F9D] =	sst lr;
	_ =	strace $0xD0000000  }
0x3: {  	_ = 	snop  }
0x4: {  	_ = 	snop  }
0x5: {  	_ = 	snop  }
0x6: {  	_ = 	snop  }
0x7: {  	_ = 	snop  }
__scs_overlays_trampoline_lowered:
0x8: {  	[smem:$0x3FAC] =	sst s0  }
0x9: {  	[smem:$0x3FAD] =	sst s1  }
0xa: {  	[smem:$0x3FAE] =	sst s2  }
0xb: {  	[smem:$0x3FAF] =	sst s3  }
0xc: {  	[smem:$0x3FB0] =	sst s4  }
0xd: {  	[smem:$0x3FB1] =	sst s5  }
0xe: {  	[smem:$0x3FB2] =	sst s6  }
0xf: {  	[smem:$0x3FB3] =	sst s7  }
0x10: {  	[smem:$0x3FB4] =	sst s8  }
0x11: {  	[smem:$0x3FB5] =	sst s9;
	s0 =	simm.s32 @!p0 $0x0  }
0x12: {  	s1 =	sld [smem:$0x3F9B];
	s0 =	simm.s32 @p0 $0x1  }
0x13: {  	[smem:$0x3FB6] =	sst s0;
	s0 =	simm.s32 @!p1 $0x0  }
0x14: {  	s2 =	sld [smem:$0x3F9A];
	s0 =	simm.s32 @p1 $0x1  }
0x15: {  	[smem:$0x3FB7] =	sst s0;
	s0 =	simm.s32 @!p2 $0x0  }
0x16: {  	s3 =	sld [smem:$0x3FDB];
	s0 =	simm.s32 @p2 $0x1  }
0x17: {  	s4 =	simm.s32 $0x1BF5;
	[smem:$0x3FB9] =	sst s0  }
0x18: {  	s0 =	sld [smem:$0x3F9C];
	_ =	swait.ge [sflag:s4], $0x0  }
0x19: {  	s7 =	sld [smem:$0x3F9D]  }
0x1a: {  	s8 =	sadd.s32 $0xFFFFE003, lr  }
0x1b: {  	s9 =	sadd.s32 $0xFFFFFEF7, lr;
	s5 =	simm.s32 $0xFFFFFFFF;
	p2 =	slt.u32 s8, $0xFFFFF086  }
0x1c: {  	p1 =	slt.u32 s9, $0xF7A;
	s5 =	simm.s32 @!p2 $0x0  }
0x1d: {  	s5 =	simm.s32 @p1 $0x1;
	p0 =	seq.s32 s7, s2  }
0x1e: {  	s7 =	smul.u32 @!p0 $0xF7A, s2;
	p2 =	seq.s32 @!p0 s5, $0x0  }
0x1f: {  	s9 =	smul.u32 $0xF7A, s1;
	s8 =	simm.s32 @!p0 $0x1BF5;
	p2 =	por !p2, p0  }
0x20: {  	[sflag:s8] =	ssyncset.s32 @!p0 $0xFFFFF086;
	s6 =	sadd.s32 @!p0 s3, s7;
	s7 =	simm.s32 @!p0 $0x108  }
0x21: {  	s3 =	sadd.s32 s3, s9;
	s6 =	sadd.s32 @!p0 $0x88, s6;
	s7 =	simm.s32 @p2 $0x1082  }
0x22: {  	[simem:s7], [sflag:s8] =	dma.local @!p0 [hbm:s6], $0xF7A  }
0x23: {  	s9 =	sor.u32 $0xD0000000, s2;
	s6 =	simm.s32 $0x108;
	_ =	swait.ge @!p0 [sflag:s8], $0x0  }
0x24: {  	s3 =	sadd.s32 $0x88, s3;
	s6 =	simm.s32 @!p1 $0x1082;
	[sflag:s4] =	ssyncset.s32 $0xFFFFF086  }
0x25: {  	[simem:s6], [sflag:s4] =	dma.local [hbm:s3], $0xF7A  }
0x26: {  	[smem:$0x3F9D] =	sst s1;
	(tag) =	ssettag s2;
	_ =	strace s9  }
0x27: {  	s1 =	sld [smem:$0x3FAD]  }
0x28: {  	s2 =	sld [smem:$0x3FAE]  }
0x29: {  	s4 =	sld [smem:$0x3FB0]  }
0x2a: {  	p0 =	seq.s32 s5, $0x0;
	s5 =	sld [smem:$0x3FB1]  }
0x2b: {  	s6 =	sld [smem:$0x3FB2]  }
0x2c: {  	s7 =	sld [smem:$0x3FB3]  }
0x2d: {  	s3 =	simm.s32 $0x108;
	s8 =	sld [smem:$0x3FB4]  }
0x2e: {  	s3 =	simm.s32 @!p0 $0x1082;
	s9 =	sld [smem:$0x3FB5]  }
0x2f: {  	lr =	sadd.s32 s0, s3;
	s0 =	sld [smem:$0x3FAC]  }
0x30: {  	s3 =	sld [smem:$0x3FAF]  }
0x31: {  	[smem:$0x3FB8] =	sst s10  }
0x32: {  	s10 =	sld [smem:$0x3FB6];
	_ =	sdelay $0x3  }
0x33: {  	p0 =	seq.s32 s10, $0x1;
	s10 =	sld [smem:$0x3FB8];
	_ =	sdelay $0x3  }
0x34: {  	[smem:$0x3FB8] =	sst s10  }
0x35: {  	s10 =	sld [smem:$0x3FB7];
	_ =	sdelay $0x3  }
0x36: {  	p1 =	seq.s32 s10, $0x1;
	s10 =	sld [smem:$0x3FB8];
	_ =	sdelay $0x3  }
0x37: {  	[smem:$0x3FB8] =	sst s10  }
0x38: {  	s10 =	sld [smem:$0x3FB9]  }
0x39: {  	_ = 	snop;
	(pc) =	sbr.ind lr, $3  }
0x3a: {  	_ = 	snop  }
0x3b: {  	_ = 	snop  }
0x3c: {  	p2 =	seq.s32 s10, $0x1;
	s10 =	sld [smem:$0x3FB8]  }
0x3d: {  	_ =	shalt  }
0x3e: {  	_ =	shalt  }
0x3f: {  	_ =	shalt  }
0x40: {  	_ =	shalt  }
0x41: {  	_ =	shalt  }
0x42: {  	_ =	shalt  }
0x43: {  	_ =	shalt  }
0x44: {  	_ =	shalt  }
0x45: {  	_ =	shalt  }
0x46: {  	_ =	shalt  }
0x47: {  	_ =	shalt  }
0x48: {  	_ =	shalt  }
0x49: {  	_ =	shalt  }
0x4a: {  	_ =	shalt  }
0x4b: {  	_ =	shalt  }
0x4c: {  	_ =	shalt  }
0x4d: {  	_ =	shalt  }
0x4e: {  	_ =	shalt  }
0x4f: {  	_ =	shalt  }
0x50: {  	_ =	shalt  }
0x51: {  	_ =	shalt  }
0x52: {  	_ =	shalt  }
0x53: {  	_ =	shalt  }
0x54: {  	_ =	shalt  }
0x55: {  	_ =	shalt  }
0x56: {  	_ =	shalt  }
0x57: {  	_ =	shalt  }
0x58: {  	_ =	shalt  }
0x59: {  	_ =	shalt  }
0x5a: {  	_ =	shalt  }
0x5b: {  	_ =	shalt  }
0x5c: {  	_ =	shalt  }
0x5d: {  	_ =	shalt  }
0x5e: {  	_ =	shalt  }
0x5f: {  	_ =	shalt  }
0x60: {  	_ =	shalt  }
0x61: {  	_ =	shalt  }
0x62: {  	_ =	shalt  }
0x63: {  	_ =	shalt  }
0x64: {  	_ =	shalt  }
0x65: {  	_ =	shalt  }
0x66: {  	_ =	shalt  }
0x67: {  	_ =	shalt  }
0x68: {  	_ =	shalt  }
0x69: {  	_ =	shalt  }
0x6a: {  	_ =	shalt  }
0x6b: {  	_ =	shalt  }
0x6c: {  	_ =	shalt  }
0x6d: {  	_ =	shalt  }
0x6e: {  	_ =	shalt  }
0x6f: {  	_ =	shalt  }
0x70: {  	_ =	shalt  }
0x71: {  	_ =	shalt  }
0x72: {  	_ =	shalt  }
0x73: {  	_ =	shalt  }
0x74: {  	_ =	shalt  }
0x75: {  	_ =	shalt  }
0x76: {  	_ =	shalt  }
0x77: {  	_ =	shalt  }
0x78: {  	_ =	shalt  }
0x79: {  	_ =	shalt  }
0x7a: {  	_ =	shalt  }
0x7b: {  	_ =	shalt  }
0x7c: {  	_ =	shalt  }
0x7d: {  	_ =	shalt  }
0x7e: {  	_ =	shalt  }
0x7f: {  	_ =	shalt  }
0x80: {  	_ =	shalt  }
0x81: {  	_ =	shalt  }
0x82: {  	_ =	shalt  }
0x83: {  	_ =	shalt  }
0x84: {  	_ =	shalt  }
0x85: {  	_ =	shalt  }
0x86: {  	_ =	shalt  }
0x87: {  	_ =	shalt  }
.Lfunc_end0:
.L_simem_size_0:
called_computation_lowered:
.L_overlay_start_0:
0x88: {  	s2 =	sld [smem:$0x3FD9]  }
0x89: {  	s3 =	sld [smem:$0x3FFE];
	_ =	sdelay $0x1  }
0x8a: {  	s1 =	srdreg.scid  }
0x8b: {  	s0 =	sand.u32 $0x1, s1  }
0x8c: {  	s16 =	sshll.u32 s0, $0xA;
	s2 =	sadd.s32 s3, s2  }
0x8d: {  	s2 =	sadd.s32 s2, s16  }
0x8e: {  	[smem:$0x3FC4] =	sst s2  }
0x8f: {  	_ = 	snop  }
0x90: {  	(tm) =	ssettm $0x1  }
0x91: {  	s17 =	sld [smem:$0x3FFB];
	_ =	sdelay $0x3  }
0x92: {  	_ =	strace s17  }
0x93: {  	s2 =	sld [smem:$0x3FFC];
	_ =	sdelay $0x3  }
0x94: {  	_ =	strace s2  }
0x95: {  	s2 =	sld [smem:$0x3FFD];
	_ =	sdelay $0x3  }
0x96: {  	_ =	strace s2  }
0x97: {  	_ =	strace $0x8FFFFFFF  }
0x98: {  	s18 =	sld [smem:$0x3FDB];
	_ =	sdelay $0x1  }
0x99: {  	s19 =	simm.s32 $_scs_section_size  }
0x9a: {  	s4 =	simm.s32 $_size__tile_overlayer_lowered;
	s5 =	simm.s32 $_tile_overlayer_lowered  }
0x9b: {  	s22 =	simm.s32 $0x1BFF;
	s21 =	sshll.u32 s5, $0x1;
	s2 =	sadd.s32 s19, s18  }
0x9c: {  	s6 =	simm.s32 $0x0;
	s20 =	sshll.u32 s4, $0x1;
	s4 =	sadd.s32 s21, s2  }
0x9d: {  	[timem:s6], [sflag:s22] =	dma.local [hbm:s4], s20  }
0x9e: {  	_ =	swait.ge [sflag:s22], s20  }
0x9f: {  	s3 =	ssub.s32 $0x0, s20;
	[sflag:s22] =	ssyncset.done $0x0  }
0xa0: {  	[sflag:s22] =	ssyncadd.s32 s3;
	_ =	sdelay $0x1  }
0xa1: {  	s23 =	simm.s32 $0x1B8B  }
0xa2: {  	_ =	swait.ge [sflag:s23], $0x1  }
0xa3: {  	[sflag:s23] =	ssyncset.done $0x0  }
0xa4: {  	s25 =	simm.s32 $0x1B8E;
	s24 =	sld [smem:$0x3FFE];
	[sflag:s23] =	ssyncadd.s32 $0xFFFFFFFF  }
0xa5: {  	s26 =	simm.s32 $execute0_lowered;
	[smem:$0x3FD2] =	sst s25  }
0xa6: {  	s4 =	sshll.u32 s26, $0x1;
	_ =	strace $0x80000046;
	[dreg:$0x1] =	wrdreg $0xFFFFFFFF  }
0xa7: {  	s28 =	simm.s32 $_size_execute0_lowered;
	s2 =	sadd.s32 s2, s4;
	[dreg:$0x0] =	wrdreg $0x0  }
0xa8: {  	s4 =	sshll.u32 s28, $0x1;
	[dreg:$0x2] =	wrdreg s2  }
0xa9: {  	[dreg:$0x3] =	wrdreg s4  }
0xaa: {  	[dreg:$0x4] =	wrdreg $0xC0  }
0xab: {  	_ =	task [dreg:s6], $0x5FFFF  }
0xac: {  	[dreg:$0x1] =	wrdreg $0xFFFFFFFF  }
0xad: {  	[dreg:$0x0] =	wrdreg $0x60  }
0xae: {  	[dreg:$0x2] =	wrdreg s24  }
0xaf: {  	[dreg:$0x3] =	wrdreg $0x9  }
0xb0: {  	_ =	task.clear_ibuf [dreg:s6], $0x4FFFF;
	_ =	strace $0x90000046  }
0xb1: {  	s29 =	simm.s32 $0x9;
	_ =	strace $0x80000048  }
0xb2: {  	_ =	swait.ge [sflag:s29], $0x1  }
0xb3: {  	[sflag:s29] =	ssyncadd.s32 $0xFFFFFFFF  }
0xb4: {  	_ =	strace $0x90000048  }
0xb5: {  	_ =	sfence  }
0xb6: {  	s30 =	sld [smem:$0x0];
	_ =	sdelay $0x2  }
0xb7: {  	s31 =	sshll.u32 s1, $0xD;
	s1 =	sshrl.u32 s1, $0x2  }
0xb8: {  	s3 =	sand.u32 $0x4000, s31;
	s1 =	sadd.s32 s1, s30  }
0xb9: {  	s0 =	sor.u32 s3, s0;
	s1 =	sshll.u32 s1, $0x11  }
0xba: {  	s0 =	sor.u32 s1, s0  }
0xbb: {  	s0 =	sadd.s32 $0x8F2B, s0  }
0xbc: {  	[sflag:s0] =	ssyncadd.remote.s32 $0x1  }
0xbd: {  	_ =	sfence.sel $0xFFFF  }
0xbe: {  	[dreg:$0x0] =	wrdreg $0xFFFFFFFF;
	(pc) =	sbr.abs _section_cstart, $3  }
0xbf: {  	[dreg:$0x1] =	wrdreg $0xFFFFFFFF  }
0xc0: {  	_ =	task.clear_ibuf [dreg:s6], $0x2FFFF;
	_ =	strace $0x9FFFFFFF  }
0xc1: {  	(tm) =	ssettm $0x7FFFFFFF  }
tec
execute0_lowered:
.L_overlay_start_1:
0x0: {  	(tag) =	ssettag $0x1  }
0x1: {  	s4 =	rddreg [dreg:$0x0]  }
0x2: {  	s0 =	rddreg [dreg:$0x1]  }
0x3: {  	s3 =	srdreg.scid;
	s2 =	simm.s32 $0x0;
	s1 =	stileid.u32  }
0x4: {  	s10 =	simm.s32 $0x80;
	s11 =	simm.s32 $0x200;
	s12 =	simm.s32 $0x700  }
0x5: {  	s13 =	simm.s32 $0x300;
	s14 =	simm.s32 $0x800;
	s15 =	simm.s32 $0x400  }
0x6: {  	s16 =	simm.s32 $0x900;
	s17 =	simm.s32 $0x500;
	s18 =	simm.s32 $0xA00  }
0x7: {  	s19 =	simm.s32 $0x280;
	s20 =	simm.s32 $0x780;
	s21 =	simm.s32 $0x380  }
0x8: {  	s22 =	simm.s32 $0x880;
	s23 =	simm.s32 $0x480;
	s24 =	simm.s32 $0x980  }
0x9: {  	s25 =	simm.s32 $0x580;
	s28 =	simm.s32 $0x1;
	s29 =	simm.s32 $0xB00  }
0xa: {  	s5 =	sand.u32 $0x1, s3;
	[smem:$0x7FF] =	sst s2;
	s26 =	sshll.u32 s1, $0x7  }
0xb: {  	s30 =	sshll.u32 s1, $0x5;
	s9 =	sshll.u32 s1, $0x6;
	s6 =	sshll.u32 s5, $0x5  }
0xc: {  	_ =	strace $0x80000047;
	s7 =	sshll.u32 s5, $0x4;
	s5 =	ssub.s32 $0x2, s5  }
0xd: {  	s9 =	sand.u32 $0x300, s9;
	s3 =	sor.u32 s6, s26;
	s8 =	sshrl.u32 s5, $0x1  }
0xe: {  	s26 =	sshll.u32 s1, $0x12;
	s6 =	sadd.s32 s3, s4;
	s3 =	sadd.s32 $0xE00, s4  }
0xf: {  	s4 =	sadd.s32 s7, s4;
	s7 =	sand.u32 $0x60, s30;
	s8 =	ssub.s32 s5, s8  }
0x10: {  	v0 =	vmov s26;
	s26 =	simm.s32 $0xA80;
	s7 =	sadd.s32 s7, s4;
	s4 =	sadd.s32 $0x80E00, s6  }
0x11: {  	s5 =	sadd.s32 $0x80E40, s6;
	s31 =	sadd.s32 s9, s7;
	s7 =	smax.u32 s8, $0x1  }
0x12: {  	s8 =	simm.s32 $0x2;
	s9 =	simm.s32 $0x100;
	s6 =	sadd.s32 $0x81600, s31  }
.LBB2_1:
0x13: {  	[tilespmem:s2], [sflag:$0x2] =	stream.linear.gather [hbm4b:s4+s2], $0x100, $0x38;
	[tilespmem:$0xC00] =	vst v63  }
0x14: {  	_ =	swait.ge [sflag:s8], $0x100  }
0x15: {  	[sflag:s8] =	ssyncset.done $0x0  }
0x16: {  	[sflag:s8] =	ssyncadd.s32 $0xFFFFFF00  }
0x17: {  	[tilespmem:s9], [sflag:$0x2] =	stream.linear.gather [hbm4b:s5+s2], $0x100, $0x38;
	[tilespmem:$0xC00] =	vst v63  }
0x18: {  	_ =	swait.ge [sflag:s8], $0x100  }
0x19: {  	[sflag:s8] =	ssyncset.done $0x0  }
0x1a: {  	[sflag:s8] =	ssyncadd.s32 $0xFFFFFF00  }
0x1b: {  	v1 =	vld [tilespmem:$0x0]  }
0x1c: {  	v2 =	vld [tilespmem:$0x100]  }
0x1d: {  	v6 =	vld [tilespmem:$0x110]  }
0x1e: {  	v10 =	vld [tilespmem:$0x20]  }
0x1f: {  	v12 =	vld [tilespmem:$0x120]  }
0x20: {  	v17 =	vld [tilespmem:$0x130]  }
0x21: {  	v20 =	vld [tilespmem:$0x40]  }
0x22: {  	v22 =	vld [tilespmem:$0x140]  }
0x23: {  	v25 =	vld [tilespmem:$0x50]  }
0x24: {  	v27 =	vld [tilespmem:$0x150];
	v1 =	vadd.f32 $1.000000000e+00, v1;
	v2 =	vadd.f32 $1.000000000e+00, v2  }
0x25: {  	v35 =	vld [tilespmem:$0x60];
	v6 =	vadd.f32 $1.000000000e+00, v6;
	v10 =	vadd.f32 $1.000000000e+00, v10  }
0x26: {  	v12 =	vadd.f32 $1.000000000e+00, v12;
	v17 =	vadd.f32 $1.000000000e+00, v17  }
0x27: {  	v20 =	vadd.f32 $1.000000000e+00, v20;
	v22 =	vadd.f32 $1.000000000e+00, v22;
	v1 =	vmul.f32 $2.560000000e+02, v1  }
0x28: {  	v25 =	vadd.f32 $1.000000000e+00, v25;
	v2 =	vmul.f32 $2.560000000e+02, v2;
	v6 =	vmul.f32 $2.560000000e+02, v6  }
0x29: {  	v27 =	vadd.f32 $1.000000000e+00, v27;
	v10 =	vmul.f32 $2.560000000e+02, v10;
	v12 =	vmul.f32 $2.560000000e+02, v12  }
0x2a: {  	v43 =	vadd.f32 $1.000000000e+00, v35;
	v56 =	vmul.f32 $2.560000000e+02, v17;
	v20 =	vmul.f32 $2.560000000e+02, v20  }
0x2b: {  	v61 =	vmul.f32 $2.560000000e+02, v22;
	v25 =	vmul.f32 $2.560000000e+02, v25  }
0x2c: {  	v33 =	vmul.f32 $2.560000000e+02, v27;
	v46 =	vmul.f32 $2.560000000e+02, v43  }
0x2d: {  	v1 =	vtrunc.f32 v1;
	v2 =	vtrunc.f32 v2  }
0x2e: {  	v6 =	vtrunc.f32 v6;
	v10 =	vtrunc.f32 v10  }
0x2f: {  	v12 =	vtrunc.f32 v12;
	v60 =	vtrunc.f32 v20  }
0x30: {  	v20 =	vtrunc.f32 v61;
	v32 =	vtrunc.f32 v25  }
0x31: {  	v25 =	vtrunc.f32 v33;
	v1 =	vcvt.f32.s32 v1  }
0x32: {  	v2 =	vcvt.f32.s32 v2;
	v6 =	vcvt.f32.s32 v6  }
0x33: {  	v10 =	vcvt.f32.s32 v10;
	v12 =	vcvt.f32.s32 v12  }
0x34: {  	v20 =	vcvt.f32.s32 v20;
	v25 =	vcvt.f32.s32 v25  }
0x35: {  	v3 =	vadd.s32 $0xFFFFFFF6, v1;
	v1 =	vadd.s32 $0xA, v1;
	v5 =	vadd.s32 $0xFFFFFFF6, v2  }
0x36: {  	v2 =	vadd.s32 $0xA, v2;
	v11 =	vadd.s32 $0xFFFFFFF6, v6;
	v6 =	vadd.s32 $0xA, v6  }
0x37: {  	v53 =	vadd.s32 $0xFFFFFFF6, v10;
	v10 =	vadd.s32 $0xA, v10;
	v16 =	vadd.s32 $0xFFFFFFF6, v12  }
0x38: {  	v12 =	vadd.s32 $0xA, v12;
	v26 =	vadd.s32 $0xFFFFFFF6, v20;
	v20 =	vadd.s32 $0xA, v20  }
0x39: {  	v38 =	vadd.s32 $0xFFFFFFF6, v25;
	v41 =	vadd.s32 $0xA, v25;
	vm0 =	vgt.s32 v3, $0x0  }
0x3a: {  	vm13 =	vgt.s32 v1, $0x0;
	vm14 =	vgt.s32 v5, $0x0;
	vm15 =	vgt.s32 v2, $0x0  }
0x3b: {  	vm6 =	vgt.s32 v11, $0x0;
	vm7 =	vgt.s32 v6, $0x0;
	vm8 =	vgt.s32 v53, $0x0  }
0x3c: {  	vm9 =	vgt.s32 v10, $0x0;
	vm10 =	vgt.s32 v16, $0x0;
	vm11 =	vgt.s32 v12, $0x0  }
0x3d: {  	v4 =	vld [tilespmem:$0x10];
	v3 =	vnsel vm0, $0x0, v3;
	v1 =	vnsel vm13, $0x0, v1;
	v5 =	vnsel vm14, $0x0, v5  }
0x3e: {  	v11 =	vnsel vm6, $0x0, v11;
	v6 =	vnsel vm7, $0x0, v6;
	v10 =	vnsel vm9, $0x0, v10  }
0x3f: {  	v16 =	vnsel vm10, $0x0, v16;
	v12 =	vnsel vm11, $0x0, v12;
	vm6 =	vgt.s32 v26, $0x0  }
0x40: {  	vm7 =	vgt.s32 v20, $0x0;
	vm10 =	vgt.s32 v38, $0x0;
	vm11 =	vgt.s32 v41, $0x0  }
0x41: {  	v3 =	vmin.u32 v3, $0x1FF;
	v7 =	vmin.u32 v1, $0x1FF;
	v1 =	vnsel vm15, $0x0, v2  }
0x42: {  	v2 =	vadd.f32 $1.000000000e+00, v4;
	v47 =	vmin.u32 v5, $0x1FF;
	v11 =	vmin.u32 v11, $0x1FF  }
0x43: {  	v13 =	vmin.u32 v6, $0x1FF;
	v10 =	vmin.u32 v10, $0x1FF;
	v16 =	vmin.u32 v16, $0x1FF  }
0x44: {  	v12 =	vmin.u32 v12, $0x1FF;
	v26 =	vnsel vm6, $0x0, v26;
	v20 =	vnsel vm7, $0x0, v20  }
0x45: {  	v42 =	vnsel vm10, $0x0, v38;
	v44 =	vnsel vm11, $0x0, v41;
	v48 =	vmin.u32 v1, $0x1FF  }
0x46: {  	v1 =	vsub.s32 v7, v3;
	v4 =	vshll.u32 v47, $0x9;
	v15 =	vsub.s32 v13, v11  }
0x47: {  	v52 =	vshll.u32 v13, $0x9;
	v11 =	vshll.u32 v11, $0x9;
	v19 =	vsub.s32 v12, v16  }
0x48: {  	v12 =	vshll.u32 v12, $0x9;
	v16 =	vshll.u32 v16, $0x9;
	v26 =	vmin.u32 v26, $0x1FF  }
0x49: {  	v20 =	vmin.u32 v20, $0x1FF;
	v45 =	vmin.u32 v44, $0x1FF;
	v8 =	vsub.s32 v48, v47  }
0x4a: {  	v2 =	vmul.f32 $2.560000000e+02, v2;
	v5 =	vshll.u32 v48, $0x9;
	v4 =	vor.u32 v0, v4  }
0x4b: {  	v13 =	vor.u32 v0, v52;
	v11 =	vor.u32 v0, v11;
	v12 =	vor.u32 v0, v12  }
0x4c: {  	v16 =	vor.u32 v0, v16;
	v29 =	vsub.s32 v20, v26;
	v20 =	vshll.u32 v20, $0x9  }
0x4d: {  	v26 =	vshll.u32 v26, $0x9;
	v5 =	vor.u32 v0, v5;
	v2 =	vtrunc.f32 v2  }
0x4e: {  	v39 =	vld [tilespmem:$0x160];
	v1 =	vmul.u32 v1, v8;
	v49 =	vcvt.f32.s32 v2;
	v2 =	vor.u32 v7, v5  }
0x4f: {  	v58 =	vor.u32 v10, v12;
	v20 =	vor.u32 v0, v20;
	v7 =	vor.u32 v7, v4;
	[tilespmem:$0x200] =	vst v2  }
0x50: {  	v50 =	vor.u32 v3, v5;
	v1 =	vcvt.s32.f32 v1;
	v4 =	vor.u32 v3, v4;
	[tilespmem:$0x300] =	vst v7  }
0x51: {  	v2 =	vor.u32 v0, v26;
	[tilespmem:$0x500] =	vst v4;
	v4 =	vmin.u32 v42, $0x1FF;
	v7 =	vtrunc.f32 v46  }
0x52: {  	v9 =	vadd.s32 $0xFFFFFFF6, v49;
	v8 =	vadd.s32 $0xA, v49;
	v48 =	vsub.s32 v45, v4  }
0x53: {  	v49 =	vadd.f32 $1.000000000e+00, v39;
	vm4 =	vgt.s32 v9, $0x0;
	vm5 =	vgt.s32 v8, $0x0  }
0x54: {  	v54 =	vld [tilespmem:$0x30];
	v7 =	vcvt.f32.s32 v7;
	v9 =	vnsel vm4, $0x0, v9;
	v8 =	vnsel vm5, $0x0, v8  }
0x55: {  	v4 =	vshll.u32 v4, $0x9;
	v9 =	vmin.u32 v9, $0x1FF;
	v8 =	vmin.u32 v8, $0x1FF  }
0x56: {  	v4 =	vor.u32 v0, v4;
	v52 =	vmul.f32 $2.560000000e+02, v49;
	v14 =	vsub.s32 v8, v9  }
0x57: {  	v5 =	vor.u32 v8, v13;
	v8 =	vor.u32 v8, v11;
	v13 =	vor.u32 v9, v13  }
0x58: {  	v9 =	vor.u32 v9, v11;
	v51 =	vmul.u32 v14, v15;
	v14 =	vnsel vm8, $0x0, v53  }
0x59: {  	v15 =	vadd.f32 $1.000000000e+00, v54;
	[tilespmem:$0x210] =	vst v5;
	v5 =	vshll.u32 v45, $0x9;
	v14 =	vmin.u32 v14, $0x1FF  }
0x5a: {  	v53 =	vadd.s32 $0xFFFFFFF6, v7;
	v7 =	vadd.s32 $0xA, v7;
	v18 =	vsub.s32 v10, v14  }
0x5b: {  	v54 =	vld [tilespmem:$0x70];
	v15 =	vmul.f32 $2.560000000e+02, v15;
	v10 =	vor.u32 v10, v16;
	v12 =	vor.u32 v14, v12  }
0x5c: {  	v14 =	vor.u32 v14, v16;
	v16 =	vcvt.f32.s32 v60;
	v18 =	vmul.u32 v18, v19  }
0x5d: {  	v5 =	vor.u32 v0, v5;
	v3 =	vcvt.s32.f32 v51;
	v55 =	vtrunc.f32 v15  }
0x5e: {  	v15 =	vtrunc.f32 v56;
	v31 =	vadd.s32 $0xFFFFFFF6, v16;
	v57 =	vcvt.s32.f32 v18  }
0x5f: {  	v16 =	vadd.s32 $0xA, v16;
	v11 =	vcvt.f32.s32 v55;
	v15 =	vcvt.f32.s32 v15  }
0x60: {  	vm4 =	vgt.s32 v31, $0x0;
	vm5 =	vgt.s32 v16, $0x0;
	v18 =	vadd.f32 $1.000000000e+00, v54  }
0x61: {  	v16 =	vnsel vm5, $0x0, v16;
	v59 =	vadd.s32 $0xFFFFFFF6, v11;
	v11 =	vadd.s32 $0xA, v11  }
0x62: {  	v21 =	vadd.s32 $0xFFFFFFF6, v15;
	v15 =	vadd.s32 $0xA, v15;
	v16 =	vmin.u32 v16, $0x1FF  }
0x63: {  	[tilespmem:$0x400] =	vst v50;
	vm12 =	vgt.s32 v59, $0x0;
	vm13 =	vgt.s32 v11, $0x0;
	vm14 =	vgt.s32 v21, $0x0  }
0x64: {  	[tilespmem:$0x600] =	vst v1;
	vm15 =	vgt.s32 v15, $0x0;
	v1 =	vor.u32 v16, v20;
	v50 =	vor.u32 v16, v2  }
0x65: {  	v19 =	vnsel vm12, $0x0, v59;
	v11 =	vnsel vm13, $0x0, v11;
	v21 =	vnsel vm14, $0x0, v21  }
0x66: {  	v15 =	vnsel vm15, $0x0, v15;
	vm12 =	vgt.s32 v53, $0x0;
	vm13 =	vgt.s32 v7, $0x0  }
0x67: {  	v19 =	vmin.u32 v19, $0x1FF;
	v11 =	vmin.u32 v11, $0x1FF;
	v21 =	vmin.u32 v21, $0x1FF  }
0x68: {  	[tilespmem:$0x620] =	vst v57;
	v15 =	vmin.u32 v15, $0x1FF;
	v57 =	vnsel vm12, $0x0, v53;
	v7 =	vnsel vm13, $0x0, v7  }
0x69: {  	v23 =	vsub.s32 v11, v19;
	v24 =	vsub.s32 v15, v21;
	v15 =	vshll.u32 v15, $0x9  }
0x6a: {  	v21 =	vshll.u32 v21, $0x9;
	v59 =	vmin.u32 v57, $0x1FF;
	v7 =	vmin.u32 v7, $0x1FF  }
0x6b: {  	[tilespmem:$0x220] =	vst v58;
	v58 =	vld [tilespmem:$0x170];
	v23 =	vmul.u32 v23, v24;
	v15 =	vor.u32 v0, v15;
	v24 =	vnsel vm4, $0x0, v31  }
0x6c: {  	v21 =	vor.u32 v0, v21;
	v63 =	vor.u32 v11, v15;
	v24 =	vmin.u32 v24, $0x1FF  }
0x6d: {  	[tilespmem:$0x310] =	vst v8;
	v11 =	vor.u32 v11, v21;
	v15 =	vor.u32 v19, v15;
	v19 =	vor.u32 v19, v21  }
0x6e: {  	[tilespmem:$0x410] =	vst v13;
	v21 =	vcvt.f32.s32 v32;
	v62 =	vcvt.s32.f32 v23;
	v28 =	vsub.s32 v16, v24  }
0x6f: {  	[tilespmem:$0x510] =	vst v9;
	v51 =	vor.u32 v24, v20;
	v2 =	vor.u32 v24, v2;
	v16 =	vtrunc.f32 v52  }
0x70: {  	[tilespmem:$0x230] =	vst v63;
	v63 =	vadd.f32 $1.000000000e+00, v58;
	v28 =	vmul.u32 v28, v29;
	v36 =	vadd.s32 $0xFFFFFFF6, v21  }
0x71: {  	[tilespmem:$0x320] =	vst v10;
	v21 =	vadd.s32 $0xA, v21;
	v55 =	vcvt.f32.s32 v16;
	vm8 =	vgt.s32 v36, $0x0  }
0x72: {  	vm9 =	vgt.s32 v21, $0x0;
	[tilespmem:$0x630] =	vst v62;
	v62 =	vmul.f32 $2.560000000e+02, v18;
	v34 =	vcvt.s32.f32 v28  }
0x73: {  	[tilespmem:$0x420] =	vst v12;
	v37 =	vnsel vm8, $0x0, v36;
	v40 =	vnsel vm9, $0x0, v21;
	v60 =	vadd.s32 $0xFFFFFFF6, v55  }
0x74: {  	[tilespmem:$0x610] =	vst v3;
	v10 =	vadd.s32 $0xA, v55;
	v21 =	vsub.s32 v7, v59;
	v3 =	vmin.u32 v37, $0x1FF  }
0x75: {  	[tilespmem:$0x520] =	vst v14;
	v6 =	vmin.u32 v40, $0x1FF;
	vm14 =	vgt.s32 v60, $0x0;
	vm15 =	vgt.s32 v10, $0x0  }
0x76: {  	[tilespmem:$0x430] =	vst v15;
	v15 =	vtrunc.f32 v62;
	v47 =	vsub.s32 v6, v3;
	v56 =	vor.u32 v6, v5  }
0x77: {  	[tilespmem:$0x240] =	vst v1;
	v16 =	vnsel vm14, $0x0, v60;
	v10 =	vnsel vm15, $0x0, v10;
	v1 =	vor.u32 v6, v4  }
0x78: {  	[tilespmem:$0x340] =	vst v50;
	v5 =	vor.u32 v3, v5;
	v23 =	vcvt.f32.s32 v15;
	v3 =	vor.u32 v3, v4  }
0x79: {  	[tilespmem:$0x330] =	vst v11;
	v8 =	vmul.u32 v47, v48;
	v61 =	vmin.u32 v16, $0x1FF;
	v10 =	vmin.u32 v10, $0x1FF  }
0x7a: {  	[tilespmem:$0x530] =	vst v19;
	v16 =	vmul.f32 $2.560000000e+02, v63;
	v22 =	vsub.s32 v10, v61;
	v26 =	vshll.u32 v10, $0x9  }
0x7b: {  	[tilespmem:$0x540] =	vst v2;
	v28 =	vadd.s32 $0xFFFFFFF6, v23;
	v2 =	vshll.u32 v61, $0x9;
	v6 =	vadd.s32 $0xA, v23  }
0x7c: {  	[tilespmem:$0x440] =	vst v51;
	v8 =	vcvt.s32.f32 v8;
	v17 =	vmul.u32 v21, v22;
	v25 =	vtrunc.f32 v16  }
0x7d: {  	[tilespmem:$0x640] =	vst v34;
	vm4 =	vgt.s32 v28, $0x0;
	vm5 =	vgt.s32 v6, $0x0;
	v27 =	vcvt.f32.s32 v25  }
0x7e: {  	[tilespmem:$0x350] =	vst v1;
	v1 =	vor.u32 v0, v26;
	v2 =	vor.u32 v0, v2;
	v29 =	vnsel vm4, $0x0, v28  }
0x7f: {  	[tilespmem:$0x250] =	vst v56;
	v6 =	vnsel vm5, $0x0, v6;
	v30 =	vadd.s32 $0xFFFFFFF6, v27;
	v10 =	vadd.s32 $0xA, v27  }
0x80: {  	[tilespmem:$0x450] =	vst v5;
	v32 =	vor.u32 v7, v1;
	vm6 =	vgt.s32 v30, $0x0;
	vm7 =	vgt.s32 v10, $0x0  }
0x81: {  	[tilespmem:$0x650] =	vst v8;
	v8 =	vmin.u32 v29, $0x1FF;
	v31 =	vnsel vm6, $0x0, v30;
	v10 =	vnsel vm7, $0x0, v10  }
0x82: {  	[tilespmem:$0x550] =	vst v3;
	v3 =	vmin.u32 v6, $0x1FF;
	v33 =	vmin.u32 v31, $0x1FF;
	v34 =	vmin.u32 v10, $0x1FF  }
0x83: {  	v7 =	vor.u32 v7, v2;
	[tilespmem:$0x260] =	vst v32;
	v35 =	vsub.s32 v3, v8;
	v10 =	vsub.s32 v34, v33  }
0x84: {  	v1 =	vor.u32 v59, v1;
	[tilespmem:$0x360] =	vst v7;
	v4 =	vmul.u32 v35, v10  }
0x85: {  	v2 =	vor.u32 v59, v2;
	v24 =	vcvt.s32.f32 v17;
	[tilespmem:$0x460] =	vst v1  }
0x86: {  	[tilespmem:$0x560] =	vst v2;
	v36 =	vshll.u32 v34, $0x9;
	v1 =	vcvt.s32.f32 v4  }
0x87: {  	[tilespmem:$0x660] =	vst v24;
	v2 =	vshll.u32 v33, $0x9;
	v4 =	vor.u32 v0, v36  }
0x88: {  	v2 =	vor.u32 v0, v2;
	[tilespmem:$0x670] =	vst v1;
	v1 =	vor.u32 v3, v4  }
0x89: {  	v3 =	vor.u32 v3, v2;
	[tilespmem:$0x270] =	vst v1  }
0x8a: {  	v2 =	vor.u32 v8, v2;
	[tilespmem:$0x370] =	vst v3  }
0x8b: {  	v1 =	vor.u32 v8, v4;
	[tilespmem:$0x570] =	vst v2  }
0x8c: {  	[tilespmem:$0x470] =	vst v1  }
0x8d: {  	[tilespmem:s12], [sflag:$0x1] =	stream.indirect.gather [hbm4b:s3+s10], $0x1, s11, s10, $0xb8;
	[tilespmem:$0xC00] =	vst v63  }
0x8e: {  	_ = 	snop  }
0x8f: {  	[tilespmem:s14], [sflag:$0x1] =	stream.indirect.gather [hbm4b:s3+s10], $0x1, s13, s10, $0xb8;
	[tilespmem:$0xC00] =	vst v63  }
0x90: {  	_ = 	snop  }
0x91: {  	[tilespmem:s16], [sflag:$0x1] =	stream.indirect.gather [hbm4b:s3+s10], $0x1, s15, s10, $0xb8;
	[tilespmem:$0xC00] =	vst v63  }
0x92: {  	_ = 	snop  }
0x93: {  	[tilespmem:s18], [sflag:$0x1] =	stream.indirect.gather [hbm4b:s3+s10], $0x1, s17, s10, $0xb8;
	[tilespmem:$0xC00] =	vst v63  }
0x94: {  	v1 =	vld [tilespmem:$0x80]  }
0x95: {  	v2 =	vld [tilespmem:$0x180]  }
0x96: {  	v39 =	vld [tilespmem:$0x190]  }
0x97: {  	v46 =	vld [tilespmem:$0xA0]  }
0x98: {  	v48 =	vld [tilespmem:$0x1A0]  }
0x99: {  	v56 =	vld [tilespmem:$0xB0]  }
0x9a: {  	v58 =	vld [tilespmem:$0x1B0]  }
0x9b: {  	v27 =	vld [tilespmem:$0xC0]  }
0x9c: {  	v29 =	vld [tilespmem:$0x1C0];
	v1 =	vadd.f32 $1.000000000e+00, v1  }
0x9d: {  	v2 =	vadd.f32 $1.000000000e+00, v2;
	v6 =	vadd.f32 $1.000000000e+00, v39  }
0x9e: {  	v10 =	vadd.f32 $1.000000000e+00, v46;
	v12 =	vadd.f32 $1.000000000e+00, v48  }
0x9f: {  	v15 =	vadd.f32 $1.000000000e+00, v56;
	v17 =	vadd.f32 $1.000000000e+00, v58;
	v1 =	vmul.f32 $2.560000000e+02, v1  }
0xa0: {  	v20 =	vadd.f32 $1.000000000e+00, v27;
	v2 =	vmul.f32 $2.560000000e+02, v2;
	v6 =	vmul.f32 $2.560000000e+02, v6  }
0xa1: {  	v22 =	vadd.f32 $1.000000000e+00, v29;
	v10 =	vmul.f32 $2.560000000e+02, v10;
	v12 =	vmul.f32 $2.560000000e+02, v12  }
0xa2: {  	v15 =	vmul.f32 $2.560000000e+02, v15;
	v62 =	vmul.f32 $2.560000000e+02, v17  }
0xa3: {  	v20 =	vmul.f32 $2.560000000e+02, v20;
	v33 =	vmul.f32 $2.560000000e+02, v22  }
0xa4: {  	v1 =	vtrunc.f32 v1;
	v2 =	vtrunc.f32 v2  }
0xa5: {  	v6 =	vtrunc.f32 v6;
	v10 =	vtrunc.f32 v10  }
0xa6: {  	v39 =	vld [tilespmem:$0x1D0];
	v12 =	vtrunc.f32 v12;
	v61 =	vtrunc.f32 v15  }
0xa7: {  	v15 =	vtrunc.f32 v62;
	v32 =	vtrunc.f32 v20  }
0xa8: {  	v20 =	vtrunc.f32 v33;
	v1 =	vcvt.f32.s32 v1  }
0xa9: {  	v2 =	vcvt.f32.s32 v2;
	v6 =	vcvt.f32.s32 v6  }
0xaa: {  	v10 =	vcvt.f32.s32 v10;
	v12 =	vcvt.f32.s32 v12  }
0xab: {  	v15 =	vcvt.f32.s32 v15;
	v20 =	vcvt.f32.s32 v20;
	v27 =	vadd.f32 $1.000000000e+00, v39  }
0xac: {  	v3 =	vadd.s32 $0xFFFFFFF6, v1;
	v1 =	vadd.s32 $0xA, v1;
	v38 =	vadd.s32 $0xFFFFFFF6, v2  }
0xad: {  	v2 =	vadd.s32 $0xA, v2;
	v47 =	vadd.s32 $0xFFFFFFF6, v6;
	v6 =	vadd.s32 $0xA, v6  }
0xae: {  	v55 =	vadd.s32 $0xFFFFFFF6, v10;
	v10 =	vadd.s32 $0xA, v10;
	v57 =	vadd.s32 $0xFFFFFFF6, v12  }
0xaf: {  	v12 =	vadd.s32 $0xA, v12;
	v28 =	vadd.s32 $0xFFFFFFF6, v15;
	v15 =	vadd.s32 $0xA, v15  }
0xb0: {  	vm8 =	vgt.s32 v3, $0x0;
	vm9 =	vgt.s32 v1, $0x0;
	vm10 =	vgt.s32 v38, $0x0  }
0xb1: {  	vm11 =	vgt.s32 v2, $0x0;
	vm14 =	vgt.s32 v47, $0x0;
	vm15 =	vgt.s32 v6, $0x0  }
0xb2: {  	vm4 =	vgt.s32 v55, $0x0;
	vm5 =	vgt.s32 v10, $0x0;
	vm6 =	vgt.s32 v57, $0x0  }
0xb3: {  	v37 =	vld [tilespmem:$0x90];
	vm7 =	vgt.s32 v12, $0x0;
	v3 =	vnsel vm8, $0x0, v3;
	v1 =	vnsel vm9, $0x0, v1  }
0xb4: {  	v5 =	vnsel vm10, $0x0, v38;
	v11 =	vnsel vm14, $0x0, v47;
	v6 =	vnsel vm15, $0x0, v6  }
0xb5: {  	v14 =	vnsel vm4, $0x0, v55;
	v10 =	vnsel vm5, $0x0, v10;
	v16 =	vnsel vm6, $0x0, v57  }
0xb6: {  	v12 =	vnsel vm7, $0x0, v12;
	vm10 =	vgt.s32 v28, $0x0;
	v38 =	vadd.s32 $0xFFFFFFF6, v20  }
0xb7: {  	v20 =	vadd.s32 $0xA, v20;
	v3 =	vmin.u32 v3, $0x1FF;
	v40 =	vmin.u32 v1, $0x1FF  }
0xb8: {  	v1 =	vnsel vm11, $0x0, v2;
	v2 =	vadd.f32 $1.000000000e+00, v37;
	v41 =	vmin.u32 v5, $0x1FF  }
0xb9: {  	v11 =	vmin.u32 v11, $0x1FF;
	v49 =	vmin.u32 v6, $0x1FF;
	v14 =	vmin.u32 v14, $0x1FF  }
0xba: {  	v10 =	vmin.u32 v10, $0x1FF;
	v16 =	vmin.u32 v16, $0x1FF;
	v12 =	vmin.u32 v12, $0x1FF  }
0xbb: {  	v21 =	vnsel vm10, $0x0, v28;
	vm11 =	vgt.s32 v15, $0x0;
	vm14 =	vgt.s32 v38, $0x0  }
0xbc: {  	vm15 =	vgt.s32 v20, $0x0;
	v42 =	vmin.u32 v1, $0x1FF;
	v1 =	vsub.s32 v40, v3  }
0xbd: {  	v4 =	vshll.u32 v41, $0x9;
	v51 =	vsub.s32 v49, v11;
	v54 =	vshll.u32 v49, $0x9  }
0xbe: {  	v11 =	vshll.u32 v11, $0x9;
	v59 =	vsub.s32 v10, v14;
	v60 =	vsub.s32 v12, v16  }
0xbf: {  	v12 =	vshll.u32 v12, $0x9;
	v16 =	vshll.u32 v16, $0x9;
	v15 =	vnsel vm11, $0x0, v15  }
0xc0: {  	v21 =	vmin.u32 v21, $0x1FF;
	v20 =	vnsel vm15, $0x0, v20;
	v43 =	vsub.s32 v42, v41  }
0xc1: {  	v2 =	vmul.f32 $2.560000000e+02, v2;
	v5 =	vshll.u32 v42, $0x9;
	v4 =	vor.u32 v0, v4  }
0xc2: {  	v13 =	vor.u32 v0, v54;
	v11 =	vor.u32 v0, v11;
	v18 =	vmul.u32 v59, v60  }
0xc3: {  	v12 =	vor.u32 v0, v12;
	v16 =	vor.u32 v0, v16;
	v15 =	vmin.u32 v15, $0x1FF  }
0xc4: {  	v20 =	vmin.u32 v20, $0x1FF;
	v1 =	vmul.u32 v1, v43;
	v5 =	vor.u32 v0, v5  }
0xc5: {  	v7 =	vor.u32 v40, v4;
	v4 =	vor.u32 v3, v4;
	v63 =	vor.u32 v10, v12  }
0xc6: {  	v37 =	vld [tilespmem:$0xD0];
	v31 =	vsub.s32 v15, v21;
	v10 =	vor.u32 v10, v16;
	v12 =	vor.u32 v14, v12  }
0xc7: {  	v49 =	vld [tilespmem:$0x1E0];
	v14 =	vor.u32 v14, v16;
	v15 =	vshll.u32 v15, $0x9;
	v16 =	vcvt.f32.s32 v32  }
0xc8: {  	v21 =	vshll.u32 v21, $0x9;
	v43 =	vmul.f32 $2.560000000e+02, v27;
	v2 =	vtrunc.f32 v2  }
0xc9: {  	v52 =	vor.u32 v3, v5;
	v17 =	vcvt.s32.f32 v18;
	v15 =	vor.u32 v0, v15  }
0xca: {  	v21 =	vor.u32 v0, v21;
	v1 =	vcvt.s32.f32 v1;
	v44 =	vcvt.f32.s32 v2  }
0xcb: {  	v2 =	vor.u32 v40, v5;
	v36 =	vadd.s32 $0xFFFFFFF6, v16;
	v25 =	vadd.f32 $1.000000000e+00, v37  }
0xcc: {  	v16 =	vadd.s32 $0xA, v16;
	v59 =	vadd.f32 $1.000000000e+00, v49;
	v45 =	vadd.s32 $0xFFFFFFF6, v44  }
0xcd: {  	v8 =	vadd.s32 $0xA, v44;
	v25 =	vmul.f32 $2.560000000e+02, v25;
	vm12 =	vgt.s32 v45, $0x0  }
0xce: {  	vm13 =	vgt.s32 v8, $0x0;
	v62 =	vmul.f32 $2.560000000e+02, v59;
	v9 =	vnsel vm12, $0x0, v45  }
0xcf: {  	v8 =	vnsel vm13, $0x0, v8;
	vm12 =	vgt.s32 v36, $0x0;
	vm13 =	vgt.s32 v16, $0x0  }
0xd0: {  	v42 =	vtrunc.f32 v25;
	v25 =	vtrunc.f32 v43;
	v9 =	vmin.u32 v9, $0x1FF  }
0xd1: {  	v8 =	vmin.u32 v8, $0x1FF;
	v24 =	vnsel vm12, $0x0, v36;
	v16 =	vnsel vm13, $0x0, v16  }
0xd2: {  	v25 =	vcvt.f32.s32 v25;
	v50 =	vsub.s32 v8, v9;
	v5 =	vor.u32 v8, v13  }
0xd3: {  	v8 =	vor.u32 v8, v11;
	v13 =	vor.u32 v9, v13;
	v9 =	vor.u32 v9, v11  }
0xd4: {  	v45 =	vld [tilespmem:$0xE0];
	v11 =	vcvt.f32.s32 v61;
	v24 =	vmin.u32 v24, $0x1FF;
	v16 =	vmin.u32 v16, $0x1FF  }
0xd5: {  	v53 =	vmul.u32 v50, v51;
	v40 =	vsub.s32 v16, v24;
	v48 =	vadd.s32 $0xFFFFFFF6, v25  }
0xd6: {  	v51 =	vadd.s32 $0xA, v25;
	v26 =	vadd.s32 $0xFFFFFFF6, v11;
	v11 =	vadd.s32 $0xA, v11  }
0xd7: {  	vm6 =	vgt.s32 v48, $0x0;
	vm7 =	vgt.s32 v51, $0x0;
	v3 =	vcvt.s32.f32 v53  }
0xd8: {  	[tilespmem:$0x480] =	vst v52;
	vm8 =	vgt.s32 v26, $0x0;
	vm9 =	vgt.s32 v11, $0x0;
	v52 =	vnsel vm6, $0x0, v48  }
0xd9: {  	v53 =	vadd.f32 $1.000000000e+00, v45;
	v54 =	vnsel vm7, $0x0, v51;
	v19 =	vnsel vm8, $0x0, v26  }
0xda: {  	[tilespmem:$0x580] =	vst v4;
	v11 =	vnsel vm9, $0x0, v11;
	v26 =	vnsel vm14, $0x0, v38;
	v4 =	vmin.u32 v52, $0x1FF  }
0xdb: {  	v55 =	vmin.u32 v54, $0x1FF;
	v19 =	vmin.u32 v19, $0x1FF;
	v11 =	vmin.u32 v11, $0x1FF  }
0xdc: {  	v26 =	vmin.u32 v26, $0x1FF;
	v56 =	vmul.f32 $2.560000000e+02, v53;
	v58 =	vsub.s32 v55, v4  }
0xdd: {  	[tilespmem:$0x290] =	vst v5;
	v5 =	vshll.u32 v55, $0x9;
	v4 =	vshll.u32 v4, $0x9;
	v30 =	vsub.s32 v11, v19  }
0xde: {  	v35 =	vor.u32 v11, v15;
	v41 =	vsub.s32 v20, v26;
	v11 =	vor.u32 v11, v21  }
0xdf: {  	v15 =	vor.u32 v19, v15;
	v19 =	vor.u32 v19, v21;
	v20 =	vshll.u32 v20, $0x9  }
0xe0: {  	[tilespmem:$0x380] =	vst v7;
	v21 =	vcvt.f32.s32 v42;
	v26 =	vshll.u32 v26, $0x9;
	v5 =	vor.u32 v0, v5  }
0xe1: {  	[tilespmem:$0x2A0] =	vst v63;
	v4 =	vor.u32 v0, v4;
	v23 =	vmul.u32 v30, v31;
	v28 =	vmul.u32 v40, v41  }
0xe2: {  	[tilespmem:$0x280] =	vst v2;
	v20 =	vor.u32 v0, v20;
	v2 =	vor.u32 v0, v26;
	v7 =	vtrunc.f32 v56  }
0xe3: {  	[tilespmem:$0x680] =	vst v1;
	v1 =	vor.u32 v16, v20;
	v46 =	vadd.s32 $0xFFFFFFF6, v21;
	v21 =	vadd.s32 $0xA, v21  }
0xe4: {  	[tilespmem:$0x3A0] =	vst v10;
	v60 =	vor.u32 v16, v2;
	v61 =	vor.u32 v24, v20;
	v7 =	vcvt.f32.s32 v7  }
0xe5: {  	[tilespmem:$0x4A0] =	vst v12;
	v2 =	vor.u32 v24, v2;
	v16 =	vtrunc.f32 v62;
	v34 =	vcvt.s32.f32 v23  }
0xe6: {  	[tilespmem:$0x5A0] =	vst v14;
	v44 =	vcvt.s32.f32 v28;
	vm4 =	vgt.s32 v46, $0x0;
	vm5 =	vgt.s32 v21, $0x0  }
0xe7: {  	[tilespmem:$0x6A0] =	vst v17;
	v24 =	vcvt.f32.s32 v16;
	v47 =	vnsel vm4, $0x0, v46;
	v50 =	vnsel vm5, $0x0, v21  }
0xe8: {  	[tilespmem:$0x690] =	vst v3;
	v63 =	vadd.s32 $0xFFFFFFF6, v7;
	v7 =	vadd.s32 $0xA, v7;
	v3 =	vmin.u32 v47, $0x1FF  }
0xe9: {  	[tilespmem:$0x390] =	vst v8;
	v28 =	vld [tilespmem:$0x1F0];
	v6 =	vmin.u32 v50, $0x1FF;
	vm8 =	vgt.s32 v63, $0x0;
	vm9 =	vgt.s32 v7, $0x0  }
0xea: {  	[tilespmem:$0x490] =	vst v13;
	v21 =	vld [tilespmem:$0xF0];
	v30 =	vadd.s32 $0xFFFFFFF6, v24;
	v10 =	vadd.s32 $0xA, v24;
	v57 =	vsub.s32 v6, v3  }
0xeb: {  	[tilespmem:$0x590] =	vst v9;
	v25 =	vor.u32 v6, v5;
	v26 =	vnsel vm8, $0x0, v63;
	v7 =	vnsel vm9, $0x0, v7  }
0xec: {  	[tilespmem:$0x2C0] =	vst v1;
	vm10 =	vgt.s32 v30, $0x0;
	vm11 =	vgt.s32 v10, $0x0;
	v1 =	vor.u32 v6, v4  }
0xed: {  	[tilespmem:$0x2B0] =	vst v35;
	v5 =	vor.u32 v3, v5;
	v3 =	vor.u32 v3, v4;
	v8 =	vmul.u32 v57, v58  }
0xee: {  	[tilespmem:$0x3B0] =	vst v11;
	v29 =	vmin.u32 v26, $0x1FF;
	v16 =	vnsel vm10, $0x0, v30;
	v33 =	vadd.f32 $1.000000000e+00, v28  }
0xef: {  	[tilespmem:$0x4B0] =	vst v15;
	v7 =	vmin.u32 v7, $0x1FF;
	v10 =	vnsel vm11, $0x0, v10;
	v18 =	vadd.f32 $1.000000000e+00, v21  }
0xf0: {  	[tilespmem:$0x5B0] =	vst v19;
	v31 =	vmin.u32 v16, $0x1FF;
	v10 =	vmin.u32 v10, $0x1FF;
	v16 =	vmul.f32 $2.560000000e+02, v33  }
0xf1: {  	[tilespmem:$0x6B0] =	vst v34;
	v34 =	vsub.s32 v7, v29;
	v8 =	vcvt.s32.f32 v8;
	v32 =	vmul.f32 $2.560000000e+02, v18  }
0xf2: {  	[tilespmem:$0x3C0] =	vst v60;
	v35 =	vsub.s32 v10, v31;
	v39 =	vshll.u32 v10, $0x9;
	v38 =	vtrunc.f32 v16  }
0xf3: {  	[tilespmem:$0x5C0] =	vst v2;
	v2 =	vshll.u32 v31, $0x9;
	v15 =	vtrunc.f32 v32;
	v40 =	vcvt.f32.s32 v38  }
0xf4: {  	[tilespmem:$0x3D0] =	vst v1;
	v17 =	vmul.u32 v34, v35;
	v1 =	vor.u32 v0, v39;
	v36 =	vcvt.f32.s32 v15  }
0xf5: {  	[tilespmem:$0x4C0] =	vst v61;
	v2 =	vor.u32 v0, v2;
	v45 =	vor.u32 v7, v1;
	v43 =	vadd.s32 $0xFFFFFFF6, v40  }
0xf6: {  	[tilespmem:$0x6C0] =	vst v44;
	v10 =	vadd.s32 $0xA, v40;
	v41 =	vadd.s32 $0xFFFFFFF6, v36;
	v6 =	vadd.s32 $0xA, v36  }
0xf7: {  	[tilespmem:$0x2D0] =	vst v25;
	vm14 =	vgt.s32 v43, $0x0;
	vm15 =	vgt.s32 v10, $0x0;
	vm12 =	vgt.s32 v41, $0x0  }
0xf8: {  	[tilespmem:$0x4D0] =	vst v5;
	vm13 =	vgt.s32 v6, $0x0;
	v44 =	vnsel vm14, $0x0, v43;
	v10 =	vnsel vm15, $0x0, v10  }
0xf9: {  	[tilespmem:$0x5D0] =	vst v3;
	v42 =	vnsel vm12, $0x0, v41;
	v6 =	vnsel vm13, $0x0, v6;
	v46 =	vmin.u32 v44, $0x1FF  }
0xfa: {  	[tilespmem:$0x6D0] =	vst v8;
	v47 =	vmin.u32 v10, $0x1FF;
	v8 =	vmin.u32 v42, $0x1FF;
	v3 =	vmin.u32 v6, $0x1FF  }
0xfb: {  	v7 =	vor.u32 v7, v2;
	[tilespmem:$0x2E0] =	vst v45;
	v10 =	vsub.s32 v47, v46;
	v48 =	vsub.s32 v3, v8  }
0xfc: {  	v1 =	vor.u32 v29, v1;
	[tilespmem:$0x3E0] =	vst v7;
	v4 =	vmul.u32 v48, v10  }
0xfd: {  	v2 =	vor.u32 v29, v2;
	v37 =	vcvt.s32.f32 v17;
	[tilespmem:$0x4E0] =	vst v1  }
0xfe: {  	[tilespmem:$0x5E0] =	vst v2;
	v49 =	vshll.u32 v47, $0x9;
	v1 =	vcvt.s32.f32 v4  }
0xff: {  	[tilespmem:$0x6E0] =	vst v37;
	v2 =	vshll.u32 v46, $0x9;
	v4 =	vor.u32 v0, v49  }
0x100: {  	v2 =	vor.u32 v0, v2;
	[tilespmem:$0x6F0] =	vst v1;
	v1 =	vor.u32 v3, v4  }
0x101: {  	v3 =	vor.u32 v3, v2;
	[tilespmem:$0x2F0] =	vst v1  }
0x102: {  	v2 =	vor.u32 v8, v2;
	[tilespmem:$0x3F0] =	vst v3  }
0x103: {  	v1 =	vor.u32 v8, v4;
	[tilespmem:$0x5F0] =	vst v2  }
0x104: {  	[tilespmem:$0x4F0] =	vst v1  }
0x105: {  	[tilespmem:s20], [sflag:$0x1] =	stream.indirect.gather [hbm4b:s3+s10], $0x1, s19, s10, $0xb8;
	[tilespmem:$0xC00] =	vst v63  }
0x106: {  	_ = 	snop  }
0x107: {  	[tilespmem:s22], [sflag:$0x1] =	stream.indirect.gather [hbm4b:s3+s10], $0x1, s21, s10, $0xb8;
	[tilespmem:$0xC00] =	vst v63  }
0x108: {  	_ = 	snop  }
0x109: {  	[tilespmem:s24], [sflag:$0x1] =	stream.indirect.gather [hbm4b:s3+s10], $0x1, s23, s10, $0xb8;
	[tilespmem:$0xC00] =	vst v63  }
0x10a: {  	_ = 	snop  }
0x10b: {  	[tilespmem:s26], [sflag:$0x1] =	stream.indirect.gather [hbm4b:s3+s10], $0x1, s25, s10, $0xb8;
	[tilespmem:$0xC00] =	vst v63  }
0x10c: {  	_ =	swait.ge [sflag:s28], $0x80  }
0x10d: {  	[sflag:s28] =	ssyncset.done $0x0  }
0x10e: {  	[sflag:s28] =	ssyncadd.s32 $0xFFFFFF80  }
0x10f: {  	_ =	swait.ge [sflag:s28], $0x80  }
0x110: {  	[sflag:s28] =	ssyncset.done $0x0  }
0x111: {  	[sflag:s28] =	ssyncadd.s32 $0xFFFFFF80  }
0x112: {  	_ =	swait.ge [sflag:s28], $0x80  }
0x113: {  	[sflag:s28] =	ssyncset.done $0x0  }
0x114: {  	[sflag:s28] =	ssyncadd.s32 $0xFFFFFF80  }
0x115: {  	_ =	swait.ge [sflag:s28], $0x80  }
0x116: {  	[sflag:s28] =	ssyncset.done $0x0  }
0x117: {  	[sflag:s28] =	ssyncadd.s32 $0xFFFFFF80  }
0x118: {  	_ =	swait.ge [sflag:s28], $0x80  }
0x119: {  	[sflag:s28] =	ssyncset.done $0x0  }
0x11a: {  	[sflag:s28] =	ssyncadd.s32 $0xFFFFFF80  }
0x11b: {  	_ =	swait.ge [sflag:s28], $0x80  }
0x11c: {  	[sflag:s28] =	ssyncset.done $0x0  }
0x11d: {  	[sflag:s28] =	ssyncadd.s32 $0xFFFFFF80  }
0x11e: {  	_ =	swait.ge [sflag:s28], $0x80  }
0x11f: {  	[sflag:s28] =	ssyncset.done $0x0  }
0x120: {  	[sflag:s28] =	ssyncadd.s32 $0xFFFFFF80  }
0x121: {  	_ =	swait.ge [sflag:s28], $0x80  }
0x122: {  	[sflag:s28] =	ssyncset.done $0x0  }
0x123: {  	[sflag:s28] =	ssyncadd.s32 $0xFFFFFF80  }
0x124: {  	v1 =	vld [tilespmem:$0x700]  }
0x125: {  	v2 =	vld [tilespmem:$0x800]  }
0x126: {  	v3 =	vld [tilespmem:$0x900]  }
0x127: {  	v4 =	vld [tilespmem:$0xA00]  }
0x128: {  	v50 =	vld [tilespmem:$0x600]  }
0x129: {  	v6 =	vld [tilespmem:$0x710]  }
0x12a: {  	v7 =	vld [tilespmem:$0x810]  }
0x12b: {  	v8 =	vld [tilespmem:$0x910]  }
0x12c: {  	v9 =	vld [tilespmem:$0xA10]  }
0x12d: {  	v51 =	vld [tilespmem:$0x610]  }
0x12e: {  	v11 =	vld [tilespmem:$0x720]  }
0x12f: {  	v61 =	vld [tilespmem:$0x820]  }
0x130: {  	v13 =	vld [tilespmem:$0x920]  }
0x131: {  	v14 =	vld [tilespmem:$0xA20]  }
0x132: {  	v62 =	vld [tilespmem:$0x620]  }
0x133: {  	v16 =	vld [tilespmem:$0x730]  }
0x134: {  	v17 =	vld [tilespmem:$0x830]  }
0x135: {  	v18 =	vld [tilespmem:$0x930]  }
0x136: {  	v19 =	vld [tilespmem:$0xA30]  }
0x137: {  	v63 =	vld [tilespmem:$0x630]  }
0x138: {  	v52 =	vld [tilespmem:$0x740]  }
0x139: {  	v53 =	vld [tilespmem:$0x840]  }
0x13a: {  	v54 =	vld [tilespmem:$0x940]  }
0x13b: {  	v55 =	vld [tilespmem:$0xA40]  }
0x13c: {  	v56 =	vld [tilespmem:$0x640]  }
0x13d: {  	v57 =	vld [tilespmem:$0x750]  }
0x13e: {  	v58 =	vld [tilespmem:$0x850]  }
0x13f: {  	v59 =	vld [tilespmem:$0x950]  }
0x140: {  	v60 =	vld [tilespmem:$0xA50]  }
0x141: {  	v30 =	vld [tilespmem:$0x650]  }
0x142: {  	v31 =	vld [tilespmem:$0x760]  }
0x143: {  	v32 =	vld [tilespmem:$0x860]  }
0x144: {  	v33 =	vld [tilespmem:$0x960]  }
0x145: {  	v34 =	vld [tilespmem:$0xA60]  }
0x146: {  	v35 =	vld [tilespmem:$0x660]  }
0x147: {  	v36 =	vld [tilespmem:$0x770]  }
0x148: {  	v37 =	vld [tilespmem:$0x870]  }
0x149: {  	v38 =	vld [tilespmem:$0x970]  }
0x14a: {  	v39 =	vld [tilespmem:$0xA70]  }
0x14b: {  	v40 =	vld [tilespmem:$0x670]  }
0x14c: {  	v41 =	vld [tilespmem:$0x780]  }
0x14d: {  	v42 =	vld [tilespmem:$0x880]  }
0x14e: {  	v43 =	vld [tilespmem:$0x980]  }
0x14f: {  	v44 =	vld [tilespmem:$0xA80]  }
0x150: {  	v45 =	vld [tilespmem:$0x680]  }
0x151: {  	v5 =	vld [tilespmem:$0x790]  }
0x152: {  	v10 =	vld [tilespmem:$0x890]  }
0x153: {  	v46 =	vld [tilespmem:$0x990]  }
0x154: {  	v47 =	vld [tilespmem:$0xA90]  }
0x155: {  	v48 =	vld [tilespmem:$0x690]  }
0x156: {  	v12 =	vld [tilespmem:$0x8B0]  }
0x157: {  	v49 =	vld [tilespmem:$0x9B0];
	(erf) = vrcp.f32 v50  }
0x158: {  	v28 =	vld [tilespmem:$0x9C0];
	v1 =	vsub.f32 v1, v2;
	(erf) = vrcp.f32 v51  }
0x159: {  	v29 =	vld [tilespmem:$0xAC0];
	v2 =	vsub.f32 v6, v7;
	v61 =	vsub.f32 v11, v61  }
0x15a: {  	v6 =	vld [tilespmem:$0x7A0];
	v25 =	vsub.f32 v16, v17;
	v50 =	vsub.f32 v57, v58  }
0x15b: {  	v7 =	vld [tilespmem:$0x8A0];
	v58 =	vsub.f32 v36, v37;
	v5 =	vsub.f32 v5, v10  }
0x15c: {  	v11 =	vld [tilespmem:$0xAA0];
	v1 =	vsub.f32 v1, v3;
	v2 =	vsub.f32 v2, v8  }
0x15d: {  	v51 =	vld [tilespmem:$0xAB0];
	v8 =	vsub.f32 v61, v13;
	v16 =	vsub.f32 v50, v59  }
0x15e: {  	(erf) = vrcp.f32 v62;
	v3 =	vld [tilespmem:$0x9A0];
	v61 =	vsub.f32 v41, v42;
	v21 =	vsub.f32 v58, v38  }
0x15f: {  	v13 =	vld [tilespmem:$0x7B0];
	v5 =	vsub.f32 v5, v46;
	(erf) = vrcp.f32 v63;
	v1 =	vadd.f32 v4, v1  }
0x160: {  	v59 =	vld [tilespmem:$0x6C0];
	v2 =	vadd.f32 v9, v2;
	v8 =	vadd.f32 v14, v8;
	v62 =	vpop (erf);
	(erf) = vrcp.f32 v56  }
0x161: {  	v42 =	vld [tilespmem:$0x7E0];
	v4 =	vsub.f32 v25, v18;
	v16 =	vadd.f32 v60, v16;
	v20 =	vpop (erf);
	(erf) = vrcp.f32 v30  }
0x162: {  	v63 =	vld [tilespmem:$0x6A0];
	v22 =	vsub.f32 v61, v43;
	v21 =	vadd.f32 v39, v21  }
0x163: {  	v5 =	vadd.f32 v47, v5;
	v43 =	vld [tilespmem:$0x8E0];
	v30 =	vsub.f32 v52, v53  }
0x164: {  	v6 =	vsub.f32 v6, v7;
	v12 =	vsub.f32 v13, v12;
	v53 =	vld [tilespmem:$0x6B0];
	(erf) = vrcp.f32 v35  }
0x165: {  	v4 =	vadd.f32 v19, v4;
	v56 =	vld [tilespmem:$0x8C0];
	(erf) = vrcp.f32 v40;
	v14 =	vsub.f32 v30, v54  }
0x166: {  	v3 =	vsub.f32 v6, v3;
	v12 =	vsub.f32 v12, v49;
	v49 =	vld [tilespmem:$0x9E0];
	(erf) = vrcp.f32 v45  }
0x167: {  	v52 =	vsub.f32 v31, v32;
	v31 =	vld [tilespmem:$0x7D0];
	(erf) = vrcp.f32 v48;
	v14 =	vadd.f32 v55, v14;
	v55 =	vpop (erf)  }
0x168: {  	v22 =	vadd.f32 v44, v22;
	v1 =	vmul.f32 v62, v1;
	v54 =	vld [tilespmem:$0x7C0];
	(erf) = vrcp.f32 v63;
	v57 =	vpop (erf)  }
0x169: {  	v3 =	vadd.f32 v11, v3;
	v18 =	vsub.f32 v52, v33;
	v33 =	vld [tilespmem:$0x8D0];
	v60 =	vpop (erf);
	(erf) = vrcp.f32 v53  }
0x16a: {  	v37 =	vld [tilespmem:$0xAD0];
	v2 =	vmul.f32 v20, v2;
	v1 =	vmax.f32 v1, $0.0e+00;
	v63 =	vpop (erf);
	(erf) = vrcp.f32 v59  }
0x16b: {  	v10 =	vsub.f32 v42, v43;
	v35 =	vld [tilespmem:$0x9D0];
	v12 =	vadd.f32 v51, v12;
	v1 =	vmin.f32 v1, $1.000000000e+00  }
0x16c: {  	v62 =	vld [tilespmem:$0x6D0];
	v2 =	vmax.f32 v2, $0.0e+00;
	v18 =	vadd.f32 v34, v18;
	v8 =	vmul.f32 v55, v8  }
0x16d: {  	v39 =	vld [tilespmem:$0x6E0];
	v2 =	vmin.f32 v2, $1.000000000e+00;
	v4 =	vmul.f32 v57, v4;
	v57 =	vsub.f32 v10, v49;
	v30 =	vpop (erf)  }
0x16e: {  	v40 =	vld [tilespmem:$0x6F0];
	v9 =	vsub.f32 v54, v56;
	v41 =	vsub.f32 v31, v33;
	v8 =	vmax.f32 v8, $0.0e+00;
	v32 =	vpop (erf)  }
0x16f: {  	[tilespmem:$0xB00] =	vst v1;
	v54 =	vld [tilespmem:$0xAE0];
	v8 =	vmin.f32 v8, $1.000000000e+00;
	v1 =	vmax.f32 v4, $0.0e+00;
	v14 =	vmul.f32 v60, v14;
	v34 =	vpop (erf)  }
0x170: {  	v47 =	vld [tilespmem:$0x8F0];
	v9 =	vsub.f32 v9, v28;
	v13 =	vsub.f32 v41, v35;
	v16 =	vmul.f32 v63, v16;
	v36 =	vpop (erf)  }
0x171: {  	v44 =	vld [tilespmem:$0x7F0];
	v1 =	vmin.f32 v1, $1.000000000e+00;
	(erf) = vrcp.f32 v62;
	v18 =	vmul.f32 v30, v18;
	v38 =	vpop (erf)  }
0x172: {  	v45 =	vadd.f32 v29, v9;
	v11 =	vadd.f32 v37, v13;
	v46 =	vpop (erf);
	(erf) = vrcp.f32 v39  }
0x173: {  	v52 =	vld [tilespmem:$0x9F0];
	[tilespmem:$0xB10] =	vst v2;
	v51 =	vmax.f32 v14, $0.0e+00;
	v6 =	vmul.f32 v32, v21;
	v48 =	vpop (erf);
	(erf) = vrcp.f32 v40  }
0x174: {  	[tilespmem:$0xB30] =	vst v1;
	v1 =	vmin.f32 v51, $1.000000000e+00;
	v53 =	vmax.f32 v16, $0.0e+00;
	v60 =	vadd.f32 v54, v57  }
0x175: {  	v56 =	vld [tilespmem:$0xAF0];
	v22 =	vmul.f32 v34, v22;
	[tilespmem:$0xB40] =	vst v1;
	v1 =	vmin.f32 v53, $1.000000000e+00;
	v55 =	vmax.f32 v18, $0.0e+00  }
0x176: {  	v5 =	vmul.f32 v36, v5;
	[tilespmem:$0xB50] =	vst v1;
	v1 =	vsub.f32 v44, v47;
	v6 =	vmax.f32 v6, $0.0e+00  }
0x177: {  	[tilespmem:$0xB20] =	vst v8;
	v8 =	vmin.f32 v55, $1.000000000e+00;
	v3 =	vmul.f32 v38, v3;
	v6 =	vmin.f32 v6, $1.000000000e+00  }
0x178: {  	[tilespmem:$0xB60] =	vst v8;
	v58 =	vmax.f32 v22, $0.0e+00;
	v1 =	vsub.f32 v1, v52;
	v5 =	vmax.f32 v5, $0.0e+00  }
0x179: {  	[tilespmem:$0xB70] =	vst v6;
	v59 =	vmin.f32 v58, $1.000000000e+00;
	v5 =	vmin.f32 v5, $1.000000000e+00;
	v2 =	vmul.f32 v46, v12  }
0x17a: {  	[tilespmem:$0xB80] =	vst v59;
	v3 =	vmax.f32 v3, $0.0e+00;
	v1 =	vadd.f32 v56, v1;
	v50 =	vpop (erf);
	v4 =	vmul.f32 v48, v45  }
0x17b: {  	[tilespmem:$0xB90] =	vst v5;
	v3 =	vmin.f32 v3, $1.000000000e+00;
	v11 =	vmul.f32 v50, v11;
	v2 =	vmax.f32 v2, $0.0e+00;
	v61 =	vpop (erf)  }
0x17c: {  	[tilespmem:$0xBA0] =	vst v3;
	v2 =	vmin.f32 v2, $1.000000000e+00;
	v3 =	vmax.f32 v4, $0.0e+00;
	v62 =	vmul.f32 v61, v60;
	v63 =	vpop (erf)  }
0x17d: {  	[tilespmem:$0xBB0] =	vst v2;
	v2 =	vmin.f32 v3, $1.000000000e+00;
	v3 =	vmax.f32 v11, $0.0e+00;
	v1 =	vmul.f32 v63, v1  }
0x17e: {  	[tilespmem:$0xBC0] =	vst v2;
	v2 =	vmin.f32 v3, $1.000000000e+00;
	v3 =	vmax.f32 v62, $0.0e+00  }
0x17f: {  	[tilespmem:$0xBD0] =	vst v2;
	v2 =	vmin.f32 v3, $1.000000000e+00;
	v1 =	vmax.f32 v1, $0.0e+00  }
0x180: {  	p0 =	sne.s32 s7, $0x1;
	[tilespmem:$0xBE0] =	vst v2;
	v1 =	vmin.f32 v1, $1.000000000e+00  }
.Ltmp0:
0x181: {  	[tilespmem:$0xBF0] =	vst v1;
	(pc) =	sbr.rel @p0 .LBB2_1-.Ltmp0, $4  }
0x182: {  	[hbm4b:s6+s10] =	stream.strided.scatter [tilespmem:s29], [sflag:$0x2], $0x100, s15, s10, $0x38;
	[tilespmem:$0xC00] =	vst v63  }
0x183: {  	_ =	swait.ge [sflag:s8], $0x100  }
0x184: {  	[sflag:s8] =	ssyncset.done $0x0  }
0x185: {  	s7 =	sadd.s32 $0xFFFFFFFF, s7;
	[sflag:s8] =	ssyncadd.s32 $0xFFFFFF00  }
0x186: {  	_ =	sfence.sel $0x180000  }
0x187: {  	[bflag:$0x0] =	sbarrier.arrive $0xFFFF  }
0x188: {  	p0 =	sne.s32 s1, $0x0;
	_ =	strace $0x90000047  }
0x189: {  	s0 =	sadd.s32 @!p0 $0x100000, s0;
	[bflag:$0x2] =	sbarrier.arrive $0xFFFF  }
0x18a: {  	[sflag:s0] =	ssyncadd.tile.s32 @!p0 $0x1;
	_ =	shalt  }
.Lfunc_end2:
_tile_overlayer_lowered:
.L_overlay_start_2:
0x18b: {  	(tag) =	ssettag $0x2  }
0x18c: {  	s0 =	rddreg [dreg:$0x0];
	s2 =	stileid.u32  }
0x18d: {  	s1 =	rddreg [dreg:$0x1];
	p0 =	sne.s32 s2, $0x0  }
0x18e: {  	s3 =	rddreg [dreg:$0x2];
	[bflag:$0x3] =	sbarrier.arrive $0xFFFF;
	s2 =	simm.s32 @!p0 $0x1C02  }
0x18f: {  	[timem:s3], [sflag:s2] =	dma.local @!p0 [hbm:s0], s1  }
0x190: {  	s0 =	simm.s32 @!p0 $0x2  }
0x191: {  	_ =	swait.ge @!p0 [sflag:s0], s1  }
0x192: {  	s1 =	ssub.s32 @!p0 $0x0, s1;
	[sflag:s0] =	ssyncset.done @!p0 $0x0  }
0x193: {  	[sflag:s0] =	ssyncadd.s32 @!p0 s1  }
0x194: {  	[bflag:$0x3] =	sbarrier.arrive $0xFFFF  }
0x195: {  	_ =	shalt  }

</sc_bundles>
